<compile_context>
chip_gen: v7x
topology: tpu7x:2x2x1
jax: 0.10.2.dev20260603
libtpu: 0.0.44.dev20260713+nightly
codegen_flags: <defaults>
</compile_context>

<pallas_src>
import functools

import jax
import jax.numpy as jnp
from jax import lax
from jax.experimental import pallas as pl
from jax.experimental.pallas import tpu as pltpu
from jax.experimental.pallas import tpu_sc as plsc

EPSK = 1e-7
INFK = 100000.0
PP = 20480
GP = 56
CH = 2560
NCH = PP // CH
TOPK = 10
NEG = -3.4e38


def _build_kernel(decT_ref, pr_ref, tgt_ref, out_ref, *, G):
    dec = decT_ref[0]
    pr = pr_ref[...]
    tgt = tgt_ref[0]
    gx1 = tgt[:, 0:1]
    gy1 = tgt[:, 1:2]
    gx2 = tgt[:, 2:3]
    gy2 = tgt[:, 3:4]
    gcx = (gx1 + gx2) * 0.5
    gcy = (gy1 + gy2) * 0.5
    ga = jnp.maximum(gx2 - gx1, 0.0) * jnp.maximum(gy2 - gy1, 0.0)
    gi = lax.broadcasted_iota(jnp.int32, (GP, 1), 0)
    gmask = gi < G
    sc = dec[0:1]
    bx1 = dec[1:2]
    by1 = dec[2:3]
    bx2 = dec[3:4]
    by2 = dec[4:5]
    px = pr[0:1] + pr[2:3] * 0.5
    py = pr[1:2] + pr[3:4] * 0.5
    sx = pr[2:3]
    sy = pr[3:4]
    in_gt = (px > gx1) & (py > gy1) & (px < gx2) & (py < gy2)
    in_ct = ((px > gcx - 2.5 * sx) & (py > gcy - 2.5 * sy)
             & (px < gcx + 2.5 * sx) & (py < gcy + 2.5 * sy))
    vi = jnp.where(in_gt | in_ct, 1.0, 0.0)
    valid_c = jnp.max(vi, axis=0, keepdims=True) > 0.0
    iw = jnp.maximum(jnp.minimum(bx2, gx2) - jnp.maximum(bx1, gx1), 0.0)
    ih = jnp.maximum(jnp.minimum(by2, gy2) - jnp.maximum(by1, gy1), 0.0)
    inter = iw * ih
    a1 = jnp.maximum(bx2 - bx1, 0.0) * jnp.maximum(by2 - by1, 0.0)
    union = a1 + ga - inter
    iou = inter / jnp.maximum(union, EPSK)
    icost = -jnp.log(iou + EPSK)
    sq = jnp.sqrt(jnp.clip(sc, EPSK, 1.0))
    cls = -jnp.log(jnp.clip(sq, EPSK, 1.0))
    cost = cls + 3.0 * icost + jnp.where(in_gt & in_ct, 0.0, INFK)
    cost = jnp.where(valid_c, cost, 1e10)
    cost = jnp.where(gmask, cost, 1e30)
    ioum = jnp.where(valid_c, iou, 0.0)
    ioum = jnp.where(gmask, ioum, -1.0)
    out_ref[0, 0] = cost
    out_ref[0, 1] = ioum


def _build(decT, prT, tgt, B):
    return pl.pallas_call(
        functools.partial(_build_kernel, G=50),
        grid=(B, NCH),
        in_specs=[
            pl.BlockSpec((1, 8, CH), lambda n, c: (n, 0, c)),
            pl.BlockSpec((8, CH), lambda n, c: (0, c)),
            pl.BlockSpec((1, GP, 128), lambda n, c: (n, 0, 0)),
        ],
        out_specs=pl.BlockSpec((1, 2, GP, CH), lambda n, c: (n, 0, 0, c)),
        out_shape=jax.ShapeDtypeStruct((B, 2, GP, PP), jnp.float32),
        compiler_params=pltpu.CompilerParams(
            dimension_semantics=("arbitrary", "arbitrary")),
    )(decT, prT, tgt)


def _select_sc(costiou, B, G):
    NTASK = B * 2 * G
    info = plsc.get_sparse_core_info()
    NC = info.num_cores
    NS = info.num_subcores
    NW = NC * NS
    per_w = NTASK // NW
    assert per_w * NW == NTASK
    NGRP = PP // 128

    mesh = plsc.VectorSubcoreMesh(core_axis_name="c", subcore_axis_name="s")
    gdn = lax.GatherDimensionNumbers(
        offset_dims=(), collapsed_slice_dims=(0,), start_index_map=(0,))

    @functools.partial(
        pl.kernel, mesh=mesh,
        out_type=jax.ShapeDtypeStruct((B, 2, GP, 16), jnp.float32),
        compiler_params=pltpu.CompilerParams(needs_layout_passes=False),
        scratch_types=[
            pltpu.VMEM((PP,), jnp.float32),
            pltpu.VMEM((16,), jnp.float32),
        ],
    )
    def sel(src_hbm, out_hbm, col_v, res_v):
        wid = lax.axis_index("s") * NC + lax.axis_index("c")
        idx6 = jnp.full((16, 1), 6, jnp.int32)

        def splat6(v):
            return lax.gather(v, idx6, gdn, (1,),
                              mode=lax.GatherScatterMode.PROMISE_IN_BOUNDS)

        def any_gt(k, thrv):
            return jnp.max(jnp.where(k > thrv, 1.0, 0.0)) > 0.0

        def merge(T, k):
            ks = jnp.sort(k)
            rk = lax.rev(ks, (0,))
            return jnp.sort(jnp.maximum(T, rk))

        def task_body(i, _):
            tau = wid * per_w + i
            b = tau // (2 * G)
            rr = tau % (2 * G)
            m = rr // G
            g = rr % G
            pltpu.sync_copy(src_hbm.at[b, m, g], col_v)
            sgn = jnp.where(m == 0, jnp.float32(-1.0), jnp.float32(1.0))

            def gbody(j, carry):
                T, thrv = carry
                base = pl.multiple_of(j * 128, 128)
                ks = [col_v[pl.ds(base + q * 16, 16)] * sgn
                      for q in range(8)]
                gm = ks[0]
                for q in range(1, 8):
                    gm = jnp.maximum(gm, ks[q])

                def hit(c):
                    T0, thrv0 = c
                    Tn = T0
                    for q in range(8):
                        Tn = lax.cond(any_gt(ks[q], thrv0),
                                      lambda t, kq=ks[q]: merge(t, kq),
                                      lambda t: t, Tn)
                    return Tn, splat6(Tn)

                return lax.cond(any_gt(gm, thrv), hit, lambda c: c, (T, thrv))

            T0 = jnp.full((16,), NEG, jnp.float32)
            thrv0 = jnp.full((16,), NEG, jnp.float32)
            T, _ = lax.fori_loop(0, NGRP, gbody, (T0, thrv0))
            res_v[...] = sgn * lax.rev(T, (0,))
            pltpu.sync_copy(res_v, out_hbm.at[b, m, g])
            return 0

        lax.fori_loop(0, per_w, task_body, 0)

    return sel(costiou)


def _fin_kernel(decT_ref, predT_ref, tgt_ref, ci_ref, ii_ref, top_ref,
                out_ref, *, G, P_REAL, NIMG):
    n = pl.program_id(0)
    dec = decT_ref[0]
    tgt = tgt_ref[0]
    gx1 = tgt[:, 0:1]
    gy1 = tgt[:, 1:2]
    gx2 = tgt[:, 2:3]
    gy2 = tgt[:, 3:4]
    gi = lax.broadcasted_iota(jnp.int32, (GP, 1), 0)
    liF = lax.broadcasted_iota(jnp.int32, (1, PP), 1)
    top = top_ref[0]
    ctop = top[0]
    itop = top[1]
    ksum = jnp.zeros((GP, 1), jnp.float32)
    for t in range(TOPK):
        ksum = ksum + jnp.maximum(itop[:, t:t + 1], 0.0)
    dyn_ks = jnp.maximum(ksum.astype(jnp.int32), 1)
    thresh = jnp.zeros((GP, 1), jnp.float32)
    for t in range(TOPK):
        thresh = thresh + jnp.where(dyn_ks == t + 1, ctop[:, t:t + 1], 0.0)

    f_sum = jnp.float32(0.0)
    e_sum = jnp.float32(0.0)
    npos = jnp.float32(0.0)
    for c in range(NCH):
        s = c * CH
        li = liF[:, s:s + CH]
        C = ci_ref[0, 0, :, s:s + CH]
        I = ii_ref[0, 0, :, s:s + CH]
        M = jnp.where((C <= thresh) & (C < 1e10), 1.0, 0.0)
        mc = jnp.sum(M, axis=0, keepdims=True)
        cmin = jnp.min(C, axis=0, keepdims=True)
        gstar = jnp.min(jnp.where(C == cmin, gi, 1 << 30),
                        axis=0, keepdims=True)
        multi = mc > 1.5
        onehot = jnp.where(gi == gstar, 1.0, 0.0)
        Mf = jnp.where(multi, onehot, M)
        fg = mc > 0.5
        fgf = jnp.where(fg, 1.0, 0.0)
        conf = jnp.sum(Mf * I, axis=0, keepdims=True)
        conf = jnp.where(fg, conf, 0.0)
        tx1 = jnp.sum(Mf * gx1, axis=0, keepdims=True)
        ty1 = jnp.sum(Mf * gy1, axis=0, keepdims=True)
        tx2 = jnp.sum(Mf * gx2, axis=0, keepdims=True)
        ty2 = jnp.sum(Mf * gy2, axis=0, keepdims=True)
        l = predT_ref[0][0:1, s:s + CH]
        real = li < P_REAL
        e = jnp.exp(-jnp.abs(l))
        ce = jnp.maximum(l, 0.0) - l * conf + jnp.log(1.0 + e)
        p = jnp.where(l >= 0.0, 1.0 / (1.0 + e), e / (1.0 + e))
        p_t = p * conf + (1.0 - p) * (1.0 - conf)
        a_t = 0.25 * conf + 0.75 * (1.0 - conf)
        om = 1.0 - p_t
        fterm = a_t * om * om * ce
        f_sum = f_sum + jnp.sum(jnp.where(real, fterm, 0.0))
        bx1 = dec[1:2, s:s + CH]
        by1 = dec[2:3, s:s + CH]
        bx2 = dec[3:4, s:s + CH]
        by2 = dec[4:5, s:s + CH]
        iw = jnp.maximum(jnp.minimum(bx2, tx2) - jnp.maximum(bx1, tx1), 0.0)
        ih = jnp.maximum(jnp.minimum(by2, ty2) - jnp.maximum(by1, ty1), 0.0)
        inter = iw * ih
        ap_ = jnp.maximum(bx2 - bx1, 0.0) * jnp.maximum(by2 - by1, 0.0)
        at_ = jnp.maximum(tx2 - tx1, 0.0) * jnp.maximum(ty2 - ty1, 0.0)
        union = ap_ + at_ - inter
        iou_e = inter / (union + EPSK)
        cw = jnp.maximum(bx2, tx2) - jnp.minimum(bx1, tx1)
        chh = jnp.maximum(by2, ty2) - jnp.minimum(by1, ty1)
        c2 = cw * cw + chh * chh + EPSK
        dx = (bx1 + bx2) * 0.5 - (tx1 + tx2) * 0.5
        dy = (by1 + by2) * 0.5 - (ty1 + ty2) * 0.5
        rho2 = dx * dx + dy * dy
        dw = (bx2 - bx1) - (tx2 - tx1)
        dh = (by2 - by1) - (ty2 - ty1)
        elem = (1.0 - iou_e + rho2 / c2
                + dw * dw / (cw * cw + EPSK) + dh * dh / (chh * chh + EPSK))
        e_sum = e_sum + jnp.sum(elem * fgf)
        npos = npos + jnp.sum(fgf)

    cl = f_sum / P_REAL
    bl = jnp.where(npos > 0.0, e_sum / jnp.maximum(npos, 1.0), 0.0)
    loss_n = (cl + 5.0 * bl) / NIMG

    @pl.when(n == 0)
    def _():
        out_ref[...] = jnp.zeros_like(out_ref)

    out_ref[...] = out_ref[...] + loss_n * jnp.ones((8, 128), jnp.float32)


def kernel(predictions, priors, decoded_bboxes, targets):
    B, P, _ = predictions.shape
    G = targets.shape[1]
    decT = jnp.transpose(decoded_bboxes, (0, 2, 1))
    decT = jnp.pad(decT, ((0, 0), (0, 3), (0, PP - P)))
    prT = jnp.transpose(priors, (1, 0))
    prT = jnp.pad(prT, ((0, 4), (0, PP - P)))
    prT = prT.at[0:2, P:].set(-1e7)
    prT = prT.at[2:4, P:].set(1.0)
    predT = jnp.transpose(predictions, (0, 2, 1))
    predT = jnp.pad(predT, ((0, 0), (0, 7), (0, PP - P)))
    tgt = jnp.pad(targets, ((0, 0), (0, GP - G), (0, 128 - 4)),
                  constant_values=-1e6)
    costiou = _build(decT, prT, tgt, B)
    top = _select_sc(costiou, B, G)
    out = pl.pallas_call(
        functools.partial(_fin_kernel, G=G, P_REAL=P, NIMG=B),
        grid=(B,),
        in_specs=[
            pl.BlockSpec((1, 8, PP), lambda n: (n, 0, 0)),
            pl.BlockSpec((1, 8, PP), lambda n: (n, 0, 0)),
            pl.BlockSpec((1, GP, 128), lambda n: (n, 0, 0)),
            pl.BlockSpec((1, 1, GP, PP), lambda n: (n, 0, 0, 0)),
            pl.BlockSpec((1, 1, GP, PP), lambda n: (n, 1, 0, 0)),
            pl.BlockSpec((1, 2, GP, 16), lambda n: (n, 0, 0, 0)),
        ],
        out_specs=pl.BlockSpec((8, 128), lambda n: (0, 0)),
        out_shape=jax.ShapeDtypeStruct((8, 128), jnp.float32),
        compiler_params=pltpu.CompilerParams(
            dimension_semantics=("arbitrary",)),
    )(decT, predT, tgt, costiou, costiou, top)
    return out[0, 0]

# --- scband reference (transcript-rebuilt; emitter-appended) ---
"""Pipeline reference for scband-single-class-detection-loss-57827439673621 (READ-ONLY COPY).

The authoritative reference and input builder live on the scoring server;
editing this copy changes nothing except your own understanding.
"""

import jax, jax.numpy as jnp
import numpy as np

EPS = 1e-7
INF = 100000.0
BBOX_LOSS_SCALE = 5.0
B, P, G = 8, 20000, 50
IMG = 640.0


def setup_inputs(seed: int = 0):
    key = jax.random.key(seed)
    ks = jax.random.split(key, 12)
    px = jax.random.uniform(ks[0], (P,), minval=0.0, maxval=IMG - 32.0)
    py = jax.random.uniform(ks[1], (P,), minval=0.0, maxval=IMG - 32.0)
    stride = jnp.take(jnp.array([8.0, 16.0, 32.0]), jax.random.randint(ks[2], (P,), 0, 3))
    priors = jnp.stack([px, py, stride, stride], axis=1)
    cx = px + stride * 0.5
    cy = py + stride * 0.5
    w = jax.random.uniform(ks[3], (B, P), minval=8.0, maxval=128.0)
    h = jax.random.uniform(ks[4], (B, P), minval=8.0, maxval=128.0)
    jit = jax.random.normal(ks[5], (B, 2, P)) * 8.0
    bx = cx[None, :] + jit[:, 0]
    by = cy[None, :] + jit[:, 1]
    score = jax.random.uniform(ks[6], (B, P), minval=1e-3, maxval=1.0)
    decoded = jnp.stack([score, bx - w / 2, by - h / 2, bx + w / 2, by + h / 2], axis=2)
    tw = jax.random.uniform(ks[7], (B, G), minval=32.0, maxval=256.0)
    th = jax.random.uniform(ks[8], (B, G), minval=32.0, maxval=256.0)
    tcx = jax.random.uniform(ks[9], (B, G), minval=64.0, maxval=IMG - 64.0)
    tcy = jax.random.uniform(ks[10], (B, G), minval=64.0, maxval=IMG - 64.0)
    targets = jnp.stack([tcx - tw / 2, tcy - th / 2, tcx + tw / 2, tcy + th / 2], axis=2)
    predictions = jax.random.normal(ks[11], (B, P, 1))
    return {"predictions": predictions, "priors": priors, "decoded_bboxes": decoded, "targets": targets}


def bbox_overlaps_np(b1, b2):
    lt = np.maximum(b1[:, None, :2], b2[None, :, :2])
    rb = np.minimum(b1[:, None, 2:], b2[None, :, 2:])
    wh = np.clip(rb - lt, 0.0, None)
    inter = wh[..., 0] * wh[..., 1]
    a1 = np.clip(b1[:, 2] - b1[:, 0], 0.0, None) * np.clip(b1[:, 3] - b1[:, 1], 0.0, None)
    a2 = np.clip(b2[:, 2] - b2[:, 0], 0.0, None) * np.clip(b2[:, 3] - b2[:, 1], 0.0, None)
    union = a1[:, None] + a2[None, :] - inter
    return inter / np.maximum(union, EPS)


def bbox_overlaps_jnp(b1, b2):
    lt = jnp.maximum(b1[:, None, :2], b2[None, :, :2])
    rb = jnp.minimum(b1[:, None, 2:], b2[None, :, 2:])
    wh = jnp.clip(rb - lt, 0.0, None)
    inter = wh[..., 0] * wh[..., 1]
    a1 = jnp.clip(b1[:, 2] - b1[:, 0], 0.0, None) * jnp.clip(b1[:, 3] - b1[:, 1], 0.0, None)
    a2 = jnp.clip(b2[:, 2] - b2[:, 0], 0.0, None) * jnp.clip(b2[:, 3] - b2[:, 1], 0.0, None)
    union = a1[:, None] + a2[None, :] - inter
    return inter / jnp.maximum(union, EPS)


def simota_assign_np(pred_scores, priors, decoded_bboxes, gt_bboxes):
    center_radius, candidate_topk, iou_weight, cls_weight = 2.5, 10, 3.0, 1.0
    num_gt = gt_bboxes.shape[0]
    nb = decoded_bboxes.shape[0]
    assigned = np.zeros(nb, np.int64)
    max_ov = np.full(nb, -INF, np.float32)
    px, py = priors[:, 0:1], priors[:, 1:2]
    sx, sy = priors[:, 2:3], priors[:, 3:4]
    in_gt = (px > gt_bboxes[None, :, 0]) & (py > gt_bboxes[None, :, 1]) & (px < gt_bboxes[None, :, 2]) & (py < gt_bboxes[None, :, 3])
    gcx = (gt_bboxes[:, 0] + gt_bboxes[:, 2]) / 2.0
    gcy = (gt_bboxes[:, 1] + gt_bboxes[:, 3]) / 2.0
    in_ct = (px > gcx[None, :] - center_radius * sx) & (py > gcy[None, :] - center_radius * sy) & (px < gcx[None, :] + center_radius * sx) & (py < gcy[None, :] + center_radius * sy)
    valid = in_gt.any(1) | in_ct.any(1)
    if num_gt == 0 or not valid.any():
        return assigned, max_ov
    in_both = in_gt[valid] & in_ct[valid]
    vdec = decoded_bboxes[valid]
    vscore = pred_scores[valid].astype(np.float32)
    ious = bbox_overlaps_np(vdec, gt_bboxes)
    iou_cost = -np.log(ious + EPS)
    s = np.sqrt(np.clip(vscore, EPS, 1.0))
    cls_cost = np.repeat(-np.log(np.clip(s, EPS, 1.0)), num_gt, axis=1)
    cost = cls_cost * cls_weight + iou_cost * iou_weight + (~in_both).astype(np.float32) * INF
    nv = ious.shape[0]
    topk = min(candidate_topk, nv)
    topk_ious = -np.sort(-ious, axis=0)[:topk]
    dyn_ks = np.clip(topk_ious.sum(0).astype(np.int64), 1, None)
    matching = np.zeros_like(cost)
    for g in range(num_gt):
        idx = np.argsort(cost[:, g], kind="stable")[: int(dyn_ks[g])]
        matching[idx, g] = 1.0
    multi = matching.sum(1) > 1
    if multi.any():
        argmin = np.argmin(cost[multi, :], axis=1)
        matching[multi, :] = 0.0
        matching[np.nonzero(multi)[0], argmin] = 1.0
    fg = matching.sum(1) > 0
    vidx = np.nonzero(valid)[0]
    fgidx = vidx[fg]
    assigned[fgidx] = matching[fg].argmax(1) + 1
    max_ov[fgidx] = (matching * ious).sum(1)[fg].astype(np.float32)
    return assigned, max_ov


def simota_assign(pred_scores, priors, decoded_bboxes, gt_bboxes):
    center_radius, candidate_topk, iou_weight, cls_weight = 2.5, 10, 3.0, 1.0
    num_gt = gt_bboxes.shape[0]
    px, py = priors[:, 0:1], priors[:, 1:2]
    sx, sy = priors[:, 2:3], priors[:, 3:4]
    in_gt = (px > gt_bboxes[None, :, 0]) & (py > gt_bboxes[None, :, 1]) & (px < gt_bboxes[None, :, 2]) & (py < gt_bboxes[None, :, 3])
    gcx = (gt_bboxes[:, 0] + gt_bboxes[:, 2]) / 2.0
    gcy = (gt_bboxes[:, 1] + gt_bboxes[:, 3]) / 2.0
    in_ct = (px > gcx[None, :] - center_radius * sx) & (py > gcy[None, :] - center_radius * sy) & (px < gcx[None, :] + center_radius * sx) & (py < gcy[None, :] + center_radius * sy)
    valid = in_gt.any(1) | in_ct.any(1)
    in_both = in_gt & in_ct
    ious = bbox_overlaps_jnp(decoded_bboxes, gt_bboxes)
    iou_cost = -jnp.log(ious + EPS)
    vscore = pred_scores.astype(jnp.float32)
    s = jnp.sqrt(jnp.clip(vscore, EPS, 1.0))
    cls_cost = -jnp.log(jnp.clip(s, EPS, 1.0))
    cost = cls_cost * cls_weight + iou_cost * iou_weight + (~in_both).astype(jnp.float32) * INF
    cost = jnp.where(valid[:, None], cost, jnp.asarray(INF * INF, cost.dtype))
    ious_m = jnp.where(valid[:, None], ious, jnp.asarray(0.0, ious.dtype))
    topk_ious = -jnp.sort(-ious_m, axis=0)[:candidate_topk]
    dyn_ks = jnp.clip(topk_ious.sum(0).astype(jnp.int32), 1, None)
    order = jnp.argsort(cost, axis=0)[:candidate_topk]
    sel = (jnp.arange(candidate_topk)[:, None] < dyn_ks[None, :]).astype(cost.dtype)
    matching = jnp.zeros_like(cost).at[order, jnp.arange(num_gt)[None, :]].set(sel)
    matching = matching * valid[:, None].astype(cost.dtype)
    multi = matching.sum(1) > 1
    onehot = (jnp.argmin(cost, axis=1)[:, None] == jnp.arange(num_gt)[None, :]).astype(cost.dtype)
    matching = jnp.where(multi[:, None], onehot, matching)
    fg = matching.sum(1) > 0
    assigned = jnp.where(fg, matching.argmax(1) + 1, 0)
    max_ov = jnp.where(fg, (matching * ious).sum(1).astype(jnp.float32), jnp.float32(-INF))
    return assigned, max_ov


def focal_loss(logits, targets, alpha=0.25, gamma=2.0):
    p = jax.nn.sigmoid(logits)
    ce = jnp.maximum(logits, 0.0) - logits * targets + jnp.log1p(jnp.exp(-jnp.abs(logits)))
    p_t = p * targets + (1.0 - p) * (1.0 - targets)
    a_t = alpha * targets + (1.0 - alpha) * (1.0 - targets)
    return jnp.mean(a_t * jnp.power(1.0 - p_t, gamma) * ce)


def eiou_loss_terms(pred, target, eps=1e-7):
    lt = jnp.maximum(pred[:, :2], target[:, :2])
    rb = jnp.minimum(pred[:, 2:], target[:, 2:])
    wh = jnp.maximum(rb - lt, 0.0)
    inter = wh[:, 0] * wh[:, 1]
    ap = jnp.maximum(pred[:, 2] - pred[:, 0], 0.0) * jnp.maximum(pred[:, 3] - pred[:, 1], 0.0)
    at = jnp.maximum(target[:, 2] - target[:, 0], 0.0) * jnp.maximum(target[:, 3] - target[:, 1], 0.0)
    union = ap + at - inter
    iou = inter / (union + eps)
    clt = jnp.minimum(pred[:, :2], target[:, :2])
    crb = jnp.maximum(pred[:, 2:], target[:, 2:])
    cw = crb[:, 0] - clt[:, 0]
    ch = crb[:, 1] - clt[:, 1]
    c2 = cw * cw + ch * ch + eps
    pcx = (pred[:, 0] + pred[:, 2]) / 2.0
    pcy = (pred[:, 1] + pred[:, 3]) / 2.0
    tcx = (target[:, 0] + target[:, 2]) / 2.0
    tcy = (target[:, 1] + target[:, 3]) / 2.0
    rho2 = (pcx - tcx) ** 2 + (pcy - tcy) ** 2
    pw = pred[:, 2] - pred[:, 0]
    ph = pred[:, 3] - pred[:, 1]
    tw = target[:, 2] - target[:, 0]
    th = target[:, 3] - target[:, 1]
    loss = 1.0 - iou + rho2 / c2 + (pw - tw) ** 2 / (cw * cw + eps) + (ph - th) ** 2 / (ch * ch + eps)
    return loss


def eiou_loss(pred, target, eps=1e-7):
    return jnp.mean(eiou_loss_terms(pred, target, eps))


def reference(predictions, priors, decoded_bboxes, targets):
    ap = jnp.stack([priors[:, 0] + priors[:, 2] * 0.5, priors[:, 1] + priors[:, 3] * 0.5, priors[:, 2], priors[:, 3]], axis=1)
    n_img = predictions.shape[0]
    total = jnp.float32(0.0)
    for n in range(n_img):
        dec = decoded_bboxes[n]
        tgt = targets[n]
        assigned, max_ov = simota_assign(dec[:, 0:1], ap, dec[:, 1:], tgt)
        fg = assigned > 0
        conf_t = jnp.where(fg, max_ov, jnp.float32(0.0)).astype(jnp.float32)
        cl = focal_loss(predictions[n][:, 0], conf_t)
        gidx = jnp.clip(assigned - 1, 0, None)
        elem = eiou_loss_terms(dec[:, 1:], tgt[gidx, :])
        fgf = fg.astype(elem.dtype)
        npos = jnp.sum(fgf)
        bl = jnp.where(npos > 0, jnp.sum(elem * fgf) / jnp.maximum(npos, 1.0), jnp.asarray(0.0, elem.dtype))
        total = total + cl + BBOX_LOSS_SCALE * bl
    return total / n_img

if __name__ == "__main__":
    import jax
    _d = setup_inputs()
    print(jax.jit(kernel)(*tuple(_d.values())))

</pallas_src>

<mosaic_0001>
#map = affine_map<(d0, d1) -> (0, 0, 0, 0)>
module attributes {stable_mosaic.version = 14 : i64} {
  func.func @sel(%arg0: i32, %arg1: i32, %arg2: memref<8x2x56x20480xf32, #tpu.memory_space<hbm>>, %arg3: memref<8x2x56x16xf32, #tpu.memory_space<hbm>>, %arg4: memref<20480xf32, #tpu.memory_space<vmem>>, %arg5: memref<16xf32, #tpu.memory_space<vmem>>) attributes {dimension_semantics = [#tpu.dimension_semantics<core_parallel>, #tpu.dimension_semantics<subcore_parallel>], iteration_bounds = array<i64: 2, 16>, scalar_prefetch = 0 : i64, scratch_operands = 2 : i64, tpu.core_type = #tpu.core_type<sc_vector_subcore>, window_params = [{transform_indices = #map}, {transform_indices = #map}]} {
    %mul3A = arith.constant 2 : i32
    %mul3A_0 = arith.muli %arg1, %mul3A : i32
    %add3A = arith.addi %mul3A_0, %arg0 : i32
    %broadcast_in_dim3A = arith.constant 6 : i32
    %broadcast_in_dim3A_1 = vector.broadcast %broadcast_in_dim3A : i32 to vector<16x1xi32>
    %scan3A = arith.constant 0 : i32
    %scan3A_2 = arith.constant 0 : i32
    %scan3A_3 = arith.constant 25 : i32
    %scan3A_4 = arith.addi %scan3A_2, %scan3A_3 : i32
    %scan3A_5 = arith.constant 1 : i32
    %scan3A_6 = scf.for %scan3A_8 = %scan3A_2 to %scan3A_4 step %scan3A_5 iter_args(%scan3A_9 = %scan3A) -> (i32)  : i32 {
      %mul3A_10 = arith.constant 25 : i32
      %mul3A_11 = arith.muli %add3A, %mul3A_10 : i32
      %add3A_12 = arith.addi %mul3A_11, %scan3A_8 : i32
      %jit3A = arith.constant 100 : i32
      %div3A = arith.divsi %add3A_12, %jit3A : i32
      %sign3A = arith.constant 0 : i32
      %sign3A_13 = arith.cmpi sgt, %add3A_12, %sign3A : i32
      %sign3A_14 = arith.extui %sign3A_13 : i1 to i32
      %sign3A_15 = arith.constant 0 : i32
      %sign3A_16 = arith.cmpi slt, %add3A_12, %sign3A_15 : i32
      %sign3A_17 = arith.extui %sign3A_16 : i1 to i32
      %sign3A_18 = arith.subi %sign3A_14, %sign3A_17 : i32
      %sign3A_19 = arith.constant 0 : i32
      %sign3A_20 = arith.cmpi sgt, %jit3A, %sign3A_19 : i32
      %sign3A_21 = arith.extui %sign3A_20 : i1 to i32
      %sign3A_22 = arith.constant 0 : i32
      %sign3A_23 = arith.cmpi slt, %jit3A, %sign3A_22 : i32
      %sign3A_24 = arith.extui %sign3A_23 : i1 to i32
      %sign3A_25 = arith.subi %sign3A_21, %sign3A_24 : i32
      %ne3A = arith.cmpi ne, %sign3A_18, %sign3A_25 : i32
      %rem3A = arith.remsi %add3A_12, %jit3A : i32
      %ne3A_26 = arith.constant 0 : i32
      %ne3A_27 = arith.cmpi ne, %rem3A, %ne3A_26 : i32
      %and3A = arith.andi %ne3A, %ne3A_27 : i1
      %sub3A = arith.constant 1 : i32
      %sub3A_28 = arith.subi %div3A, %sub3A : i32
      %select_n3A = arith.select %and3A, %sub3A_28, %div3A : i32
      %jit3A_29 = arith.constant 100 : i32
      %eq3A = arith.constant 0 : i32
      %eq3A_30 = arith.cmpi eq, %jit3A_29, %eq3A : i32
      %jit3A_31 = arith.constant 1 : i32
      %select_n3A_32 = arith.select %eq3A_30, %jit3A_31, %jit3A_29 : i32
      %rem3A_33 = arith.remsi %add3A_12, %select_n3A_32 : i32
      %ne3A_34 = arith.constant 0 : i32
      %ne3A_35 = arith.cmpi ne, %rem3A_33, %ne3A_34 : i32
      %lt3A = arith.constant 0 : i32
      %lt3A_36 = arith.cmpi slt, %rem3A_33, %lt3A : i32
      %lt3A_37 = arith.constant 0 : i32
      %lt3A_38 = arith.cmpi slt, %select_n3A_32, %lt3A_37 : i32
      %ne3A_39 = arith.xori %lt3A_36, %lt3A_38 : i1
      %and3A_40 = arith.andi %ne3A_39, %ne3A_35 : i1
      %add3A_41 = arith.addi %rem3A_33, %select_n3A_32 : i32
      %select_n3A_42 = arith.select %and3A_40, %add3A_41, %rem3A_33 : i32
      %jit3A_43 = arith.constant 50 : i32
      %div3A_44 = arith.divsi %select_n3A_42, %jit3A_43 : i32
      %sign3A_45 = arith.constant 0 : i32
      %sign3A_46 = arith.cmpi sgt, %select_n3A_42, %sign3A_45 : i32
      %sign3A_47 = arith.extui %sign3A_46 : i1 to i32
      %sign3A_48 = arith.constant 0 : i32
      %sign3A_49 = arith.cmpi slt, %select_n3A_42, %sign3A_48 : i32
      %sign3A_50 = arith.extui %sign3A_49 : i1 to i32
      %sign3A_51 = arith.subi %sign3A_47, %sign3A_50 : i32
      %sign3A_52 = arith.constant 0 : i32
      %sign3A_53 = arith.cmpi sgt, %jit3A_43, %sign3A_52 : i32
      %sign3A_54 = arith.extui %sign3A_53 : i1 to i32
      %sign3A_55 = arith.constant 0 : i32
      %sign3A_56 = arith.cmpi slt, %jit3A_43, %sign3A_55 : i32
      %sign3A_57 = arith.extui %sign3A_56 : i1 to i32
      %sign3A_58 = arith.subi %sign3A_54, %sign3A_57 : i32
      %ne3A_59 = arith.cmpi ne, %sign3A_51, %sign3A_58 : i32
      %rem3A_60 = arith.remsi %select_n3A_42, %jit3A_43 : i32
      %ne3A_61 = arith.constant 0 : i32
      %ne3A_62 = arith.cmpi ne, %rem3A_60, %ne3A_61 : i32
      %and3A_63 = arith.andi %ne3A_59, %ne3A_62 : i1
      %sub3A_64 = arith.constant 1 : i32
      %sub3A_65 = arith.subi %div3A_44, %sub3A_64 : i32
      %select_n3A_66 = arith.select %and3A_63, %sub3A_65, %div3A_44 : i32
      %jit3A_67 = arith.constant 50 : i32
      %eq3A_68 = arith.constant 0 : i32
      %eq3A_69 = arith.cmpi eq, %jit3A_67, %eq3A_68 : i32
      %jit3A_70 = arith.constant 1 : i32
      %select_n3A_71 = arith.select %eq3A_69, %jit3A_70, %jit3A_67 : i32
      %rem3A_72 = arith.remsi %select_n3A_42, %select_n3A_71 : i32
      %ne3A_73 = arith.constant 0 : i32
      %ne3A_74 = arith.cmpi ne, %rem3A_72, %ne3A_73 : i32
      %lt3A_75 = arith.constant 0 : i32
      %lt3A_76 = arith.cmpi slt, %rem3A_72, %lt3A_75 : i32
      %lt3A_77 = arith.constant 0 : i32
      %lt3A_78 = arith.cmpi slt, %select_n3A_71, %lt3A_77 : i32
      %ne3A_79 = arith.xori %lt3A_76, %lt3A_78 : i1
      %and3A_80 = arith.andi %ne3A_79, %ne3A_74 : i1
      %add3A_81 = arith.addi %rem3A_72, %select_n3A_71 : i32
      %select_n3A_82 = arith.select %and3A_80, %add3A_81, %rem3A_72 : i32
      "tpu.region"() ({
        %run_scoped3A = tpu.sem_alloc : memref<!tpu.dma_semaphore, #tpu.memory_space<semaphore_mem>>
        %dma_start3A = arith.constant 0 : i32
        %dma_start3A_106 = tpu.memref_slice %arg2[%select_n3A, %select_n3A_66, %select_n3A_82, %dma_start3A] : memref<8x2x56x20480xf32, #tpu.memory_space<hbm>> -> memref<1x1x1x20480xf32, #tpu.memory_space<hbm>>
        %dma_start3A_107 = tpu.memref_squeeze %dma_start3A_106 : memref<1x1x1x20480xf32, #tpu.memory_space<hbm>> -> memref<20480xf32, #tpu.memory_space<hbm>>
        %dma_start3A_108 = arith.constant 0 : i32
        %dma_start3A_109 = tpu.memref_slice %arg2[%select_n3A, %select_n3A_66, %select_n3A_82, %dma_start3A_108] : memref<8x2x56x20480xf32, #tpu.memory_space<hbm>> -> memref<1x1x1x20480xf32, #tpu.memory_space<hbm>>
        %dma_start3A_110 = tpu.memref_squeeze %dma_start3A_109 : memref<1x1x1x20480xf32, #tpu.memory_space<hbm>> -> memref<20480xf32, #tpu.memory_space<hbm>>
        tpu.enqueue_dma source(%dma_start3A_110 : memref<20480xf32, #tpu.memory_space<hbm>>) target(%arg4 : memref<20480xf32, #tpu.memory_space<vmem>>) target_semaphore(%run_scoped3A : memref<!tpu.dma_semaphore, #tpu.memory_space<semaphore_mem>>)
        %dma_wait3A = arith.constant 0 : i32
        %dma_wait3A_111 = tpu.memref_slice %arg2[%select_n3A, %select_n3A_66, %select_n3A_82, %dma_wait3A] : memref<8x2x56x20480xf32, #tpu.memory_space<hbm>> -> memref<1x1x1x20480xf32, #tpu.memory_space<hbm>>
        %dma_wait3A_112 = tpu.memref_squeeze %dma_wait3A_111 : memref<1x1x1x20480xf32, #tpu.memory_space<hbm>> -> memref<20480xf32, #tpu.memory_space<hbm>>
        %dma_wait3A_113 = arith.constant 0 : i32
        %dma_wait3A_114 = tpu.memref_slice %arg2[%select_n3A, %select_n3A_66, %select_n3A_82, %dma_wait3A_113] : memref<8x2x56x20480xf32, #tpu.memory_space<hbm>> -> memref<1x1x1x20480xf32, #tpu.memory_space<hbm>>
        %dma_wait3A_115 = tpu.memref_squeeze %dma_wait3A_114 : memref<1x1x1x20480xf32, #tpu.memory_space<hbm>> -> memref<20480xf32, #tpu.memory_space<hbm>>
        tpu.wait_dma2 semaphore(%run_scoped3A : memref<!tpu.dma_semaphore, #tpu.memory_space<semaphore_mem>>) src(%dma_wait3A_115 : memref<20480xf32, #tpu.memory_space<hbm>>) dst(%arg4 : memref<20480xf32, #tpu.memory_space<vmem>>)
        tpu.yield
      }) : () -> ()
      %eq3A_83 = arith.constant 0 : i32
      %eq3A_84 = arith.cmpi eq, %select_n3A_66, %eq3A_83 : i32
      %jit3A_85 = arith.constant -1.000000e+00 : f32
      %jit3A_86 = arith.constant 1.000000e+00 : f32
      %select_n3A_87 = arith.select %eq3A_84, %jit3A_85, %jit3A_86 : f32
      %broadcast_in_dim3A_88 = arith.constant -3.400000e+38 : f32
      %broadcast_in_dim3A_89 = vector.broadcast %broadcast_in_dim3A_88 : f32 to vector<16xf32>
      %broadcast_in_dim3A_90 = arith.constant -3.400000e+38 : f32
      %broadcast_in_dim3A_91 = vector.broadcast %broadcast_in_dim3A_90 : f32 to vector<16xf32>
      %scan3A_92 = arith.constant 0 : i32
      %scan3A_93 = arith.constant 160 : i32
      %scan3A_94 = arith.addi %scan3A_92, %scan3A_93 : i32
      %scan3A_95 = arith.constant 1 : i32
      %scan3A_96:2 = scf.for %scan3A_106 = %scan3A_92 to %scan3A_94 step %scan3A_95 iter_args(%scan3A_107 = %broadcast_in_dim3A_89, %scan3A_108 = %broadcast_in_dim3A_91) -> (vector<16xf32>, vector<16xf32>)  : i32 {
        %mul3A_109 = arith.constant 128 : i32
        %mul3A_110 = arith.muli %scan3A_106, %mul3A_109 : i32
        %multiple_of3A = tpu.assume_multiple %mul3A_110, 128 : i32
        %add3A_111 = arith.constant 0 : i32
        %add3A_112 = arith.addi %multiple_of3A, %add3A_111 : i32
        %get3A = arith.index_cast %add3A_112 : i32 to index
        %get3A_113 = tpu.vector_load %arg4[%get3A] {strides = array<i32>} : memref<20480xf32, #tpu.memory_space<vmem>>, vector<16xf32>,
        %mul3A_114 = vector.broadcast %select_n3A_87 : f32 to vector<16xf32>
        %mul3A_115 = arith.mulf %get3A_113, %mul3A_114 : vector<16xf32>
        %add3A_116 = arith.constant 16 : i32
        %add3A_117 = arith.addi %multiple_of3A, %add3A_116 : i32
        %get3A_118 = arith.index_cast %add3A_117 : i32 to index
        %get3A_119 = tpu.vector_load %arg4[%get3A_118] {strides = array<i32>} : memref<20480xf32, #tpu.memory_space<vmem>>, vector<16xf32>,
        %mul3A_120 = vector.broadcast %select_n3A_87 : f32 to vector<16xf32>
        %mul3A_121 = arith.mulf %get3A_119, %mul3A_120 : vector<16xf32>
        %add3A_122 = arith.constant 32 : i32
        %add3A_123 = arith.addi %multiple_of3A, %add3A_122 : i32
        %get3A_124 = arith.index_cast %add3A_123 : i32 to index
        %get3A_125 = tpu.vector_load %arg4[%get3A_124] {strides = array<i32>} : memref<20480xf32, #tpu.memory_space<vmem>>, vector<16xf32>,
        %mul3A_126 = vector.broadcast %select_n3A_87 : f32 to vector<16xf32>
        %mul3A_127 = arith.mulf %get3A_125, %mul3A_126 : vector<16xf32>
        %add3A_128 = arith.constant 48 : i32
        %add3A_129 = arith.addi %multiple_of3A, %add3A_128 : i32
        %get3A_130 = arith.index_cast %add3A_129 : i32 to index
        %get3A_131 = tpu.vector_load %arg4[%get3A_130] {strides = array<i32>} : memref<20480xf32, #tpu.memory_space<vmem>>, vector<16xf32>,
        %mul3A_132 = vector.broadcast %select_n3A_87 : f32 to vector<16xf32>
        %mul3A_133 = arith.mulf %get3A_131, %mul3A_132 : vector<16xf32>
        %add3A_134 = arith.constant 64 : i32
        %add3A_135 = arith.addi %multiple_of3A, %add3A_134 : i32
        %get3A_136 = arith.index_cast %add3A_135 : i32 to index
        %get3A_137 = tpu.vector_load %arg4[%get3A_136] {strides = array<i32>} : memref<20480xf32, #tpu.memory_space<vmem>>, vector<16xf32>,
        %mul3A_138 = vector.broadcast %select_n3A_87 : f32 to vector<16xf32>
        %mul3A_139 = arith.mulf %get3A_137, %mul3A_138 : vector<16xf32>
        %add3A_140 = arith.constant 80 : i32
        %add3A_141 = arith.addi %multiple_of3A, %add3A_140 : i32
        %get3A_142 = arith.index_cast %add3A_141 : i32 to index
        %get3A_143 = tpu.vector_load %arg4[%get3A_142] {strides = array<i32>} : memref<20480xf32, #tpu.memory_space<vmem>>, vector<16xf32>,
        %mul3A_144 = vector.broadcast %select_n3A_87 : f32 to vector<16xf32>
        %mul3A_145 = arith.mulf %get3A_143, %mul3A_144 : vector<16xf32>
        %add3A_146 = arith.constant 96 : i32
        %add3A_147 = arith.addi %multiple_of3A, %add3A_146 : i32
        %get3A_148 = arith.index_cast %add3A_147 : i32 to index
        %get3A_149 = tpu.vector_load %arg4[%get3A_148] {strides = array<i32>} : memref<20480xf32, #tpu.memory_space<vmem>>, vector<16xf32>,
        %mul3A_150 = vector.broadcast %select_n3A_87 : f32 to vector<16xf32>
        %mul3A_151 = arith.mulf %get3A_149, %mul3A_150 : vector<16xf32>
        %add3A_152 = arith.constant 112 : i32
        %add3A_153 = arith.addi %multiple_of3A, %add3A_152 : i32
        %get3A_154 = arith.index_cast %add3A_153 : i32 to index
        %get3A_155 = tpu.vector_load %arg4[%get3A_154] {strides = array<i32>} : memref<20480xf32, #tpu.memory_space<vmem>>, vector<16xf32>,
        %mul3A_156 = vector.broadcast %select_n3A_87 : f32 to vector<16xf32>
        %mul3A_157 = arith.mulf %get3A_155, %mul3A_156 : vector<16xf32>
        %max3A = arith.maximumf %mul3A_115, %mul3A_121 : vector<16xf32>
        %max3A_158 = arith.maximumf %max3A, %mul3A_127 : vector<16xf32>
        %max3A_159 = arith.maximumf %max3A_158, %mul3A_133 : vector<16xf32>
        %max3A_160 = arith.maximumf %max3A_159, %mul3A_139 : vector<16xf32>
        %max3A_161 = arith.maximumf %max3A_160, %mul3A_145 : vector<16xf32>
        %max3A_162 = arith.maximumf %max3A_161, %mul3A_151 : vector<16xf32>
        %max3A_163 = arith.maximumf %max3A_162, %mul3A_157 : vector<16xf32>
        %gt3A = arith.cmpf ogt, %max3A_163, %scan3A_108 : vector<16xf32>
        %jit3A_164 = arith.constant 1.000000e+00 : f32
        %jit3A_165 = arith.constant 0.000000e+00 : f32
        %broadcast_in_dim3A_166 = vector.broadcast %jit3A_164 : f32 to vector<16xf32>
        %broadcast_in_dim3A_167 = vector.broadcast %jit3A_165 : f32 to vector<16xf32>
        %select_n3A_168 = arith.select %gt3A, %broadcast_in_dim3A_166, %broadcast_in_dim3A_167 : vector<16xi1>, vector<16xf32>
        %reduce_max3A = arith.constant true
        %reduce_max3A_169 = vector.broadcast %reduce_max3A : i1 to vector<16xi1>
        %reduce_max3A_170 = tpu.scan <max>, %select_n3A_168 masked %reduce_max3A_169 : vector<16xf32>, vector<16xi1> -> vector<16xf32>
        %reduce_max3A_171 = vector.extract %reduce_max3A_170[15] : f32 from vector<16xf32>
        %gt3A_172 = arith.constant 0.000000e+00 : f32
        %gt3A_173 = arith.cmpf ogt, %reduce_max3A_171, %gt3A_172 : f32
        %convert_element_type3A = arith.extui %gt3A_173 : i1 to i32
        %cond3A = arith.constant 0 : i32
        %cond3A_174 = arith.cmpi ne, %convert_element_type3A, %cond3A : i32
        %cond3A_175:2 = scf.if %cond3A_174 -> (vector<16xf32>, vector<16xf32>) {
          %gt3A_176 = arith.cmpf ogt, %mul3A_115, %scan3A_108 : vector<16xf32>
          %jit3A_177 = arith.constant 1.000000e+00 : f32
          %jit3A_178 = arith.constant 0.000000e+00 : f32
          %broadcast_in_dim3A_179 = vector.broadcast %jit3A_177 : f32 to vector<16xf32>
          %broadcast_in_dim3A_180 = vector.broadcast %jit3A_178 : f32 to vector<16xf32>
          %select_n3A_181 = arith.select %gt3A_176, %broadcast_in_dim3A_179, %broadcast_in_dim3A_180 : vector<16xi1>, vector<16xf32>
          %reduce_max3A_182 = arith.constant true
          %reduce_max3A_183 = vector.broadcast %reduce_max3A_182 : i1 to vector<16xi1>
          %reduce_max3A_184 = tpu.scan <max>, %select_n3A_181 masked %reduce_max3A_183 : vector<16xf32>, vector<16xi1> -> vector<16xf32>
          %reduce_max3A_185 = vector.extract %reduce_max3A_184[15] : f32 from vector<16xf32>
          %gt3A_186 = arith.constant 0.000000e+00 : f32
          %gt3A_187 = arith.cmpf ogt, %reduce_max3A_185, %gt3A_186 : f32
          %convert_element_type3A_188 = arith.extui %gt3A_187 : i1 to i32
          %cond3A_189 = arith.constant 0 : i32
          %cond3A_190 = arith.cmpi ne, %convert_element_type3A_188, %cond3A_189 : i32
          %cond3A_191 = scf.if %cond3A_190 -> (vector<16xf32>) {
            %sort3A = arith.constant dense<true> : vector<16xi1>
            %sort3A_305, %sort3A_306, %sort3A_307 = tpu.sort %mul3A_115, %mul3A_115 masked %sort3A : (vector<16xf32>, vector<16xf32>, vector<16xi1>) -> (vector<16xi1>, vector<16xf32>, vector<16xf32>)
            %rev3A_308 = arith.constant 15 : i32
            %rev3A_309 = vector.broadcast %rev3A_308 : i32 to vector<16xi32>
            %rev3A_310 = tpu.iota {dimensions = array<i32: 0>} : vector<16xi32>
            %rev3A_311 = arith.subi %rev3A_309, %rev3A_310 : vector<16xi32>
            %rev3A_312 = tpu.dynamic_gather %sort3A_306[%rev3A_311] in [0] : vector<16xf32>, vector<16xi32> -> vector<16xf32>
            %max3A_313 = arith.maximumf %scan3A_107, %rev3A_312 : vector<16xf32>
            %sort3A_314 = arith.constant dense<true> : vector<16xi1>
            %sort3A_315, %sort3A_316, %sort3A_317 = tpu.sort %max3A_313, %max3A_313 masked %sort3A_314 : (vector<16xf32>, vector<16xf32>, vector<16xi1>) -> (vector<16xi1>, vector<16xf32>, vector<16xf32>)
            scf.yield %sort3A_316 : vector<16xf32>
          } else {
            scf.yield %scan3A_107 : vector<16xf32>
          }
          %gt3A_192 = arith.cmpf ogt, %mul3A_121, %scan3A_108 : vector<16xf32>
          %jit3A_193 = arith.constant 1.000000e+00 : f32
          %jit3A_194 = arith.constant 0.000000e+00 : f32
          %broadcast_in_dim3A_195 = vector.broadcast %jit3A_193 : f32 to vector<16xf32>
          %broadcast_in_dim3A_196 = vector.broadcast %jit3A_194 : f32 to vector<16xf32>
          %select_n3A_197 = arith.select %gt3A_192, %broadcast_in_dim3A_195, %broadcast_in_dim3A_196 : vector<16xi1>, vector<16xf32>
          %reduce_max3A_198 = arith.constant true
          %reduce_max3A_199 = vector.broadcast %reduce_max3A_198 : i1 to vector<16xi1>
          %reduce_max3A_200 = tpu.scan <max>, %select_n3A_197 masked %reduce_max3A_199 : vector<16xf32>, vector<16xi1> -> vector<16xf32>
          %reduce_max3A_201 = vector.extract %reduce_max3A_200[15] : f32 from vector<16xf32>
          %gt3A_202 = arith.constant 0.000000e+00 : f32
          %gt3A_203 = arith.cmpf ogt, %reduce_max3A_201, %gt3A_202 : f32
          %convert_element_type3A_204 = arith.extui %gt3A_203 : i1 to i32
          %cond3A_205 = arith.constant 0 : i32
          %cond3A_206 = arith.cmpi ne, %convert_element_type3A_204, %cond3A_205 : i32
          %cond3A_207 = scf.if %cond3A_206 -> (vector<16xf32>) {
            %sort3A = arith.constant dense<true> : vector<16xi1>
            %sort3A_305, %sort3A_306, %sort3A_307 = tpu.sort %mul3A_121, %mul3A_121 masked %sort3A : (vector<16xf32>, vector<16xf32>, vector<16xi1>) -> (vector<16xi1>, vector<16xf32>, vector<16xf32>)
            %rev3A_308 = arith.constant 15 : i32
            %rev3A_309 = vector.broadcast %rev3A_308 : i32 to vector<16xi32>
            %rev3A_310 = tpu.iota {dimensions = array<i32: 0>} : vector<16xi32>
            %rev3A_311 = arith.subi %rev3A_309, %rev3A_310 : vector<16xi32>
            %rev3A_312 = tpu.dynamic_gather %sort3A_306[%rev3A_311] in [0] : vector<16xf32>, vector<16xi32> -> vector<16xf32>
            %max3A_313 = arith.maximumf %cond3A_191, %rev3A_312 : vector<16xf32>
            %sort3A_314 = arith.constant dense<true> : vector<16xi1>
            %sort3A_315, %sort3A_316, %sort3A_317 = tpu.sort %max3A_313, %max3A_313 masked %sort3A_314 : (vector<16xf32>, vector<16xf32>, vector<16xi1>) -> (vector<16xi1>, vector<16xf32>, vector<16xf32>)
            scf.yield %sort3A_316 : vector<16xf32>
          } else {
            scf.yield %cond3A_191 : vector<16xf32>
          }
          %gt3A_208 = arith.cmpf ogt, %mul3A_127, %scan3A_108 : vector<16xf32>
          %jit3A_209 = arith.constant 1.000000e+00 : f32
          %jit3A_210 = arith.constant 0.000000e+00 : f32
          %broadcast_in_dim3A_211 = vector.broadcast %jit3A_209 : f32 to vector<16xf32>
          %broadcast_in_dim3A_212 = vector.broadcast %jit3A_210 : f32 to vector<16xf32>
          %select_n3A_213 = arith.select %gt3A_208, %broadcast_in_dim3A_211, %broadcast_in_dim3A_212 : vector<16xi1>, vector<16xf32>
          %reduce_max3A_214 = arith.constant true
          %reduce_max3A_215 = vector.broadcast %reduce_max3A_214 : i1 to vector<16xi1>
          %reduce_max3A_216 = tpu.scan <max>, %select_n3A_213 masked %reduce_max3A_215 : vector<16xf32>, vector<16xi1> -> vector<16xf32>
          %reduce_max3A_217 = vector.extract %reduce_max3A_216[15] : f32 from vector<16xf32>
          %gt3A_218 = arith.constant 0.000000e+00 : f32
          %gt3A_219 = arith.cmpf ogt, %reduce_max3A_217, %gt3A_218 : f32
          %convert_element_type3A_220 = arith.extui %gt3A_219 : i1 to i32
          %cond3A_221 = arith.constant 0 : i32
          %cond3A_222 = arith.cmpi ne, %convert_element_type3A_220, %cond3A_221 : i32
          %cond3A_223 = scf.if %cond3A_222 -> (vector<16xf32>) {
            %sort3A = arith.constant dense<true> : vector<16xi1>
            %sort3A_305, %sort3A_306, %sort3A_307 = tpu.sort %mul3A_127, %mul3A_127 masked %sort3A : (vector<16xf32>, vector<16xf32>, vector<16xi1>) -> (vector<16xi1>, vector<16xf32>, vector<16xf32>)
            %rev3A_308 = arith.constant 15 : i32
            %rev3A_309 = vector.broadcast %rev3A_308 : i32 to vector<16xi32>
            %rev3A_310 = tpu.iota {dimensions = array<i32: 0>} : vector<16xi32>
            %rev3A_311 = arith.subi %rev3A_309, %rev3A_310 : vector<16xi32>
            %rev3A_312 = tpu.dynamic_gather %sort3A_306[%rev3A_311] in [0] : vector<16xf32>, vector<16xi32> -> vector<16xf32>
            %max3A_313 = arith.maximumf %cond3A_207, %rev3A_312 : vector<16xf32>
            %sort3A_314 = arith.constant dense<true> : vector<16xi1>
            %sort3A_315, %sort3A_316, %sort3A_317 = tpu.sort %max3A_313, %max3A_313 masked %sort3A_314 : (vector<16xf32>, vector<16xf32>, vector<16xi1>) -> (vector<16xi1>, vector<16xf32>, vector<16xf32>)
            scf.yield %sort3A_316 : vector<16xf32>
          } else {
            scf.yield %cond3A_207 : vector<16xf32>
          }
          %gt3A_224 = arith.cmpf ogt, %mul3A_133, %scan3A_108 : vector<16xf32>
          %jit3A_225 = arith.constant 1.000000e+00 : f32
          %jit3A_226 = arith.constant 0.000000e+00 : f32
          %broadcast_in_dim3A_227 = vector.broadcast %jit3A_225 : f32 to vector<16xf32>
          %broadcast_in_dim3A_228 = vector.broadcast %jit3A_226 : f32 to vector<16xf32>
          %select_n3A_229 = arith.select %gt3A_224, %broadcast_in_dim3A_227, %broadcast_in_dim3A_228 : vector<16xi1>, vector<16xf32>
          %reduce_max3A_230 = arith.constant true
          %reduce_max3A_231 = vector.broadcast %reduce_max3A_230 : i1 to vector<16xi1>
          %reduce_max3A_232 = tpu.scan <max>, %select_n3A_229 masked %reduce_max3A_231 : vector<16xf32>, vector<16xi1> -> vector<16xf32>
          %reduce_max3A_233 = vector.extract %reduce_max3A_232[15] : f32 from vector<16xf32>
          %gt3A_234 = arith.constant 0.000000e+00 : f32
          %gt3A_235 = arith.cmpf ogt, %reduce_max3A_233, %gt3A_234 : f32
          %convert_element_type3A_236 = arith.extui %gt3A_235 : i1 to i32
          %cond3A_237 = arith.constant 0 : i32
          %cond3A_238 = arith.cmpi ne, %convert_element_type3A_236, %cond3A_237 : i32
          %cond3A_239 = scf.if %cond3A_238 -> (vector<16xf32>) {
            %sort3A = arith.constant dense<true> : vector<16xi1>
            %sort3A_305, %sort3A_306, %sort3A_307 = tpu.sort %mul3A_133, %mul3A_133 masked %sort3A : (vector<16xf32>, vector<16xf32>, vector<16xi1>) -> (vector<16xi1>, vector<16xf32>, vector<16xf32>)
            %rev3A_308 = arith.constant 15 : i32
            %rev3A_309 = vector.broadcast %rev3A_308 : i32 to vector<16xi32>
            %rev3A_310 = tpu.iota {dimensions = array<i32: 0>} : vector<16xi32>
            %rev3A_311 = arith.subi %rev3A_309, %rev3A_310 : vector<16xi32>
            %rev3A_312 = tpu.dynamic_gather %sort3A_306[%rev3A_311] in [0] : vector<16xf32>, vector<16xi32> -> vector<16xf32>
            %max3A_313 = arith.maximumf %cond3A_223, %rev3A_312 : vector<16xf32>
            %sort3A_314 = arith.constant dense<true> : vector<16xi1>
            %sort3A_315, %sort3A_316, %sort3A_317 = tpu.sort %max3A_313, %max3A_313 masked %sort3A_314 : (vector<16xf32>, vector<16xf32>, vector<16xi1>) -> (vector<16xi1>, vector<16xf32>, vector<16xf32>)
            scf.yield %sort3A_316 : vector<16xf32>
          } else {
            scf.yield %cond3A_223 : vector<16xf32>
          }
          %gt3A_240 = arith.cmpf ogt, %mul3A_139, %scan3A_108 : vector<16xf32>
          %jit3A_241 = arith.constant 1.000000e+00 : f32
          %jit3A_242 = arith.constant 0.000000e+00 : f32
          %broadcast_in_dim3A_243 = vector.broadcast %jit3A_241 : f32 to vector<16xf32>
          %broadcast_in_dim3A_244 = vector.broadcast %jit3A_242 : f32 to vector<16xf32>
          %select_n3A_245 = arith.select %gt3A_240, %broadcast_in_dim3A_243, %broadcast_in_dim3A_244 : vector<16xi1>, vector<16xf32>
          %reduce_max3A_246 = arith.constant true
          %reduce_max3A_247 = vector.broadcast %reduce_max3A_246 : i1 to vector<16xi1>
          %reduce_max3A_248 = tpu.scan <max>, %select_n3A_245 masked %reduce_max3A_247 : vector<16xf32>, vector<16xi1> -> vector<16xf32>
          %reduce_max3A_249 = vector.extract %reduce_max3A_248[15] : f32 from vector<16xf32>
          %gt3A_250 = arith.constant 0.000000e+00 : f32
          %gt3A_251 = arith.cmpf ogt, %reduce_max3A_249, %gt3A_250 : f32
          %convert_element_type3A_252 = arith.extui %gt3A_251 : i1 to i32
          %cond3A_253 = arith.constant 0 : i32
          %cond3A_254 = arith.cmpi ne, %convert_element_type3A_252, %cond3A_253 : i32
          %cond3A_255 = scf.if %cond3A_254 -> (vector<16xf32>) {
            %sort3A = arith.constant dense<true> : vector<16xi1>
            %sort3A_305, %sort3A_306, %sort3A_307 = tpu.sort %mul3A_139, %mul3A_139 masked %sort3A : (vector<16xf32>, vector<16xf32>, vector<16xi1>) -> (vector<16xi1>, vector<16xf32>, vector<16xf32>)
            %rev3A_308 = arith.constant 15 : i32
            %rev3A_309 = vector.broadcast %rev3A_308 : i32 to vector<16xi32>
            %rev3A_310 = tpu.iota {dimensions = array<i32: 0>} : vector<16xi32>
            %rev3A_311 = arith.subi %rev3A_309, %rev3A_310 : vector<16xi32>
            %rev3A_312 = tpu.dynamic_gather %sort3A_306[%rev3A_311] in [0] : vector<16xf32>, vector<16xi32> -> vector<16xf32>
            %max3A_313 = arith.maximumf %cond3A_239, %rev3A_312 : vector<16xf32>
            %sort3A_314 = arith.constant dense<true> : vector<16xi1>
            %sort3A_315, %sort3A_316, %sort3A_317 = tpu.sort %max3A_313, %max3A_313 masked %sort3A_314 : (vector<16xf32>, vector<16xf32>, vector<16xi1>) -> (vector<16xi1>, vector<16xf32>, vector<16xf32>)
            scf.yield %sort3A_316 : vector<16xf32>
          } else {
            scf.yield %cond3A_239 : vector<16xf32>
          }
          %gt3A_256 = arith.cmpf ogt, %mul3A_145, %scan3A_108 : vector<16xf32>
          %jit3A_257 = arith.constant 1.000000e+00 : f32
          %jit3A_258 = arith.constant 0.000000e+00 : f32
          %broadcast_in_dim3A_259 = vector.broadcast %jit3A_257 : f32 to vector<16xf32>
          %broadcast_in_dim3A_260 = vector.broadcast %jit3A_258 : f32 to vector<16xf32>
          %select_n3A_261 = arith.select %gt3A_256, %broadcast_in_dim3A_259, %broadcast_in_dim3A_260 : vector<16xi1>, vector<16xf32>
          %reduce_max3A_262 = arith.constant true
          %reduce_max3A_263 = vector.broadcast %reduce_max3A_262 : i1 to vector<16xi1>
          %reduce_max3A_264 = tpu.scan <max>, %select_n3A_261 masked %reduce_max3A_263 : vector<16xf32>, vector<16xi1> -> vector<16xf32>
          %reduce_max3A_265 = vector.extract %reduce_max3A_264[15] : f32 from vector<16xf32>
          %gt3A_266 = arith.constant 0.000000e+00 : f32
          %gt3A_267 = arith.cmpf ogt, %reduce_max3A_265, %gt3A_266 : f32
          %convert_element_type3A_268 = arith.extui %gt3A_267 : i1 to i32
          %cond3A_269 = arith.constant 0 : i32
          %cond3A_270 = arith.cmpi ne, %convert_element_type3A_268, %cond3A_269 : i32
          %cond3A_271 = scf.if %cond3A_270 -> (vector<16xf32>) {
            %sort3A = arith.constant dense<true> : vector<16xi1>
            %sort3A_305, %sort3A_306, %sort3A_307 = tpu.sort %mul3A_145, %mul3A_145 masked %sort3A : (vector<16xf32>, vector<16xf32>, vector<16xi1>) -> (vector<16xi1>, vector<16xf32>, vector<16xf32>)
            %rev3A_308 = arith.constant 15 : i32
            %rev3A_309 = vector.broadcast %rev3A_308 : i32 to vector<16xi32>
            %rev3A_310 = tpu.iota {dimensions = array<i32: 0>} : vector<16xi32>
            %rev3A_311 = arith.subi %rev3A_309, %rev3A_310 : vector<16xi32>
            %rev3A_312 = tpu.dynamic_gather %sort3A_306[%rev3A_311] in [0] : vector<16xf32>, vector<16xi32> -> vector<16xf32>
            %max3A_313 = arith.maximumf %cond3A_255, %rev3A_312 : vector<16xf32>
            %sort3A_314 = arith.constant dense<true> : vector<16xi1>
            %sort3A_315, %sort3A_316, %sort3A_317 = tpu.sort %max3A_313, %max3A_313 masked %sort3A_314 : (vector<16xf32>, vector<16xf32>, vector<16xi1>) -> (vector<16xi1>, vector<16xf32>, vector<16xf32>)
            scf.yield %sort3A_316 : vector<16xf32>
          } else {
            scf.yield %cond3A_255 : vector<16xf32>
          }
          %gt3A_272 = arith.cmpf ogt, %mul3A_151, %scan3A_108 : vector<16xf32>
          %jit3A_273 = arith.constant 1.000000e+00 : f32
          %jit3A_274 = arith.constant 0.000000e+00 : f32
          %broadcast_in_dim3A_275 = vector.broadcast %jit3A_273 : f32 to vector<16xf32>
          %broadcast_in_dim3A_276 = vector.broadcast %jit3A_274 : f32 to vector<16xf32>
          %select_n3A_277 = arith.select %gt3A_272, %broadcast_in_dim3A_275, %broadcast_in_dim3A_276 : vector<16xi1>, vector<16xf32>
          %reduce_max3A_278 = arith.constant true
          %reduce_max3A_279 = vector.broadcast %reduce_max3A_278 : i1 to vector<16xi1>
          %reduce_max3A_280 = tpu.scan <max>, %select_n3A_277 masked %reduce_max3A_279 : vector<16xf32>, vector<16xi1> -> vector<16xf32>
          %reduce_max3A_281 = vector.extract %reduce_max3A_280[15] : f32 from vector<16xf32>
          %gt3A_282 = arith.constant 0.000000e+00 : f32
          %gt3A_283 = arith.cmpf ogt, %reduce_max3A_281, %gt3A_282 : f32
          %convert_element_type3A_284 = arith.extui %gt3A_283 : i1 to i32
          %cond3A_285 = arith.constant 0 : i32
          %cond3A_286 = arith.cmpi ne, %convert_element_type3A_284, %cond3A_285 : i32
          %cond3A_287 = scf.if %cond3A_286 -> (vector<16xf32>) {
            %sort3A = arith.constant dense<true> : vector<16xi1>
            %sort3A_305, %sort3A_306, %sort3A_307 = tpu.sort %mul3A_151, %mul3A_151 masked %sort3A : (vector<16xf32>, vector<16xf32>, vector<16xi1>) -> (vector<16xi1>, vector<16xf32>, vector<16xf32>)
            %rev3A_308 = arith.constant 15 : i32
            %rev3A_309 = vector.broadcast %rev3A_308 : i32 to vector<16xi32>
            %rev3A_310 = tpu.iota {dimensions = array<i32: 0>} : vector<16xi32>
            %rev3A_311 = arith.subi %rev3A_309, %rev3A_310 : vector<16xi32>
            %rev3A_312 = tpu.dynamic_gather %sort3A_306[%rev3A_311] in [0] : vector<16xf32>, vector<16xi32> -> vector<16xf32>
            %max3A_313 = arith.maximumf %cond3A_271, %rev3A_312 : vector<16xf32>
            %sort3A_314 = arith.constant dense<true> : vector<16xi1>
            %sort3A_315, %sort3A_316, %sort3A_317 = tpu.sort %max3A_313, %max3A_313 masked %sort3A_314 : (vector<16xf32>, vector<16xf32>, vector<16xi1>) -> (vector<16xi1>, vector<16xf32>, vector<16xf32>)
            scf.yield %sort3A_316 : vector<16xf32>
          } else {
            scf.yield %cond3A_271 : vector<16xf32>
          }
          %gt3A_288 = arith.cmpf ogt, %mul3A_157, %scan3A_108 : vector<16xf32>
          %jit3A_289 = arith.constant 1.000000e+00 : f32
          %jit3A_290 = arith.constant 0.000000e+00 : f32
          %broadcast_in_dim3A_291 = vector.broadcast %jit3A_289 : f32 to vector<16xf32>
          %broadcast_in_dim3A_292 = vector.broadcast %jit3A_290 : f32 to vector<16xf32>
          %select_n3A_293 = arith.select %gt3A_288, %broadcast_in_dim3A_291, %broadcast_in_dim3A_292 : vector<16xi1>, vector<16xf32>
          %reduce_max3A_294 = arith.constant true
          %reduce_max3A_295 = vector.broadcast %reduce_max3A_294 : i1 to vector<16xi1>
          %reduce_max3A_296 = tpu.scan <max>, %select_n3A_293 masked %reduce_max3A_295 : vector<16xf32>, vector<16xi1> -> vector<16xf32>
          %reduce_max3A_297 = vector.extract %reduce_max3A_296[15] : f32 from vector<16xf32>
          %gt3A_298 = arith.constant 0.000000e+00 : f32
          %gt3A_299 = arith.cmpf ogt, %reduce_max3A_297, %gt3A_298 : f32
          %convert_element_type3A_300 = arith.extui %gt3A_299 : i1 to i32
          %cond3A_301 = arith.constant 0 : i32
          %cond3A_302 = arith.cmpi ne, %convert_element_type3A_300, %cond3A_301 : i32
          %cond3A_303 = scf.if %cond3A_302 -> (vector<16xf32>) {
            %sort3A = arith.constant dense<true> : vector<16xi1>
            %sort3A_305, %sort3A_306, %sort3A_307 = tpu.sort %mul3A_157, %mul3A_157 masked %sort3A : (vector<16xf32>, vector<16xf32>, vector<16xi1>) -> (vector<16xi1>, vector<16xf32>, vector<16xf32>)
            %rev3A_308 = arith.constant 15 : i32
            %rev3A_309 = vector.broadcast %rev3A_308 : i32 to vector<16xi32>
            %rev3A_310 = tpu.iota {dimensions = array<i32: 0>} : vector<16xi32>
            %rev3A_311 = arith.subi %rev3A_309, %rev3A_310 : vector<16xi32>
            %rev3A_312 = tpu.dynamic_gather %sort3A_306[%rev3A_311] in [0] : vector<16xf32>, vector<16xi32> -> vector<16xf32>
            %max3A_313 = arith.maximumf %cond3A_287, %rev3A_312 : vector<16xf32>
            %sort3A_314 = arith.constant dense<true> : vector<16xi1>
            %sort3A_315, %sort3A_316, %sort3A_317 = tpu.sort %max3A_313, %max3A_313 masked %sort3A_314 : (vector<16xf32>, vector<16xf32>, vector<16xi1>) -> (vector<16xi1>, vector<16xf32>, vector<16xf32>)
            scf.yield %sort3A_316 : vector<16xf32>
          } else {
            scf.yield %cond3A_287 : vector<16xf32>
          }
          %gather3A = vector.shape_cast %broadcast_in_dim3A_1 : vector<16x1xi32> to vector<16xi32>
          %gather3A_304 = tpu.dynamic_gather %cond3A_303[%gather3A] in [0] : vector<16xf32>, vector<16xi32> -> vector<16xf32>
          scf.yield %cond3A_303, %gather3A_304 : vector<16xf32>, vector<16xf32>
        } else {
          scf.yield %scan3A_107, %scan3A_108 : vector<16xf32>, vector<16xf32>
        }
        scf.yield %cond3A_175#0, %cond3A_175#1 : vector<16xf32>, vector<16xf32>
      }
      %scan3A_97 = arith.constant 160 : i32
      %rev3A = arith.constant 15 : i32
      %rev3A_98 = vector.broadcast %rev3A : i32 to vector<16xi32>
      %rev3A_99 = tpu.iota {dimensions = array<i32: 0>} : vector<16xi32>
      %rev3A_100 = arith.subi %rev3A_98, %rev3A_99 : vector<16xi32>
      %rev3A_101 = tpu.dynamic_gather %scan3A_96#0[%rev3A_100] in [0] : vector<16xf32>, vector<16xi32> -> vector<16xf32>
      %mul3A_102 = vector.broadcast %select_n3A_87 : f32 to vector<16xf32>
      %mul3A_103 = arith.mulf %mul3A_102, %rev3A_101 : vector<16xf32>
      %swap3A = arith.constant 0 : index
      %swap3A_104 = tpu.vector_load %arg5[%swap3A] {strides = array<i32>} : memref<16xf32, #tpu.memory_space<vmem>>, vector<16xf32>,
      tpu.vector_store %arg5[%swap3A], %mul3A_103 {strides = array<i32>} : memref<16xf32, #tpu.memory_space<vmem>>, vector<16xf32>,
      "tpu.region"() ({
        %run_scoped3A = tpu.sem_alloc : memref<!tpu.dma_semaphore, #tpu.memory_space<semaphore_mem>>
        %dma_start3A = arith.constant 0 : i32
        %dma_start3A_106 = tpu.memref_slice %arg3[%select_n3A, %select_n3A_66, %select_n3A_82, %dma_start3A] : memref<8x2x56x16xf32, #tpu.memory_space<hbm>> -> memref<1x1x1x16xf32, #tpu.memory_space<hbm>>
        %dma_start3A_107 = tpu.memref_squeeze %dma_start3A_106 : memref<1x1x1x16xf32, #tpu.memory_space<hbm>> -> memref<16xf32, #tpu.memory_space<hbm>>
        %dma_start3A_108 = arith.constant 0 : i32
        %dma_start3A_109 = tpu.memref_slice %arg3[%select_n3A, %select_n3A_66, %select_n3A_82, %dma_start3A_108] : memref<8x2x56x16xf32, #tpu.memory_space<hbm>> -> memref<1x1x1x16xf32, #tpu.memory_space<hbm>>
        %dma_start3A_110 = tpu.memref_squeeze %dma_start3A_109 : memref<1x1x1x16xf32, #tpu.memory_space<hbm>> -> memref<16xf32, #tpu.memory_space<hbm>>
        tpu.enqueue_dma source(%arg5 : memref<16xf32, #tpu.memory_space<vmem>>) target(%dma_start3A_110 : memref<16xf32, #tpu.memory_space<hbm>>) target_semaphore(%run_scoped3A : memref<!tpu.dma_semaphore, #tpu.memory_space<semaphore_mem>>)
        %dma_wait3A = arith.constant 0 : i32
        %dma_wait3A_111 = tpu.memref_slice %arg3[%select_n3A, %select_n3A_66, %select_n3A_82, %dma_wait3A] : memref<8x2x56x16xf32, #tpu.memory_space<hbm>> -> memref<1x1x1x16xf32, #tpu.memory_space<hbm>>
        %dma_wait3A_112 = tpu.memref_squeeze %dma_wait3A_111 : memref<1x1x1x16xf32, #tpu.memory_space<hbm>> -> memref<16xf32, #tpu.memory_space<hbm>>
        %dma_wait3A_113 = arith.constant 0 : i32
        %dma_wait3A_114 = tpu.memref_slice %arg3[%select_n3A, %select_n3A_66, %select_n3A_82, %dma_wait3A_113] : memref<8x2x56x16xf32, #tpu.memory_space<hbm>> -> memref<1x1x1x16xf32, #tpu.memory_space<hbm>>
        %dma_wait3A_115 = tpu.memref_squeeze %dma_wait3A_114 : memref<1x1x1x16xf32, #tpu.memory_space<hbm>> -> memref<16xf32, #tpu.memory_space<hbm>>
        tpu.wait_dma2 semaphore(%run_scoped3A : memref<!tpu.dma_semaphore, #tpu.memory_space<semaphore_mem>>) src(%arg5 : memref<16xf32, #tpu.memory_space<vmem>>) dst(%dma_wait3A_115 : memref<16xf32, #tpu.memory_space<hbm>>)
        tpu.yield
      }) : () -> ()
      %scan3A_105 = arith.constant 0 : i32
      scf.yield %scan3A_105 : i32
    }
    %scan3A_7 = arith.constant 25 : i32
    return
  }
}

module attributes {stable_mosaic.version = 14 : i64} {
  func.func @_build_kernel(%arg0: i32, %arg1: i32, %arg2: memref<1x8x2560xf32, #tpu.memory_space<vmem>>, %arg3: memref<8x2560xf32, #tpu.memory_space<vmem>>, %arg4: memref<1x56x128xf32, #tpu.memory_space<vmem>>, %arg5: memref<1x2x56x2560xf32, #tpu.memory_space<vmem>>) attributes {dimension_semantics = [#tpu.dimension_semantics<arbitrary>, #tpu.dimension_semantics<arbitrary>], iteration_bounds = array<i64: 8, 8>, scalar_prefetch = 0 : i64, scratch_operands = 0 : i64, tpu.core_type = #tpu.core_type<tc>, window_params = [{transform_indices = @transform_0, window_bounds = array<i64: 1, 8, 2560>}, {transform_indices = @transform_1, window_bounds = array<i64: 8, 2560>}, {transform_indices = @transform_2, window_bounds = array<i64: 1, 56, 128>}, {transform_indices = @transform_3, window_bounds = array<i64: 1, 2, 56, 2560>}]} {
    %get3A = arith.constant 0 : index
    %get3A_0 = arith.constant 0 : index
    %get3A_1 = arith.constant 0 : index
    %get3A_2 = vector.load %arg2[%get3A, %get3A_0, %get3A_1] : memref<1x8x2560xf32, #tpu.memory_space<vmem>>, vector<1x8x2560xf32>
    %get3A_3 = vector.shape_cast %get3A_2 : vector<1x8x2560xf32> to vector<8x2560xf32>
    %get3A_4 = arith.constant 0 : index
    %get3A_5 = arith.constant 0 : index
    %get3A_6 = vector.load %arg3[%get3A_4, %get3A_5] : memref<8x2560xf32, #tpu.memory_space<vmem>>, vector<8x2560xf32>
    %get3A_7 = arith.constant 0 : index
    %get3A_8 = arith.constant 0 : index
    %get3A_9 = arith.constant 0 : index
    %get3A_10 = vector.load %arg4[%get3A_7, %get3A_8, %get3A_9] : memref<1x56x128xf32, #tpu.memory_space<vmem>>, vector<1x56x128xf32>
    %get3A_11 = vector.shape_cast %get3A_10 : vector<1x56x128xf32> to vector<56x128xf32>
    %slice3A = vector.extract_strided_slice %get3A_11 {offsets = [0, 0], sizes = [56, 1], strides = [1, 1]} : vector<56x128xf32> to vector<56x1xf32>
    %slice3A_12 = vector.extract_strided_slice %get3A_11 {offsets = [0, 1], sizes = [56, 1], strides = [1, 1]} : vector<56x128xf32> to vector<56x1xf32>
    %slice3A_13 = vector.extract_strided_slice %get3A_11 {offsets = [0, 2], sizes = [56, 1], strides = [1, 1]} : vector<56x128xf32> to vector<56x1xf32>
    %slice3A_14 = vector.extract_strided_slice %get3A_11 {offsets = [0, 3], sizes = [56, 1], strides = [1, 1]} : vector<56x128xf32> to vector<56x1xf32>
    %add3A = arith.addf %slice3A, %slice3A_13 : vector<56x1xf32>
    %mul3A = arith.constant 5.000000e-01 : f32
    %mul3A_15 = vector.broadcast %mul3A : f32 to vector<56x1xf32>
    %mul3A_16 = arith.mulf %add3A, %mul3A_15 : vector<56x1xf32>
    %add3A_17 = arith.addf %slice3A_12, %slice3A_14 : vector<56x1xf32>
    %mul3A_18 = arith.constant 5.000000e-01 : f32
    %mul3A_19 = vector.broadcast %mul3A_18 : f32 to vector<56x1xf32>
    %mul3A_20 = arith.mulf %add3A_17, %mul3A_19 : vector<56x1xf32>
    %sub3A = arith.subf %slice3A_13, %slice3A : vector<56x1xf32>
    %max3A = arith.constant 0.000000e+00 : f32
    %max3A_21 = vector.broadcast %max3A : f32 to vector<56x1xf32>
    %max3A_22 = arith.maximumf %sub3A, %max3A_21 : vector<56x1xf32>
    %sub3A_23 = arith.subf %slice3A_14, %slice3A_12 : vector<56x1xf32>
    %max3A_24 = arith.constant 0.000000e+00 : f32
    %max3A_25 = vector.broadcast %max3A_24 : f32 to vector<56x1xf32>
    %max3A_26 = arith.maximumf %sub3A_23, %max3A_25 : vector<56x1xf32>
    %mul3A_27 = arith.mulf %max3A_22, %max3A_26 : vector<56x1xf32>
    %iota3A = tpu.iota {dimensions = array<i32: 0>} : vector<56x1xi32>
    %lt3A = arith.constant 50 : i32
    %lt3A_28 = vector.broadcast %lt3A : i32 to vector<56x1xi32>
    %lt3A_29 = arith.cmpi slt, %iota3A, %lt3A_28 : vector<56x1xi32>
    %slice3A_30 = vector.extract_strided_slice %get3A_3 {offsets = [0, 0], sizes = [1, 2560], strides = [1, 1]} : vector<8x2560xf32> to vector<1x2560xf32>
    %slice3A_31 = vector.extract_strided_slice %get3A_3 {offsets = [1, 0], sizes = [1, 2560], strides = [1, 1]} : vector<8x2560xf32> to vector<1x2560xf32>
    %slice3A_32 = vector.extract_strided_slice %get3A_3 {offsets = [2, 0], sizes = [1, 2560], strides = [1, 1]} : vector<8x2560xf32> to vector<1x2560xf32>
    %slice3A_33 = vector.extract_strided_slice %get3A_3 {offsets = [3, 0], sizes = [1, 2560], strides = [1, 1]} : vector<8x2560xf32> to vector<1x2560xf32>
    %slice3A_34 = vector.extract_strided_slice %get3A_3 {offsets = [4, 0], sizes = [1, 2560], strides = [1, 1]} : vector<8x2560xf32> to vector<1x2560xf32>
    %slice3A_35 = vector.extract_strided_slice %get3A_6 {offsets = [0, 0], sizes = [1, 2560], strides = [1, 1]} : vector<8x2560xf32> to vector<1x2560xf32>
    %slice3A_36 = vector.extract_strided_slice %get3A_6 {offsets = [2, 0], sizes = [1, 2560], strides = [1, 1]} : vector<8x2560xf32> to vector<1x2560xf32>
    %mul3A_37 = arith.constant 5.000000e-01 : f32
    %mul3A_38 = vector.broadcast %mul3A_37 : f32 to vector<1x2560xf32>
    %mul3A_39 = arith.mulf %slice3A_36, %mul3A_38 : vector<1x2560xf32>
    %add3A_40 = arith.addf %slice3A_35, %mul3A_39 : vector<1x2560xf32>
    %slice3A_41 = vector.extract_strided_slice %get3A_6 {offsets = [1, 0], sizes = [1, 2560], strides = [1, 1]} : vector<8x2560xf32> to vector<1x2560xf32>
    %slice3A_42 = vector.extract_strided_slice %get3A_6 {offsets = [3, 0], sizes = [1, 2560], strides = [1, 1]} : vector<8x2560xf32> to vector<1x2560xf32>
    %mul3A_43 = arith.constant 5.000000e-01 : f32
    %mul3A_44 = vector.broadcast %mul3A_43 : f32 to vector<1x2560xf32>
    %mul3A_45 = arith.mulf %slice3A_42, %mul3A_44 : vector<1x2560xf32>
    %add3A_46 = arith.addf %slice3A_41, %mul3A_45 : vector<1x2560xf32>
    %slice3A_47 = vector.extract_strided_slice %get3A_6 {offsets = [2, 0], sizes = [1, 2560], strides = [1, 1]} : vector<8x2560xf32> to vector<1x2560xf32>
    %slice3A_48 = vector.extract_strided_slice %get3A_6 {offsets = [3, 0], sizes = [1, 2560], strides = [1, 1]} : vector<8x2560xf32> to vector<1x2560xf32>
    %gt3A = vector.broadcast %add3A_40 : vector<1x2560xf32> to vector<56x2560xf32>
    %gt3A_49 = vector.broadcast %slice3A : vector<56x1xf32> to vector<56x2560xf32>
    %gt3A_50 = arith.cmpf ogt, %gt3A, %gt3A_49 : vector<56x2560xf32>
    %gt3A_51 = vector.broadcast %add3A_46 : vector<1x2560xf32> to vector<56x2560xf32>
    %gt3A_52 = vector.broadcast %slice3A_12 : vector<56x1xf32> to vector<56x2560xf32>
    %gt3A_53 = arith.cmpf ogt, %gt3A_51, %gt3A_52 : vector<56x2560xf32>
    %and3A = arith.andi %gt3A_50, %gt3A_53 : vector<56x2560xi1>
    %lt3A_54 = vector.broadcast %add3A_40 : vector<1x2560xf32> to vector<56x2560xf32>
    %lt3A_55 = vector.broadcast %slice3A_13 : vector<56x1xf32> to vector<56x2560xf32>
    %lt3A_56 = arith.cmpf olt, %lt3A_54, %lt3A_55 : vector<56x2560xf32>
    %and3A_57 = arith.andi %and3A, %lt3A_56 : vector<56x2560xi1>
    %lt3A_58 = vector.broadcast %add3A_46 : vector<1x2560xf32> to vector<56x2560xf32>
    %lt3A_59 = vector.broadcast %slice3A_14 : vector<56x1xf32> to vector<56x2560xf32>
    %lt3A_60 = arith.cmpf olt, %lt3A_58, %lt3A_59 : vector<56x2560xf32>
    %and3A_61 = arith.andi %and3A_57, %lt3A_60 : vector<56x2560xi1>
    %mul3A_62 = arith.constant 2.500000e+00 : f32
    %mul3A_63 = vector.broadcast %mul3A_62 : f32 to vector<1x2560xf32>
    %mul3A_64 = arith.mulf %mul3A_63, %slice3A_47 : vector<1x2560xf32>
    %sub3A_65 = vector.broadcast %mul3A_16 : vector<56x1xf32> to vector<56x2560xf32>
    %sub3A_66 = vector.broadcast %mul3A_64 : vector<1x2560xf32> to vector<56x2560xf32>
    %sub3A_67 = arith.subf %sub3A_65, %sub3A_66 : vector<56x2560xf32>
    %gt3A_68 = vector.broadcast %add3A_40 : vector<1x2560xf32> to vector<56x2560xf32>
    %gt3A_69 = arith.cmpf ogt, %gt3A_68, %sub3A_67 : vector<56x2560xf32>
    %mul3A_70 = arith.constant 2.500000e+00 : f32
    %mul3A_71 = vector.broadcast %mul3A_70 : f32 to vector<1x2560xf32>
    %mul3A_72 = arith.mulf %mul3A_71, %slice3A_48 : vector<1x2560xf32>
    %sub3A_73 = vector.broadcast %mul3A_20 : vector<56x1xf32> to vector<56x2560xf32>
    %sub3A_74 = vector.broadcast %mul3A_72 : vector<1x2560xf32> to vector<56x2560xf32>
    %sub3A_75 = arith.subf %sub3A_73, %sub3A_74 : vector<56x2560xf32>
    %gt3A_76 = vector.broadcast %add3A_46 : vector<1x2560xf32> to vector<56x2560xf32>
    %gt3A_77 = arith.cmpf ogt, %gt3A_76, %sub3A_75 : vector<56x2560xf32>
    %and3A_78 = arith.andi %gt3A_69, %gt3A_77 : vector<56x2560xi1>
    %mul3A_79 = arith.constant 2.500000e+00 : f32
    %mul3A_80 = vector.broadcast %mul3A_79 : f32 to vector<1x2560xf32>
    %mul3A_81 = arith.mulf %mul3A_80, %slice3A_47 : vector<1x2560xf32>
    %add3A_82 = vector.broadcast %mul3A_16 : vector<56x1xf32> to vector<56x2560xf32>
    %add3A_83 = vector.broadcast %mul3A_81 : vector<1x2560xf32> to vector<56x2560xf32>
    %add3A_84 = arith.addf %add3A_82, %add3A_83 : vector<56x2560xf32>
    %lt3A_85 = vector.broadcast %add3A_40 : vector<1x2560xf32> to vector<56x2560xf32>
    %lt3A_86 = arith.cmpf olt, %lt3A_85, %add3A_84 : vector<56x2560xf32>
    %and3A_87 = arith.andi %and3A_78, %lt3A_86 : vector<56x2560xi1>
    %mul3A_88 = arith.constant 2.500000e+00 : f32
    %mul3A_89 = vector.broadcast %mul3A_88 : f32 to vector<1x2560xf32>
    %mul3A_90 = arith.mulf %mul3A_89, %slice3A_48 : vector<1x2560xf32>
    %add3A_91 = vector.broadcast %mul3A_20 : vector<56x1xf32> to vector<56x2560xf32>
    %add3A_92 = vector.broadcast %mul3A_90 : vector<1x2560xf32> to vector<56x2560xf32>
    %add3A_93 = arith.addf %add3A_91, %add3A_92 : vector<56x2560xf32>
    %lt3A_94 = vector.broadcast %add3A_46 : vector<1x2560xf32> to vector<56x2560xf32>
    %lt3A_95 = arith.cmpf olt, %lt3A_94, %add3A_93 : vector<56x2560xf32>
    %and3A_96 = arith.andi %and3A_87, %lt3A_95 : vector<56x2560xi1>
    %or3A = arith.ori %and3A_61, %and3A_96 : vector<56x2560xi1>
    %jit3A = arith.constant 1.000000e+00 : f32
    %jit3A_97 = arith.constant 0.000000e+00 : f32
    %broadcast_in_dim3A = vector.broadcast %jit3A : f32 to vector<56x2560xf32>
    %broadcast_in_dim3A_98 = vector.broadcast %jit3A_97 : f32 to vector<56x2560xf32>
    %select_n3A = arith.select %or3A, %broadcast_in_dim3A, %broadcast_in_dim3A_98 : vector<56x2560xi1>, vector<56x2560xf32>
    %reduce_max3A = arith.constant dense<0xFF800000> : vector<2560xf32>
    %reduce_max3A_99 = vector.multi_reduction <maximumf>, %select_n3A, %reduce_max3A [0] : vector<56x2560xf32> to vector<2560xf32>
    %broadcast_in_dim3A_100 = vector.shape_cast %reduce_max3A_99 : vector<2560xf32> to vector<1x2560xf32>
    %gt3A_101 = arith.constant 0.000000e+00 : f32
    %gt3A_102 = vector.broadcast %gt3A_101 : f32 to vector<1x2560xf32>
    %gt3A_103 = arith.cmpf ogt, %broadcast_in_dim3A_100, %gt3A_102 : vector<1x2560xf32>
    %min3A = vector.broadcast %slice3A_33 : vector<1x2560xf32> to vector<56x2560xf32>
    %min3A_104 = vector.broadcast %slice3A_13 : vector<56x1xf32> to vector<56x2560xf32>
    %min3A_105 = arith.minimumf %min3A, %min3A_104 : vector<56x2560xf32>
    %max3A_106 = vector.broadcast %slice3A_31 : vector<1x2560xf32> to vector<56x2560xf32>
    %max3A_107 = vector.broadcast %slice3A : vector<56x1xf32> to vector<56x2560xf32>
    %max3A_108 = arith.maximumf %max3A_106, %max3A_107 : vector<56x2560xf32>
    %sub3A_109 = arith.subf %min3A_105, %max3A_108 : vector<56x2560xf32>
    %max3A_110 = arith.constant 0.000000e+00 : f32
    %max3A_111 = vector.broadcast %max3A_110 : f32 to vector<56x2560xf32>
    %max3A_112 = arith.maximumf %sub3A_109, %max3A_111 : vector<56x2560xf32>
    %min3A_113 = vector.broadcast %slice3A_34 : vector<1x2560xf32> to vector<56x2560xf32>
    %min3A_114 = vector.broadcast %slice3A_14 : vector<56x1xf32> to vector<56x2560xf32>
    %min3A_115 = arith.minimumf %min3A_113, %min3A_114 : vector<56x2560xf32>
    %max3A_116 = vector.broadcast %slice3A_32 : vector<1x2560xf32> to vector<56x2560xf32>
    %max3A_117 = vector.broadcast %slice3A_12 : vector<56x1xf32> to vector<56x2560xf32>
    %max3A_118 = arith.maximumf %max3A_116, %max3A_117 : vector<56x2560xf32>
    %sub3A_119 = arith.subf %min3A_115, %max3A_118 : vector<56x2560xf32>
    %max3A_120 = arith.constant 0.000000e+00 : f32
    %max3A_121 = vector.broadcast %max3A_120 : f32 to vector<56x2560xf32>
    %max3A_122 = arith.maximumf %sub3A_119, %max3A_121 : vector<56x2560xf32>
    %mul3A_123 = arith.mulf %max3A_112, %max3A_122 : vector<56x2560xf32>
    %sub3A_124 = arith.subf %slice3A_33, %slice3A_31 : vector<1x2560xf32>
    %max3A_125 = arith.constant 0.000000e+00 : f32
    %max3A_126 = vector.broadcast %max3A_125 : f32 to vector<1x2560xf32>
    %max3A_127 = arith.maximumf %sub3A_124, %max3A_126 : vector<1x2560xf32>
    %sub3A_128 = arith.subf %slice3A_34, %slice3A_32 : vector<1x2560xf32>
    %max3A_129 = arith.constant 0.000000e+00 : f32
    %max3A_130 = vector.broadcast %max3A_129 : f32 to vector<1x2560xf32>
    %max3A_131 = arith.maximumf %sub3A_128, %max3A_130 : vector<1x2560xf32>
    %mul3A_132 = arith.mulf %max3A_127, %max3A_131 : vector<1x2560xf32>
    %add3A_133 = vector.broadcast %mul3A_132 : vector<1x2560xf32> to vector<56x2560xf32>
    %add3A_134 = vector.broadcast %mul3A_27 : vector<56x1xf32> to vector<56x2560xf32>
    %add3A_135 = arith.addf %add3A_133, %add3A_134 : vector<56x2560xf32>
    %sub3A_136 = arith.subf %add3A_135, %mul3A_123 : vector<56x2560xf32>
    %max3A_137 = arith.constant 1.000000e-07 : f32
    %max3A_138 = vector.broadcast %max3A_137 : f32 to vector<56x2560xf32>
    %max3A_139 = arith.maximumf %sub3A_136, %max3A_138 : vector<56x2560xf32>
    %div3A = arith.divf %mul3A_123, %max3A_139 : vector<56x2560xf32>
    %add3A_140 = arith.constant 1.000000e-07 : f32
    %add3A_141 = vector.broadcast %add3A_140 : f32 to vector<56x2560xf32>
    %add3A_142 = arith.addf %div3A, %add3A_141 : vector<56x2560xf32>
    %log3A = math.log %add3A_142 : vector<56x2560xf32>
    %neg3A = arith.constant 0.000000e+00 : f32
    %neg3A_143 = vector.broadcast %neg3A : f32 to vector<56x2560xf32>
    %neg3A_144 = arith.subf %neg3A_143, %log3A : vector<56x2560xf32>
    %jit3A_145 = arith.constant 1.000000e-07 : f32
    %jit3A_146 = arith.constant 1.000000e+00 : f32
    %max3A_147 = vector.broadcast %jit3A_145 : f32 to vector<1x2560xf32>
    %max3A_148 = arith.maximumf %max3A_147, %slice3A_30 : vector<1x2560xf32>
    %min3A_149 = vector.broadcast %jit3A_146 : f32 to vector<1x2560xf32>
    %min3A_150 = arith.minimumf %min3A_149, %max3A_148 : vector<1x2560xf32>
    %sqrt3A = math.sqrt %min3A_150 : vector<1x2560xf32>
    %jit3A_151 = arith.constant 1.000000e-07 : f32
    %jit3A_152 = arith.constant 1.000000e+00 : f32
    %max3A_153 = vector.broadcast %jit3A_151 : f32 to vector<1x2560xf32>
    %max3A_154 = arith.maximumf %max3A_153, %sqrt3A : vector<1x2560xf32>
    %min3A_155 = vector.broadcast %jit3A_152 : f32 to vector<1x2560xf32>
    %min3A_156 = arith.minimumf %min3A_155, %max3A_154 : vector<1x2560xf32>
    %log3A_157 = math.log %min3A_156 : vector<1x2560xf32>
    %neg3A_158 = arith.constant 0.000000e+00 : f32
    %neg3A_159 = vector.broadcast %neg3A_158 : f32 to vector<1x2560xf32>
    %neg3A_160 = arith.subf %neg3A_159, %log3A_157 : vector<1x2560xf32>
    %mul3A_161 = arith.constant 3.000000e+00 : f32
    %mul3A_162 = vector.broadcast %mul3A_161 : f32 to vector<56x2560xf32>
    %mul3A_163 = arith.mulf %mul3A_162, %neg3A_144 : vector<56x2560xf32>
    %add3A_164 = vector.broadcast %neg3A_160 : vector<1x2560xf32> to vector<56x2560xf32>
    %add3A_165 = arith.addf %add3A_164, %mul3A_163 : vector<56x2560xf32>
    %and3A_166 = arith.andi %and3A_61, %and3A_96 : vector<56x2560xi1>
    %jit3A_167 = arith.constant 0.000000e+00 : f32
    %jit3A_168 = arith.constant 1.000000e+05 : f32
    %broadcast_in_dim3A_169 = vector.broadcast %jit3A_167 : f32 to vector<56x2560xf32>
    %broadcast_in_dim3A_170 = vector.broadcast %jit3A_168 : f32 to vector<56x2560xf32>
    %select_n3A_171 = arith.select %and3A_166, %broadcast_in_dim3A_169, %broadcast_in_dim3A_170 : vector<56x2560xi1>, vector<56x2560xf32>
    %add3A_172 = arith.addf %add3A_165, %select_n3A_171 : vector<56x2560xf32>
    %jit3A_173 = arith.constant 1.000000e+10 : f32
    %broadcast_in_dim3A_174 = vector.shape_cast %gt3A_103 : vector<1x2560xi1> to vector<1x2560xi1>
    %broadcast_in_dim3A_175 = vector.broadcast %broadcast_in_dim3A_174 : vector<1x2560xi1> to vector<56x2560xi1>
    %broadcast_in_dim3A_176 = vector.broadcast %jit3A_173 : f32 to vector<56x2560xf32>
    %select_n3A_177 = arith.select %broadcast_in_dim3A_175, %add3A_172, %broadcast_in_dim3A_176 : vector<56x2560xi1>, vector<56x2560xf32>
    %jit3A_178 = arith.constant 1.000000e+30 : f32
    %broadcast_in_dim3A_179 = vector.shape_cast %lt3A_29 : vector<56x1xi1> to vector<56x1xi1>
    %broadcast_in_dim3A_180 = vector.broadcast %broadcast_in_dim3A_179 : vector<56x1xi1> to vector<56x2560xi1>
    %broadcast_in_dim3A_181 = vector.broadcast %jit3A_178 : f32 to vector<56x2560xf32>
    %select_n3A_182 = arith.select %broadcast_in_dim3A_180, %select_n3A_177, %broadcast_in_dim3A_181 : vector<56x2560xi1>, vector<56x2560xf32>
    %jit3A_183 = arith.constant 0.000000e+00 : f32
    %broadcast_in_dim3A_184 = vector.shape_cast %gt3A_103 : vector<1x2560xi1> to vector<1x2560xi1>
    %broadcast_in_dim3A_185 = vector.broadcast %broadcast_in_dim3A_184 : vector<1x2560xi1> to vector<56x2560xi1>
    %broadcast_in_dim3A_186 = vector.broadcast %jit3A_183 : f32 to vector<56x2560xf32>
    %select_n3A_187 = arith.select %broadcast_in_dim3A_185, %div3A, %broadcast_in_dim3A_186 : vector<56x2560xi1>, vector<56x2560xf32>
    %jit3A_188 = arith.constant -1.000000e+00 : f32
    %broadcast_in_dim3A_189 = vector.shape_cast %lt3A_29 : vector<56x1xi1> to vector<56x1xi1>
    %broadcast_in_dim3A_190 = vector.broadcast %broadcast_in_dim3A_189 : vector<56x1xi1> to vector<56x2560xi1>
    %broadcast_in_dim3A_191 = vector.broadcast %jit3A_188 : f32 to vector<56x2560xf32>
    %select_n3A_192 = arith.select %broadcast_in_dim3A_190, %select_n3A_187, %broadcast_in_dim3A_191 : vector<56x2560xi1>, vector<56x2560xf32>
    %swap3A = arith.constant 0 : index
    %swap3A_193 = arith.constant 0 : index
    %swap3A_194 = arith.constant 0 : index
    %swap3A_195 = arith.constant 0 : index
    %swap3A_196 = vector.load %arg5[%swap3A, %swap3A_193, %swap3A_194, %swap3A_195] : memref<1x2x56x2560xf32, #tpu.memory_space<vmem>>, vector<1x1x56x2560xf32>
    %swap3A_197 = vector.shape_cast %swap3A_196 : vector<1x1x56x2560xf32> to vector<56x2560xf32>
    %swap3A_198 = vector.shape_cast %select_n3A_182 : vector<56x2560xf32> to vector<1x1x56x2560xf32>
    tpu.vector_store %arg5[%swap3A, %swap3A_193, %swap3A_194, %swap3A_195], %swap3A_198 {strides = array<i32>} : memref<1x2x56x2560xf32, #tpu.memory_space<vmem>>, vector<1x1x56x2560xf32>,
    %swap3A_199 = arith.constant 0 : index
    %swap3A_200 = arith.constant 1 : index
    %swap3A_201 = arith.constant 0 : index
    %swap3A_202 = arith.constant 0 : index
    %swap3A_203 = vector.load %arg5[%swap3A_199, %swap3A_200, %swap3A_201, %swap3A_202] : memref<1x2x56x2560xf32, #tpu.memory_space<vmem>>, vector<1x1x56x2560xf32>
    %swap3A_204 = vector.shape_cast %swap3A_203 : vector<1x1x56x2560xf32> to vector<56x2560xf32>
    %swap3A_205 = vector.shape_cast %select_n3A_192 : vector<56x2560xf32> to vector<1x1x56x2560xf32>
    tpu.vector_store %arg5[%swap3A_199, %swap3A_200, %swap3A_201, %swap3A_202], %swap3A_205 {strides = array<i32>} : memref<1x2x56x2560xf32, #tpu.memory_space<vmem>>, vector<1x1x56x2560xf32>,
    return
  }
  func.func @transform_0(%arg0: i32, %arg1: i32) -> (i32, i32, i32) {
    %c0_i32 = arith.constant 0 : i32
    %c0_i32_0 = arith.constant 0 : i32
    return %arg0, %c0_i32, %arg1 : i32, i32, i32
  }
  func.func @transform_1(%arg0: i32, %arg1: i32) -> (i32, i32) {
    %c0_i32 = arith.constant 0 : i32
    %c0_i32_0 = arith.constant 0 : i32
    return %c0_i32, %arg1 : i32, i32
  }
  func.func @transform_2(%arg0: i32, %arg1: i32) -> (i32, i32, i32) {
    %c0_i32 = arith.constant 0 : i32
    %c0_i32_0 = arith.constant 0 : i32
    %c0_i32_1 = arith.constant 0 : i32
    return %arg0, %c0_i32, %c0_i32_0 : i32, i32, i32
  }
  func.func @transform_3(%arg0: i32, %arg1: i32) -> (i32, i32, i32, i32) {
    %c0_i32 = arith.constant 0 : i32
    %c0_i32_0 = arith.constant 0 : i32
    %c0_i32_1 = arith.constant 0 : i32
    return %arg0, %c0_i32, %c0_i32_0, %arg1 : i32, i32, i32, i32
  }
}

module attributes {stable_mosaic.version = 14 : i64} {
  func.func @_fin_kernel(%arg0: i32, %arg1: memref<1x8x20480xf32, #tpu.memory_space<vmem>>, %arg2: memref<1x8x20480xf32, #tpu.memory_space<vmem>>, %arg3: memref<1x56x128xf32, #tpu.memory_space<vmem>>, %arg4: memref<1x1x56x20480xf32, #tpu.memory_space<vmem>>, %arg5: memref<1x1x56x20480xf32, #tpu.memory_space<vmem>>, %arg6: memref<1x2x56x16xf32, #tpu.memory_space<vmem>>, %arg7: memref<8x128xf32, #tpu.memory_space<vmem>>) attributes {dimension_semantics = [#tpu.dimension_semantics<arbitrary>], iteration_bounds = array<i64: 8>, scalar_prefetch = 0 : i64, scratch_operands = 0 : i64, tpu.core_type = #tpu.core_type<tc>, window_params = [{transform_indices = @transform_0, window_bounds = array<i64: 1, 8, 20480>}, {transform_indices = @transform_1, window_bounds = array<i64: 1, 8, 20480>}, {transform_indices = @transform_2, window_bounds = array<i64: 1, 56, 128>}, {transform_indices = @transform_3, window_bounds = array<i64: 1, 1, 56, 20480>}, {transform_indices = @transform_4, window_bounds = array<i64: 1, 1, 56, 20480>}, {transform_indices = @transform_5, window_bounds = array<i64: 1, 2, 56, 16>}, {pipeline_mode = #tpu.pipeline_mode<synchronous>, transform_indices = @transform_6, window_bounds = array<i64: 8, 128>}]} {
    %get3A = arith.constant 0 : index
    %get3A_0 = arith.constant 0 : index
    %get3A_1 = arith.constant 0 : index
    %get3A_2 = vector.load %arg1[%get3A, %get3A_0, %get3A_1] : memref<1x8x20480xf32, #tpu.memory_space<vmem>>, vector<1x8x20480xf32>
    %get3A_3 = vector.shape_cast %get3A_2 : vector<1x8x20480xf32> to vector<8x20480xf32>
    %get3A_4 = arith.constant 0 : index
    %get3A_5 = arith.constant 0 : index
    %get3A_6 = arith.constant 0 : index
    %get3A_7 = vector.load %arg3[%get3A_4, %get3A_5, %get3A_6] : memref<1x56x128xf32, #tpu.memory_space<vmem>>, vector<1x56x128xf32>
    %get3A_8 = vector.shape_cast %get3A_7 : vector<1x56x128xf32> to vector<56x128xf32>
    %slice3A = vector.extract_strided_slice %get3A_8 {offsets = [0, 0], sizes = [56, 1], strides = [1, 1]} : vector<56x128xf32> to vector<56x1xf32>
    %slice3A_9 = vector.extract_strided_slice %get3A_8 {offsets = [0, 1], sizes = [56, 1], strides = [1, 1]} : vector<56x128xf32> to vector<56x1xf32>
    %slice3A_10 = vector.extract_strided_slice %get3A_8 {offsets = [0, 2], sizes = [56, 1], strides = [1, 1]} : vector<56x128xf32> to vector<56x1xf32>
    %slice3A_11 = vector.extract_strided_slice %get3A_8 {offsets = [0, 3], sizes = [56, 1], strides = [1, 1]} : vector<56x128xf32> to vector<56x1xf32>
    %iota3A = tpu.iota {dimensions = array<i32: 0>} : vector<56x1xi32>
    %iota3A_12 = tpu.iota {dimensions = array<i32: 1>} : vector<1x20480xi32>
    %get3A_13 = arith.constant 0 : index
    %get3A_14 = arith.constant 0 : index
    %get3A_15 = arith.constant 0 : index
    %get3A_16 = arith.constant 0 : index
    %get3A_17 = vector.load %arg6[%get3A_13, %get3A_14, %get3A_15, %get3A_16] : memref<1x2x56x16xf32, #tpu.memory_space<vmem>>, vector<1x2x56x16xf32>
    %get3A_18 = vector.shape_cast %get3A_17 : vector<1x2x56x16xf32> to vector<2x56x16xf32>
    %slice3A_19 = vector.extract_strided_slice %get3A_18 {offsets = [0, 0, 0], sizes = [1, 56, 16], strides = [1, 1, 1]} : vector<2x56x16xf32> to vector<1x56x16xf32>
    %squeeze3A = vector.shape_cast %slice3A_19 : vector<1x56x16xf32> to vector<56x16xf32>
    %slice3A_20 = vector.extract_strided_slice %get3A_18 {offsets = [1, 0, 0], sizes = [1, 56, 16], strides = [1, 1, 1]} : vector<2x56x16xf32> to vector<1x56x16xf32>
    %squeeze3A_21 = vector.shape_cast %slice3A_20 : vector<1x56x16xf32> to vector<56x16xf32>
    %broadcast_in_dim3A = arith.constant 0.000000e+00 : f32
    %broadcast_in_dim3A_22 = vector.broadcast %broadcast_in_dim3A : f32 to vector<56x1xf32>
    %slice3A_23 = vector.extract_strided_slice %squeeze3A_21 {offsets = [0, 0], sizes = [56, 1], strides = [1, 1]} : vector<56x16xf32> to vector<56x1xf32>
    %max3A = arith.constant 0.000000e+00 : f32
    %max3A_24 = vector.broadcast %max3A : f32 to vector<56x1xf32>
    %max3A_25 = arith.maximumf %slice3A_23, %max3A_24 : vector<56x1xf32>
    %add3A = arith.addf %broadcast_in_dim3A_22, %max3A_25 : vector<56x1xf32>
    %slice3A_26 = vector.extract_strided_slice %squeeze3A_21 {offsets = [0, 1], sizes = [56, 1], strides = [1, 1]} : vector<56x16xf32> to vector<56x1xf32>
    %max3A_27 = arith.constant 0.000000e+00 : f32
    %max3A_28 = vector.broadcast %max3A_27 : f32 to vector<56x1xf32>
    %max3A_29 = arith.maximumf %slice3A_26, %max3A_28 : vector<56x1xf32>
    %add3A_30 = arith.addf %add3A, %max3A_29 : vector<56x1xf32>
    %slice3A_31 = vector.extract_strided_slice %squeeze3A_21 {offsets = [0, 2], sizes = [56, 1], strides = [1, 1]} : vector<56x16xf32> to vector<56x1xf32>
    %max3A_32 = arith.constant 0.000000e+00 : f32
    %max3A_33 = vector.broadcast %max3A_32 : f32 to vector<56x1xf32>
    %max3A_34 = arith.maximumf %slice3A_31, %max3A_33 : vector<56x1xf32>
    %add3A_35 = arith.addf %add3A_30, %max3A_34 : vector<56x1xf32>
    %slice3A_36 = vector.extract_strided_slice %squeeze3A_21 {offsets = [0, 3], sizes = [56, 1], strides = [1, 1]} : vector<56x16xf32> to vector<56x1xf32>
    %max3A_37 = arith.constant 0.000000e+00 : f32
    %max3A_38 = vector.broadcast %max3A_37 : f32 to vector<56x1xf32>
    %max3A_39 = arith.maximumf %slice3A_36, %max3A_38 : vector<56x1xf32>
    %add3A_40 = arith.addf %add3A_35, %max3A_39 : vector<56x1xf32>
    %slice3A_41 = vector.extract_strided_slice %squeeze3A_21 {offsets = [0, 4], sizes = [56, 1], strides = [1, 1]} : vector<56x16xf32> to vector<56x1xf32>
    %max3A_42 = arith.constant 0.000000e+00 : f32
    %max3A_43 = vector.broadcast %max3A_42 : f32 to vector<56x1xf32>
    %max3A_44 = arith.maximumf %slice3A_41, %max3A_43 : vector<56x1xf32>
    %add3A_45 = arith.addf %add3A_40, %max3A_44 : vector<56x1xf32>
    %slice3A_46 = vector.extract_strided_slice %squeeze3A_21 {offsets = [0, 5], sizes = [56, 1], strides = [1, 1]} : vector<56x16xf32> to vector<56x1xf32>
    %max3A_47 = arith.constant 0.000000e+00 : f32
    %max3A_48 = vector.broadcast %max3A_47 : f32 to vector<56x1xf32>
    %max3A_49 = arith.maximumf %slice3A_46, %max3A_48 : vector<56x1xf32>
    %add3A_50 = arith.addf %add3A_45, %max3A_49 : vector<56x1xf32>
    %slice3A_51 = vector.extract_strided_slice %squeeze3A_21 {offsets = [0, 6], sizes = [56, 1], strides = [1, 1]} : vector<56x16xf32> to vector<56x1xf32>
    %max3A_52 = arith.constant 0.000000e+00 : f32
    %max3A_53 = vector.broadcast %max3A_52 : f32 to vector<56x1xf32>
    %max3A_54 = arith.maximumf %slice3A_51, %max3A_53 : vector<56x1xf32>
    %add3A_55 = arith.addf %add3A_50, %max3A_54 : vector<56x1xf32>
    %slice3A_56 = vector.extract_strided_slice %squeeze3A_21 {offsets = [0, 7], sizes = [56, 1], strides = [1, 1]} : vector<56x16xf32> to vector<56x1xf32>
    %max3A_57 = arith.constant 0.000000e+00 : f32
    %max3A_58 = vector.broadcast %max3A_57 : f32 to vector<56x1xf32>
    %max3A_59 = arith.maximumf %slice3A_56, %max3A_58 : vector<56x1xf32>
    %add3A_60 = arith.addf %add3A_55, %max3A_59 : vector<56x1xf32>
    %slice3A_61 = vector.extract_strided_slice %squeeze3A_21 {offsets = [0, 8], sizes = [56, 1], strides = [1, 1]} : vector<56x16xf32> to vector<56x1xf32>
    %max3A_62 = arith.constant 0.000000e+00 : f32
    %max3A_63 = vector.broadcast %max3A_62 : f32 to vector<56x1xf32>
    %max3A_64 = arith.maximumf %slice3A_61, %max3A_63 : vector<56x1xf32>
    %add3A_65 = arith.addf %add3A_60, %max3A_64 : vector<56x1xf32>
    %slice3A_66 = vector.extract_strided_slice %squeeze3A_21 {offsets = [0, 9], sizes = [56, 1], strides = [1, 1]} : vector<56x16xf32> to vector<56x1xf32>
    %max3A_67 = arith.constant 0.000000e+00 : f32
    %max3A_68 = vector.broadcast %max3A_67 : f32 to vector<56x1xf32>
    %max3A_69 = arith.maximumf %slice3A_66, %max3A_68 : vector<56x1xf32>
    %add3A_70 = arith.addf %add3A_65, %max3A_69 : vector<56x1xf32>
    %convert_element_type3A = arith.fptosi %add3A_70 : vector<56x1xf32> to vector<56x1xi32>
    %max3A_71 = arith.constant 1 : i32
    %max3A_72 = vector.broadcast %max3A_71 : i32 to vector<56x1xi32>
    %max3A_73 = arith.maxsi %convert_element_type3A, %max3A_72 : vector<56x1xi32>
    %broadcast_in_dim3A_74 = arith.constant 0.000000e+00 : f32
    %broadcast_in_dim3A_75 = vector.broadcast %broadcast_in_dim3A_74 : f32 to vector<56x1xf32>
    %eq3A = arith.constant 1 : i32
    %eq3A_76 = vector.broadcast %eq3A : i32 to vector<56x1xi32>
    %eq3A_77 = arith.cmpi eq, %max3A_73, %eq3A_76 : vector<56x1xi32>
    %slice3A_78 = vector.extract_strided_slice %squeeze3A {offsets = [0, 0], sizes = [56, 1], strides = [1, 1]} : vector<56x16xf32> to vector<56x1xf32>
    %jit3A = arith.constant 0.000000e+00 : f32
    %broadcast_in_dim3A_79 = vector.broadcast %jit3A : f32 to vector<56x1xf32>
    %select_n3A = arith.select %eq3A_77, %slice3A_78, %broadcast_in_dim3A_79 : vector<56x1xi1>, vector<56x1xf32>
    %add3A_80 = arith.addf %broadcast_in_dim3A_75, %select_n3A : vector<56x1xf32>
    %eq3A_81 = arith.constant 2 : i32
    %eq3A_82 = vector.broadcast %eq3A_81 : i32 to vector<56x1xi32>
    %eq3A_83 = arith.cmpi eq, %max3A_73, %eq3A_82 : vector<56x1xi32>
    %slice3A_84 = vector.extract_strided_slice %squeeze3A {offsets = [0, 1], sizes = [56, 1], strides = [1, 1]} : vector<56x16xf32> to vector<56x1xf32>
    %jit3A_85 = arith.constant 0.000000e+00 : f32
    %broadcast_in_dim3A_86 = vector.broadcast %jit3A_85 : f32 to vector<56x1xf32>
    %select_n3A_87 = arith.select %eq3A_83, %slice3A_84, %broadcast_in_dim3A_86 : vector<56x1xi1>, vector<56x1xf32>
    %add3A_88 = arith.addf %add3A_80, %select_n3A_87 : vector<56x1xf32>
    %eq3A_89 = arith.constant 3 : i32
    %eq3A_90 = vector.broadcast %eq3A_89 : i32 to vector<56x1xi32>
    %eq3A_91 = arith.cmpi eq, %max3A_73, %eq3A_90 : vector<56x1xi32>
    %slice3A_92 = vector.extract_strided_slice %squeeze3A {offsets = [0, 2], sizes = [56, 1], strides = [1, 1]} : vector<56x16xf32> to vector<56x1xf32>
    %jit3A_93 = arith.constant 0.000000e+00 : f32
    %broadcast_in_dim3A_94 = vector.broadcast %jit3A_93 : f32 to vector<56x1xf32>
    %select_n3A_95 = arith.select %eq3A_91, %slice3A_92, %broadcast_in_dim3A_94 : vector<56x1xi1>, vector<56x1xf32>
    %add3A_96 = arith.addf %add3A_88, %select_n3A_95 : vector<56x1xf32>
    %eq3A_97 = arith.constant 4 : i32
    %eq3A_98 = vector.broadcast %eq3A_97 : i32 to vector<56x1xi32>
    %eq3A_99 = arith.cmpi eq, %max3A_73, %eq3A_98 : vector<56x1xi32>
    %slice3A_100 = vector.extract_strided_slice %squeeze3A {offsets = [0, 3], sizes = [56, 1], strides = [1, 1]} : vector<56x16xf32> to vector<56x1xf32>
    %jit3A_101 = arith.constant 0.000000e+00 : f32
    %broadcast_in_dim3A_102 = vector.broadcast %jit3A_101 : f32 to vector<56x1xf32>
    %select_n3A_103 = arith.select %eq3A_99, %slice3A_100, %broadcast_in_dim3A_102 : vector<56x1xi1>, vector<56x1xf32>
    %add3A_104 = arith.addf %add3A_96, %select_n3A_103 : vector<56x1xf32>
    %eq3A_105 = arith.constant 5 : i32
    %eq3A_106 = vector.broadcast %eq3A_105 : i32 to vector<56x1xi32>
    %eq3A_107 = arith.cmpi eq, %max3A_73, %eq3A_106 : vector<56x1xi32>
    %slice3A_108 = vector.extract_strided_slice %squeeze3A {offsets = [0, 4], sizes = [56, 1], strides = [1, 1]} : vector<56x16xf32> to vector<56x1xf32>
    %jit3A_109 = arith.constant 0.000000e+00 : f32
    %broadcast_in_dim3A_110 = vector.broadcast %jit3A_109 : f32 to vector<56x1xf32>
    %select_n3A_111 = arith.select %eq3A_107, %slice3A_108, %broadcast_in_dim3A_110 : vector<56x1xi1>, vector<56x1xf32>
    %add3A_112 = arith.addf %add3A_104, %select_n3A_111 : vector<56x1xf32>
    %eq3A_113 = arith.constant 6 : i32
    %eq3A_114 = vector.broadcast %eq3A_113 : i32 to vector<56x1xi32>
    %eq3A_115 = arith.cmpi eq, %max3A_73, %eq3A_114 : vector<56x1xi32>
    %slice3A_116 = vector.extract_strided_slice %squeeze3A {offsets = [0, 5], sizes = [56, 1], strides = [1, 1]} : vector<56x16xf32> to vector<56x1xf32>
    %jit3A_117 = arith.constant 0.000000e+00 : f32
    %broadcast_in_dim3A_118 = vector.broadcast %jit3A_117 : f32 to vector<56x1xf32>
    %select_n3A_119 = arith.select %eq3A_115, %slice3A_116, %broadcast_in_dim3A_118 : vector<56x1xi1>, vector<56x1xf32>
    %add3A_120 = arith.addf %add3A_112, %select_n3A_119 : vector<56x1xf32>
    %eq3A_121 = arith.constant 7 : i32
    %eq3A_122 = vector.broadcast %eq3A_121 : i32 to vector<56x1xi32>
    %eq3A_123 = arith.cmpi eq, %max3A_73, %eq3A_122 : vector<56x1xi32>
    %slice3A_124 = vector.extract_strided_slice %squeeze3A {offsets = [0, 6], sizes = [56, 1], strides = [1, 1]} : vector<56x16xf32> to vector<56x1xf32>
    %jit3A_125 = arith.constant 0.000000e+00 : f32
    %broadcast_in_dim3A_126 = vector.broadcast %jit3A_125 : f32 to vector<56x1xf32>
    %select_n3A_127 = arith.select %eq3A_123, %slice3A_124, %broadcast_in_dim3A_126 : vector<56x1xi1>, vector<56x1xf32>
    %add3A_128 = arith.addf %add3A_120, %select_n3A_127 : vector<56x1xf32>
    %eq3A_129 = arith.constant 8 : i32
    %eq3A_130 = vector.broadcast %eq3A_129 : i32 to vector<56x1xi32>
    %eq3A_131 = arith.cmpi eq, %max3A_73, %eq3A_130 : vector<56x1xi32>
    %slice3A_132 = vector.extract_strided_slice %squeeze3A {offsets = [0, 7], sizes = [56, 1], strides = [1, 1]} : vector<56x16xf32> to vector<56x1xf32>
    %jit3A_133 = arith.constant 0.000000e+00 : f32
    %broadcast_in_dim3A_134 = vector.broadcast %jit3A_133 : f32 to vector<56x1xf32>
    %select_n3A_135 = arith.select %eq3A_131, %slice3A_132, %broadcast_in_dim3A_134 : vector<56x1xi1>, vector<56x1xf32>
    %add3A_136 = arith.addf %add3A_128, %select_n3A_135 : vector<56x1xf32>
    %eq3A_137 = arith.constant 9 : i32
    %eq3A_138 = vector.broadcast %eq3A_137 : i32 to vector<56x1xi32>
    %eq3A_139 = arith.cmpi eq, %max3A_73, %eq3A_138 : vector<56x1xi32>
    %slice3A_140 = vector.extract_strided_slice %squeeze3A {offsets = [0, 8], sizes = [56, 1], strides = [1, 1]} : vector<56x16xf32> to vector<56x1xf32>
    %jit3A_141 = arith.constant 0.000000e+00 : f32
    %broadcast_in_dim3A_142 = vector.broadcast %jit3A_141 : f32 to vector<56x1xf32>
    %select_n3A_143 = arith.select %eq3A_139, %slice3A_140, %broadcast_in_dim3A_142 : vector<56x1xi1>, vector<56x1xf32>
    %add3A_144 = arith.addf %add3A_136, %select_n3A_143 : vector<56x1xf32>
    %eq3A_145 = arith.constant 10 : i32
    %eq3A_146 = vector.broadcast %eq3A_145 : i32 to vector<56x1xi32>
    %eq3A_147 = arith.cmpi eq, %max3A_73, %eq3A_146 : vector<56x1xi32>
    %slice3A_148 = vector.extract_strided_slice %squeeze3A {offsets = [0, 9], sizes = [56, 1], strides = [1, 1]} : vector<56x16xf32> to vector<56x1xf32>
    %jit3A_149 = arith.constant 0.000000e+00 : f32
    %broadcast_in_dim3A_150 = vector.broadcast %jit3A_149 : f32 to vector<56x1xf32>
    %select_n3A_151 = arith.select %eq3A_147, %slice3A_148, %broadcast_in_dim3A_150 : vector<56x1xi1>, vector<56x1xf32>
    %add3A_152 = arith.addf %add3A_144, %select_n3A_151 : vector<56x1xf32>
    %slice3A_153 = vector.extract_strided_slice %iota3A_12 {offsets = [0, 0], sizes = [1, 2560], strides = [1, 1]} : vector<1x20480xi32> to vector<1x2560xi32>
    %get3A_154 = arith.constant 0 : index
    %get3A_155 = arith.constant 0 : index
    %get3A_156 = arith.constant 0 : index
    %get3A_157 = arith.constant 0 : index
    %get3A_158 = vector.load %arg4[%get3A_154, %get3A_155, %get3A_156, %get3A_157] : memref<1x1x56x20480xf32, #tpu.memory_space<vmem>>, vector<1x1x56x2560xf32>
    %get3A_159 = vector.shape_cast %get3A_158 : vector<1x1x56x2560xf32> to vector<56x2560xf32>
    %get3A_160 = arith.constant 0 : index
    %get3A_161 = arith.constant 0 : index
    %get3A_162 = arith.constant 0 : index
    %get3A_163 = arith.constant 0 : index
    %get3A_164 = vector.load %arg5[%get3A_160, %get3A_161, %get3A_162, %get3A_163] : memref<1x1x56x20480xf32, #tpu.memory_space<vmem>>, vector<1x1x56x2560xf32>
    %get3A_165 = vector.shape_cast %get3A_164 : vector<1x1x56x2560xf32> to vector<56x2560xf32>
    %le3A = vector.broadcast %add3A_152 : vector<56x1xf32> to vector<56x2560xf32>
    %le3A_166 = arith.cmpf ole, %get3A_159, %le3A : vector<56x2560xf32>
    %lt3A = arith.constant 1.000000e+10 : f32
    %lt3A_167 = vector.broadcast %lt3A : f32 to vector<56x2560xf32>
    %lt3A_168 = arith.cmpf olt, %get3A_159, %lt3A_167 : vector<56x2560xf32>
    %and3A = arith.andi %le3A_166, %lt3A_168 : vector<56x2560xi1>
    %jit3A_169 = arith.constant 1.000000e+00 : f32
    %jit3A_170 = arith.constant 0.000000e+00 : f32
    %broadcast_in_dim3A_171 = vector.broadcast %jit3A_169 : f32 to vector<56x2560xf32>
    %broadcast_in_dim3A_172 = vector.broadcast %jit3A_170 : f32 to vector<56x2560xf32>
    %select_n3A_173 = arith.select %and3A, %broadcast_in_dim3A_171, %broadcast_in_dim3A_172 : vector<56x2560xi1>, vector<56x2560xf32>
    %reduce_sum3A = arith.constant dense<0.000000e+00> : vector<2560xf32>
    %reduce_sum3A_174 = vector.multi_reduction <add>, %select_n3A_173, %reduce_sum3A [0] : vector<56x2560xf32> to vector<2560xf32>
    %broadcast_in_dim3A_175 = vector.shape_cast %reduce_sum3A_174 : vector<2560xf32> to vector<1x2560xf32>
    %reduce_min3A = arith.constant dense<0x7F800000> : vector<2560xf32>
    %reduce_min3A_176 = vector.multi_reduction <minimumf>, %get3A_159, %reduce_min3A [0] : vector<56x2560xf32> to vector<2560xf32>
    %broadcast_in_dim3A_177 = vector.shape_cast %reduce_min3A_176 : vector<2560xf32> to vector<1x2560xf32>
    %eq3A_178 = vector.broadcast %broadcast_in_dim3A_177 : vector<1x2560xf32> to vector<56x2560xf32>
    %eq3A_179 = arith.cmpf oeq, %get3A_159, %eq3A_178 : vector<56x2560xf32>
    %jit3A_180 = arith.constant 1073741824 : i32
    %broadcast_in_dim3A_181 = vector.shape_cast %iota3A : vector<56x1xi32> to vector<56x1xi32>
    %broadcast_in_dim3A_182 = vector.broadcast %broadcast_in_dim3A_181 : vector<56x1xi32> to vector<56x2560xi32>
    %broadcast_in_dim3A_183 = vector.broadcast %jit3A_180 : i32 to vector<56x2560xi32>
    %select_n3A_184 = arith.select %eq3A_179, %broadcast_in_dim3A_182, %broadcast_in_dim3A_183 : vector<56x2560xi1>, vector<56x2560xi32>
    %reduce_min3A_185 = arith.constant dense<2147483647> : vector<2560xi32>
    %reduce_min3A_186 = vector.multi_reduction <minsi>, %select_n3A_184, %reduce_min3A_185 [0] : vector<56x2560xi32> to vector<2560xi32>
    %broadcast_in_dim3A_187 = vector.shape_cast %reduce_min3A_186 : vector<2560xi32> to vector<1x2560xi32>
    %gt3A = arith.constant 1.500000e+00 : f32
    %gt3A_188 = vector.broadcast %gt3A : f32 to vector<1x2560xf32>
    %gt3A_189 = arith.cmpf ogt, %broadcast_in_dim3A_175, %gt3A_188 : vector<1x2560xf32>
    %eq3A_190 = vector.broadcast %iota3A : vector<56x1xi32> to vector<56x2560xi32>
    %eq3A_191 = vector.broadcast %broadcast_in_dim3A_187 : vector<1x2560xi32> to vector<56x2560xi32>
    %eq3A_192 = arith.cmpi eq, %eq3A_190, %eq3A_191 : vector<56x2560xi32>
    %jit3A_193 = arith.constant 1.000000e+00 : f32
    %jit3A_194 = arith.constant 0.000000e+00 : f32
    %broadcast_in_dim3A_195 = vector.broadcast %jit3A_193 : f32 to vector<56x2560xf32>
    %broadcast_in_dim3A_196 = vector.broadcast %jit3A_194 : f32 to vector<56x2560xf32>
    %select_n3A_197 = arith.select %eq3A_192, %broadcast_in_dim3A_195, %broadcast_in_dim3A_196 : vector<56x2560xi1>, vector<56x2560xf32>
    %broadcast_in_dim3A_198 = vector.shape_cast %gt3A_189 : vector<1x2560xi1> to vector<1x2560xi1>
    %broadcast_in_dim3A_199 = vector.broadcast %broadcast_in_dim3A_198 : vector<1x2560xi1> to vector<56x2560xi1>
    %select_n3A_200 = arith.select %broadcast_in_dim3A_199, %select_n3A_197, %select_n3A_173 : vector<56x2560xi1>, vector<56x2560xf32>
    %gt3A_201 = arith.constant 5.000000e-01 : f32
    %gt3A_202 = vector.broadcast %gt3A_201 : f32 to vector<1x2560xf32>
    %gt3A_203 = arith.cmpf ogt, %broadcast_in_dim3A_175, %gt3A_202 : vector<1x2560xf32>
    %jit3A_204 = arith.constant 1.000000e+00 : f32
    %jit3A_205 = arith.constant 0.000000e+00 : f32
    %broadcast_in_dim3A_206 = vector.broadcast %jit3A_204 : f32 to vector<1x2560xf32>
    %broadcast_in_dim3A_207 = vector.broadcast %jit3A_205 : f32 to vector<1x2560xf32>
    %select_n3A_208 = arith.select %gt3A_203, %broadcast_in_dim3A_206, %broadcast_in_dim3A_207 : vector<1x2560xi1>, vector<1x2560xf32>
    %mul3A = arith.mulf %select_n3A_200, %get3A_165 : vector<56x2560xf32>
    %reduce_sum3A_209 = arith.constant dense<0.000000e+00> : vector<2560xf32>
    %reduce_sum3A_210 = vector.multi_reduction <add>, %mul3A, %reduce_sum3A_209 [0] : vector<56x2560xf32> to vector<2560xf32>
    %broadcast_in_dim3A_211 = vector.shape_cast %reduce_sum3A_210 : vector<2560xf32> to vector<1x2560xf32>
    %jit3A_212 = arith.constant 0.000000e+00 : f32
    %broadcast_in_dim3A_213 = vector.broadcast %jit3A_212 : f32 to vector<1x2560xf32>
    %select_n3A_214 = arith.select %gt3A_203, %broadcast_in_dim3A_211, %broadcast_in_dim3A_213 : vector<1x2560xi1>, vector<1x2560xf32>
    %mul3A_215 = vector.broadcast %slice3A : vector<56x1xf32> to vector<56x2560xf32>
    %mul3A_216 = arith.mulf %select_n3A_200, %mul3A_215 : vector<56x2560xf32>
    %reduce_sum3A_217 = arith.constant dense<0.000000e+00> : vector<2560xf32>
    %reduce_sum3A_218 = vector.multi_reduction <add>, %mul3A_216, %reduce_sum3A_217 [0] : vector<56x2560xf32> to vector<2560xf32>
    %broadcast_in_dim3A_219 = vector.shape_cast %reduce_sum3A_218 : vector<2560xf32> to vector<1x2560xf32>
    %mul3A_220 = vector.broadcast %slice3A_9 : vector<56x1xf32> to vector<56x2560xf32>
    %mul3A_221 = arith.mulf %select_n3A_200, %mul3A_220 : vector<56x2560xf32>
    %reduce_sum3A_222 = arith.constant dense<0.000000e+00> : vector<2560xf32>
    %reduce_sum3A_223 = vector.multi_reduction <add>, %mul3A_221, %reduce_sum3A_222 [0] : vector<56x2560xf32> to vector<2560xf32>
    %broadcast_in_dim3A_224 = vector.shape_cast %reduce_sum3A_223 : vector<2560xf32> to vector<1x2560xf32>
    %mul3A_225 = vector.broadcast %slice3A_10 : vector<56x1xf32> to vector<56x2560xf32>
    %mul3A_226 = arith.mulf %select_n3A_200, %mul3A_225 : vector<56x2560xf32>
    %reduce_sum3A_227 = arith.constant dense<0.000000e+00> : vector<2560xf32>
    %reduce_sum3A_228 = vector.multi_reduction <add>, %mul3A_226, %reduce_sum3A_227 [0] : vector<56x2560xf32> to vector<2560xf32>
    %broadcast_in_dim3A_229 = vector.shape_cast %reduce_sum3A_228 : vector<2560xf32> to vector<1x2560xf32>
    %mul3A_230 = vector.broadcast %slice3A_11 : vector<56x1xf32> to vector<56x2560xf32>
    %mul3A_231 = arith.mulf %select_n3A_200, %mul3A_230 : vector<56x2560xf32>
    %reduce_sum3A_232 = arith.constant dense<0.000000e+00> : vector<2560xf32>
    %reduce_sum3A_233 = vector.multi_reduction <add>, %mul3A_231, %reduce_sum3A_232 [0] : vector<56x2560xf32> to vector<2560xf32>
    %broadcast_in_dim3A_234 = vector.shape_cast %reduce_sum3A_233 : vector<2560xf32> to vector<1x2560xf32>
    %get3A_235 = arith.constant 0 : index
    %get3A_236 = arith.constant 0 : index
    %get3A_237 = arith.constant 0 : index
    %get3A_238 = vector.load %arg2[%get3A_235, %get3A_236, %get3A_237] : memref<1x8x20480xf32, #tpu.memory_space<vmem>>, vector<1x8x20480xf32>
    %get3A_239 = vector.shape_cast %get3A_238 : vector<1x8x20480xf32> to vector<8x20480xf32>
    %slice3A_240 = vector.extract_strided_slice %get3A_239 {offsets = [0, 0], sizes = [1, 2560], strides = [1, 1]} : vector<8x20480xf32> to vector<1x2560xf32>
    %lt3A_241 = arith.constant 20000 : i32
    %lt3A_242 = vector.broadcast %lt3A_241 : i32 to vector<1x2560xi32>
    %lt3A_243 = arith.cmpi slt, %slice3A_153, %lt3A_242 : vector<1x2560xi32>
    %abs3A = math.absf %slice3A_240 : vector<1x2560xf32>
    %neg3A = arith.constant 0.000000e+00 : f32
    %neg3A_244 = vector.broadcast %neg3A : f32 to vector<1x2560xf32>
    %neg3A_245 = arith.subf %neg3A_244, %abs3A : vector<1x2560xf32>
    %exp3A = math.exp %neg3A_245 : vector<1x2560xf32>
    %max3A_246 = arith.constant 0.000000e+00 : f32
    %max3A_247 = vector.broadcast %max3A_246 : f32 to vector<1x2560xf32>
    %max3A_248 = arith.maximumf %slice3A_240, %max3A_247 : vector<1x2560xf32>
    %mul3A_249 = arith.mulf %slice3A_240, %select_n3A_214 : vector<1x2560xf32>
    %sub3A = arith.subf %max3A_248, %mul3A_249 : vector<1x2560xf32>
    %add3A_250 = arith.constant 1.000000e+00 : f32
    %add3A_251 = vector.broadcast %add3A_250 : f32 to vector<1x2560xf32>
    %add3A_252 = arith.addf %add3A_251, %exp3A : vector<1x2560xf32>
    %log3A = math.log %add3A_252 : vector<1x2560xf32>
    %add3A_253 = arith.addf %sub3A, %log3A : vector<1x2560xf32>
    %ge3A = arith.constant 0.000000e+00 : f32
    %ge3A_254 = vector.broadcast %ge3A : f32 to vector<1x2560xf32>
    %ge3A_255 = arith.cmpf oge, %slice3A_240, %ge3A_254 : vector<1x2560xf32>
    %add3A_256 = arith.constant 1.000000e+00 : f32
    %add3A_257 = vector.broadcast %add3A_256 : f32 to vector<1x2560xf32>
    %add3A_258 = arith.addf %add3A_257, %exp3A : vector<1x2560xf32>
    %div3A = arith.constant 1.000000e+00 : f32
    %div3A_259 = vector.broadcast %div3A : f32 to vector<1x2560xf32>
    %div3A_260 = arith.divf %div3A_259, %add3A_258 : vector<1x2560xf32>
    %add3A_261 = arith.constant 1.000000e+00 : f32
    %add3A_262 = vector.broadcast %add3A_261 : f32 to vector<1x2560xf32>
    %add3A_263 = arith.addf %add3A_262, %exp3A : vector<1x2560xf32>
    %div3A_264 = arith.divf %exp3A, %add3A_263 : vector<1x2560xf32>
    %select_n3A_265 = arith.select %ge3A_255, %div3A_260, %div3A_264 : vector<1x2560xi1>, vector<1x2560xf32>
    %mul3A_266 = arith.mulf %select_n3A_265, %select_n3A_214 : vector<1x2560xf32>
    %sub3A_267 = arith.constant 1.000000e+00 : f32
    %sub3A_268 = vector.broadcast %sub3A_267 : f32 to vector<1x2560xf32>
    %sub3A_269 = arith.subf %sub3A_268, %select_n3A_265 : vector<1x2560xf32>
    %sub3A_270 = arith.constant 1.000000e+00 : f32
    %sub3A_271 = vector.broadcast %sub3A_270 : f32 to vector<1x2560xf32>
    %sub3A_272 = arith.subf %sub3A_271, %select_n3A_214 : vector<1x2560xf32>
    %mul3A_273 = arith.mulf %sub3A_269, %sub3A_272 : vector<1x2560xf32>
    %add3A_274 = arith.addf %mul3A_266, %mul3A_273 : vector<1x2560xf32>
    %mul3A_275 = arith.constant 2.500000e-01 : f32
    %mul3A_276 = vector.broadcast %mul3A_275 : f32 to vector<1x2560xf32>
    %mul3A_277 = arith.mulf %mul3A_276, %select_n3A_214 : vector<1x2560xf32>
    %sub3A_278 = arith.constant 1.000000e+00 : f32
    %sub3A_279 = vector.broadcast %sub3A_278 : f32 to vector<1x2560xf32>
    %sub3A_280 = arith.subf %sub3A_279, %select_n3A_214 : vector<1x2560xf32>
    %mul3A_281 = arith.constant 7.500000e-01 : f32
    %mul3A_282 = vector.broadcast %mul3A_281 : f32 to vector<1x2560xf32>
    %mul3A_283 = arith.mulf %mul3A_282, %sub3A_280 : vector<1x2560xf32>
    %add3A_284 = arith.addf %mul3A_277, %mul3A_283 : vector<1x2560xf32>
    %sub3A_285 = arith.constant 1.000000e+00 : f32
    %sub3A_286 = vector.broadcast %sub3A_285 : f32 to vector<1x2560xf32>
    %sub3A_287 = arith.subf %sub3A_286, %add3A_274 : vector<1x2560xf32>
    %mul3A_288 = arith.mulf %add3A_284, %sub3A_287 : vector<1x2560xf32>
    %mul3A_289 = arith.mulf %mul3A_288, %sub3A_287 : vector<1x2560xf32>
    %mul3A_290 = arith.mulf %mul3A_289, %add3A_253 : vector<1x2560xf32>
    %jit3A_291 = arith.constant 0.000000e+00 : f32
    %broadcast_in_dim3A_292 = vector.broadcast %jit3A_291 : f32 to vector<1x2560xf32>
    %select_n3A_293 = arith.select %lt3A_243, %mul3A_290, %broadcast_in_dim3A_292 : vector<1x2560xi1>, vector<1x2560xf32>
    %reduce_sum3A_294 = vector.shape_cast %select_n3A_293 : vector<1x2560xf32> to vector<1x1x2560xf32>
    %reduce_sum3A_295 = arith.constant dense<0.000000e+00> : vector<1xf32>
    %reduce_sum3A_296 = vector.multi_reduction <add>, %reduce_sum3A_294, %reduce_sum3A_295 [1, 2] : vector<1x1x2560xf32> to vector<1xf32>
    %reduce_sum3A_297 = vector.shape_cast %reduce_sum3A_296 : vector<1xf32> to vector<1x1x1xf32>
    %reduce_sum3A_298 = vector.extract %reduce_sum3A_297[0, 0, 0] : f32 from vector<1x1x1xf32>
    %add3A_299 = arith.constant 0.000000e+00 : f32
    %add3A_300 = arith.addf %add3A_299, %reduce_sum3A_298 : f32
    %slice3A_301 = vector.extract_strided_slice %get3A_3 {offsets = [1, 0], sizes = [1, 2560], strides = [1, 1]} : vector<8x20480xf32> to vector<1x2560xf32>
    %slice3A_302 = vector.extract_strided_slice %get3A_3 {offsets = [2, 0], sizes = [1, 2560], strides = [1, 1]} : vector<8x20480xf32> to vector<1x2560xf32>
    %slice3A_303 = vector.extract_strided_slice %get3A_3 {offsets = [3, 0], sizes = [1, 2560], strides = [1, 1]} : vector<8x20480xf32> to vector<1x2560xf32>
    %slice3A_304 = vector.extract_strided_slice %get3A_3 {offsets = [4, 0], sizes = [1, 2560], strides = [1, 1]} : vector<8x20480xf32> to vector<1x2560xf32>
    %min3A = arith.minimumf %slice3A_303, %broadcast_in_dim3A_229 : vector<1x2560xf32>
    %max3A_305 = arith.maximumf %slice3A_301, %broadcast_in_dim3A_219 : vector<1x2560xf32>
    %sub3A_306 = arith.subf %min3A, %max3A_305 : vector<1x2560xf32>
    %max3A_307 = arith.constant 0.000000e+00 : f32
    %max3A_308 = vector.broadcast %max3A_307 : f32 to vector<1x2560xf32>
    %max3A_309 = arith.maximumf %sub3A_306, %max3A_308 : vector<1x2560xf32>
    %min3A_310 = arith.minimumf %slice3A_304, %broadcast_in_dim3A_234 : vector<1x2560xf32>
    %max3A_311 = arith.maximumf %slice3A_302, %broadcast_in_dim3A_224 : vector<1x2560xf32>
    %sub3A_312 = arith.subf %min3A_310, %max3A_311 : vector<1x2560xf32>
    %max3A_313 = arith.constant 0.000000e+00 : f32
    %max3A_314 = vector.broadcast %max3A_313 : f32 to vector<1x2560xf32>
    %max3A_315 = arith.maximumf %sub3A_312, %max3A_314 : vector<1x2560xf32>
    %mul3A_316 = arith.mulf %max3A_309, %max3A_315 : vector<1x2560xf32>
    %sub3A_317 = arith.subf %slice3A_303, %slice3A_301 : vector<1x2560xf32>
    %max3A_318 = arith.constant 0.000000e+00 : f32
    %max3A_319 = vector.broadcast %max3A_318 : f32 to vector<1x2560xf32>
    %max3A_320 = arith.maximumf %sub3A_317, %max3A_319 : vector<1x2560xf32>
    %sub3A_321 = arith.subf %slice3A_304, %slice3A_302 : vector<1x2560xf32>
    %max3A_322 = arith.constant 0.000000e+00 : f32
    %max3A_323 = vector.broadcast %max3A_322 : f32 to vector<1x2560xf32>
    %max3A_324 = arith.maximumf %sub3A_321, %max3A_323 : vector<1x2560xf32>
    %mul3A_325 = arith.mulf %max3A_320, %max3A_324 : vector<1x2560xf32>
    %sub3A_326 = arith.subf %broadcast_in_dim3A_229, %broadcast_in_dim3A_219 : vector<1x2560xf32>
    %max3A_327 = arith.constant 0.000000e+00 : f32
    %max3A_328 = vector.broadcast %max3A_327 : f32 to vector<1x2560xf32>
    %max3A_329 = arith.maximumf %sub3A_326, %max3A_328 : vector<1x2560xf32>
    %sub3A_330 = arith.subf %broadcast_in_dim3A_234, %broadcast_in_dim3A_224 : vector<1x2560xf32>
    %max3A_331 = arith.constant 0.000000e+00 : f32
    %max3A_332 = vector.broadcast %max3A_331 : f32 to vector<1x2560xf32>
    %max3A_333 = arith.maximumf %sub3A_330, %max3A_332 : vector<1x2560xf32>
    %mul3A_334 = arith.mulf %max3A_329, %max3A_333 : vector<1x2560xf32>
    %add3A_335 = arith.addf %mul3A_325, %mul3A_334 : vector<1x2560xf32>
    %sub3A_336 = arith.subf %add3A_335, %mul3A_316 : vector<1x2560xf32>
    %add3A_337 = arith.constant 1.000000e-07 : f32
    %add3A_338 = vector.broadcast %add3A_337 : f32 to vector<1x2560xf32>
    %add3A_339 = arith.addf %sub3A_336, %add3A_338 : vector<1x2560xf32>
    %div3A_340 = arith.divf %mul3A_316, %add3A_339 : vector<1x2560xf32>
    %max3A_341 = arith.maximumf %slice3A_303, %broadcast_in_dim3A_229 : vector<1x2560xf32>
    %min3A_342 = arith.minimumf %slice3A_301, %broadcast_in_dim3A_219 : vector<1x2560xf32>
    %sub3A_343 = arith.subf %max3A_341, %min3A_342 : vector<1x2560xf32>
    %max3A_344 = arith.maximumf %slice3A_304, %broadcast_in_dim3A_234 : vector<1x2560xf32>
    %min3A_345 = arith.minimumf %slice3A_302, %broadcast_in_dim3A_224 : vector<1x2560xf32>
    %sub3A_346 = arith.subf %max3A_344, %min3A_345 : vector<1x2560xf32>
    %mul3A_347 = arith.mulf %sub3A_343, %sub3A_343 : vector<1x2560xf32>
    %mul3A_348 = arith.mulf %sub3A_346, %sub3A_346 : vector<1x2560xf32>
    %add3A_349 = arith.addf %mul3A_347, %mul3A_348 : vector<1x2560xf32>
    %add3A_350 = arith.constant 1.000000e-07 : f32
    %add3A_351 = vector.broadcast %add3A_350 : f32 to vector<1x2560xf32>
    %add3A_352 = arith.addf %add3A_349, %add3A_351 : vector<1x2560xf32>
    %add3A_353 = arith.addf %slice3A_301, %slice3A_303 : vector<1x2560xf32>
    %mul3A_354 = arith.constant 5.000000e-01 : f32
    %mul3A_355 = vector.broadcast %mul3A_354 : f32 to vector<1x2560xf32>
    %mul3A_356 = arith.mulf %add3A_353, %mul3A_355 : vector<1x2560xf32>
    %add3A_357 = arith.addf %broadcast_in_dim3A_219, %broadcast_in_dim3A_229 : vector<1x2560xf32>
    %mul3A_358 = arith.constant 5.000000e-01 : f32
    %mul3A_359 = vector.broadcast %mul3A_358 : f32 to vector<1x2560xf32>
    %mul3A_360 = arith.mulf %add3A_357, %mul3A_359 : vector<1x2560xf32>
    %sub3A_361 = arith.subf %mul3A_356, %mul3A_360 : vector<1x2560xf32>
    %add3A_362 = arith.addf %slice3A_302, %slice3A_304 : vector<1x2560xf32>
    %mul3A_363 = arith.constant 5.000000e-01 : f32
    %mul3A_364 = vector.broadcast %mul3A_363 : f32 to vector<1x2560xf32>
    %mul3A_365 = arith.mulf %add3A_362, %mul3A_364 : vector<1x2560xf32>
    %add3A_366 = arith.addf %broadcast_in_dim3A_224, %broadcast_in_dim3A_234 : vector<1x2560xf32>
    %mul3A_367 = arith.constant 5.000000e-01 : f32
    %mul3A_368 = vector.broadcast %mul3A_367 : f32 to vector<1x2560xf32>
    %mul3A_369 = arith.mulf %add3A_366, %mul3A_368 : vector<1x2560xf32>
    %sub3A_370 = arith.subf %mul3A_365, %mul3A_369 : vector<1x2560xf32>
    %mul3A_371 = arith.mulf %sub3A_361, %sub3A_361 : vector<1x2560xf32>
    %mul3A_372 = arith.mulf %sub3A_370, %sub3A_370 : vector<1x2560xf32>
    %add3A_373 = arith.addf %mul3A_371, %mul3A_372 : vector<1x2560xf32>
    %sub3A_374 = arith.subf %slice3A_303, %slice3A_301 : vector<1x2560xf32>
    %sub3A_375 = arith.subf %broadcast_in_dim3A_229, %broadcast_in_dim3A_219 : vector<1x2560xf32>
    %sub3A_376 = arith.subf %sub3A_374, %sub3A_375 : vector<1x2560xf32>
    %sub3A_377 = arith.subf %slice3A_304, %slice3A_302 : vector<1x2560xf32>
    %sub3A_378 = arith.subf %broadcast_in_dim3A_234, %broadcast_in_dim3A_224 : vector<1x2560xf32>
    %sub3A_379 = arith.subf %sub3A_377, %sub3A_378 : vector<1x2560xf32>
    %sub3A_380 = arith.constant 1.000000e+00 : f32
    %sub3A_381 = vector.broadcast %sub3A_380 : f32 to vector<1x2560xf32>
    %sub3A_382 = arith.subf %sub3A_381, %div3A_340 : vector<1x2560xf32>
    %div3A_383 = arith.divf %add3A_373, %add3A_352 : vector<1x2560xf32>
    %add3A_384 = arith.addf %sub3A_382, %div3A_383 : vector<1x2560xf32>
    %mul3A_385 = arith.mulf %sub3A_376, %sub3A_376 : vector<1x2560xf32>
    %mul3A_386 = arith.mulf %sub3A_343, %sub3A_343 : vector<1x2560xf32>
    %add3A_387 = arith.constant 1.000000e-07 : f32
    %add3A_388 = vector.broadcast %add3A_387 : f32 to vector<1x2560xf32>
    %add3A_389 = arith.addf %mul3A_386, %add3A_388 : vector<1x2560xf32>
    %div3A_390 = arith.divf %mul3A_385, %add3A_389 : vector<1x2560xf32>
    %add3A_391 = arith.addf %add3A_384, %div3A_390 : vector<1x2560xf32>
    %mul3A_392 = arith.mulf %sub3A_379, %sub3A_379 : vector<1x2560xf32>
    %mul3A_393 = arith.mulf %sub3A_346, %sub3A_346 : vector<1x2560xf32>
    %add3A_394 = arith.constant 1.000000e-07 : f32
    %add3A_395 = vector.broadcast %add3A_394 : f32 to vector<1x2560xf32>
    %add3A_396 = arith.addf %mul3A_393, %add3A_395 : vector<1x2560xf32>
    %div3A_397 = arith.divf %mul3A_392, %add3A_396 : vector<1x2560xf32>
    %add3A_398 = arith.addf %add3A_391, %div3A_397 : vector<1x2560xf32>
    %mul3A_399 = arith.mulf %add3A_398, %select_n3A_208 : vector<1x2560xf32>
    %reduce_sum3A_400 = vector.shape_cast %mul3A_399 : vector<1x2560xf32> to vector<1x1x2560xf32>
    %reduce_sum3A_401 = arith.constant dense<0.000000e+00> : vector<1xf32>
    %reduce_sum3A_402 = vector.multi_reduction <add>, %reduce_sum3A_400, %reduce_sum3A_401 [1, 2] : vector<1x1x2560xf32> to vector<1xf32>
    %reduce_sum3A_403 = vector.shape_cast %reduce_sum3A_402 : vector<1xf32> to vector<1x1x1xf32>
    %reduce_sum3A_404 = vector.extract %reduce_sum3A_403[0, 0, 0] : f32 from vector<1x1x1xf32>
    %add3A_405 = arith.constant 0.000000e+00 : f32
    %add3A_406 = arith.addf %add3A_405, %reduce_sum3A_404 : f32
    %reduce_sum3A_407 = vector.shape_cast %select_n3A_208 : vector<1x2560xf32> to vector<1x1x2560xf32>
    %reduce_sum3A_408 = arith.constant dense<0.000000e+00> : vector<1xf32>
    %reduce_sum3A_409 = vector.multi_reduction <add>, %reduce_sum3A_407, %reduce_sum3A_408 [1, 2] : vector<1x1x2560xf32> to vector<1xf32>
    %reduce_sum3A_410 = vector.shape_cast %reduce_sum3A_409 : vector<1xf32> to vector<1x1x1xf32>
    %reduce_sum3A_411 = vector.extract %reduce_sum3A_410[0, 0, 0] : f32 from vector<1x1x1xf32>
    %add3A_412 = arith.constant 0.000000e+00 : f32
    %add3A_413 = arith.addf %add3A_412, %reduce_sum3A_411 : f32
    %slice3A_414 = vector.extract_strided_slice %iota3A_12 {offsets = [0, 2560], sizes = [1, 2560], strides = [1, 1]} : vector<1x20480xi32> to vector<1x2560xi32>
    %get3A_415 = arith.constant 0 : index
    %get3A_416 = arith.constant 0 : index
    %get3A_417 = arith.constant 0 : index
    %get3A_418 = arith.constant 2560 : index
    %get3A_419 = vector.load %arg4[%get3A_415, %get3A_416, %get3A_417, %get3A_418] : memref<1x1x56x20480xf32, #tpu.memory_space<vmem>>, vector<1x1x56x2560xf32>
    %get3A_420 = vector.shape_cast %get3A_419 : vector<1x1x56x2560xf32> to vector<56x2560xf32>
    %get3A_421 = arith.constant 0 : index
    %get3A_422 = arith.constant 0 : index
    %get3A_423 = arith.constant 0 : index
    %get3A_424 = arith.constant 2560 : index
    %get3A_425 = vector.load %arg5[%get3A_421, %get3A_422, %get3A_423, %get3A_424] : memref<1x1x56x20480xf32, #tpu.memory_space<vmem>>, vector<1x1x56x2560xf32>
    %get3A_426 = vector.shape_cast %get3A_425 : vector<1x1x56x2560xf32> to vector<56x2560xf32>
    %le3A_427 = vector.broadcast %add3A_152 : vector<56x1xf32> to vector<56x2560xf32>
    %le3A_428 = arith.cmpf ole, %get3A_420, %le3A_427 : vector<56x2560xf32>
    %lt3A_429 = arith.constant 1.000000e+10 : f32
    %lt3A_430 = vector.broadcast %lt3A_429 : f32 to vector<56x2560xf32>
    %lt3A_431 = arith.cmpf olt, %get3A_420, %lt3A_430 : vector<56x2560xf32>
    %and3A_432 = arith.andi %le3A_428, %lt3A_431 : vector<56x2560xi1>
    %jit3A_433 = arith.constant 1.000000e+00 : f32
    %jit3A_434 = arith.constant 0.000000e+00 : f32
    %broadcast_in_dim3A_435 = vector.broadcast %jit3A_433 : f32 to vector<56x2560xf32>
    %broadcast_in_dim3A_436 = vector.broadcast %jit3A_434 : f32 to vector<56x2560xf32>
    %select_n3A_437 = arith.select %and3A_432, %broadcast_in_dim3A_435, %broadcast_in_dim3A_436 : vector<56x2560xi1>, vector<56x2560xf32>
    %reduce_sum3A_438 = arith.constant dense<0.000000e+00> : vector<2560xf32>
    %reduce_sum3A_439 = vector.multi_reduction <add>, %select_n3A_437, %reduce_sum3A_438 [0] : vector<56x2560xf32> to vector<2560xf32>
    %broadcast_in_dim3A_440 = vector.shape_cast %reduce_sum3A_439 : vector<2560xf32> to vector<1x2560xf32>
    %reduce_min3A_441 = arith.constant dense<0x7F800000> : vector<2560xf32>
    %reduce_min3A_442 = vector.multi_reduction <minimumf>, %get3A_420, %reduce_min3A_441 [0] : vector<56x2560xf32> to vector<2560xf32>
    %broadcast_in_dim3A_443 = vector.shape_cast %reduce_min3A_442 : vector<2560xf32> to vector<1x2560xf32>
    %eq3A_444 = vector.broadcast %broadcast_in_dim3A_443 : vector<1x2560xf32> to vector<56x2560xf32>
    %eq3A_445 = arith.cmpf oeq, %get3A_420, %eq3A_444 : vector<56x2560xf32>
    %jit3A_446 = arith.constant 1073741824 : i32
    %broadcast_in_dim3A_447 = vector.shape_cast %iota3A : vector<56x1xi32> to vector<56x1xi32>
    %broadcast_in_dim3A_448 = vector.broadcast %broadcast_in_dim3A_447 : vector<56x1xi32> to vector<56x2560xi32>
    %broadcast_in_dim3A_449 = vector.broadcast %jit3A_446 : i32 to vector<56x2560xi32>
    %select_n3A_450 = arith.select %eq3A_445, %broadcast_in_dim3A_448, %broadcast_in_dim3A_449 : vector<56x2560xi1>, vector<56x2560xi32>
    %reduce_min3A_451 = arith.constant dense<2147483647> : vector<2560xi32>
    %reduce_min3A_452 = vector.multi_reduction <minsi>, %select_n3A_450, %reduce_min3A_451 [0] : vector<56x2560xi32> to vector<2560xi32>
    %broadcast_in_dim3A_453 = vector.shape_cast %reduce_min3A_452 : vector<2560xi32> to vector<1x2560xi32>
    %gt3A_454 = arith.constant 1.500000e+00 : f32
    %gt3A_455 = vector.broadcast %gt3A_454 : f32 to vector<1x2560xf32>
    %gt3A_456 = arith.cmpf ogt, %broadcast_in_dim3A_440, %gt3A_455 : vector<1x2560xf32>
    %eq3A_457 = vector.broadcast %iota3A : vector<56x1xi32> to vector<56x2560xi32>
    %eq3A_458 = vector.broadcast %broadcast_in_dim3A_453 : vector<1x2560xi32> to vector<56x2560xi32>
    %eq3A_459 = arith.cmpi eq, %eq3A_457, %eq3A_458 : vector<56x2560xi32>
    %jit3A_460 = arith.constant 1.000000e+00 : f32
    %jit3A_461 = arith.constant 0.000000e+00 : f32
    %broadcast_in_dim3A_462 = vector.broadcast %jit3A_460 : f32 to vector<56x2560xf32>
    %broadcast_in_dim3A_463 = vector.broadcast %jit3A_461 : f32 to vector<56x2560xf32>
    %select_n3A_464 = arith.select %eq3A_459, %broadcast_in_dim3A_462, %broadcast_in_dim3A_463 : vector<56x2560xi1>, vector<56x2560xf32>
    %broadcast_in_dim3A_465 = vector.shape_cast %gt3A_456 : vector<1x2560xi1> to vector<1x2560xi1>
    %broadcast_in_dim3A_466 = vector.broadcast %broadcast_in_dim3A_465 : vector<1x2560xi1> to vector<56x2560xi1>
    %select_n3A_467 = arith.select %broadcast_in_dim3A_466, %select_n3A_464, %select_n3A_437 : vector<56x2560xi1>, vector<56x2560xf32>
    %gt3A_468 = arith.constant 5.000000e-01 : f32
    %gt3A_469 = vector.broadcast %gt3A_468 : f32 to vector<1x2560xf32>
    %gt3A_470 = arith.cmpf ogt, %broadcast_in_dim3A_440, %gt3A_469 : vector<1x2560xf32>
    %jit3A_471 = arith.constant 1.000000e+00 : f32
    %jit3A_472 = arith.constant 0.000000e+00 : f32
    %broadcast_in_dim3A_473 = vector.broadcast %jit3A_471 : f32 to vector<1x2560xf32>
    %broadcast_in_dim3A_474 = vector.broadcast %jit3A_472 : f32 to vector<1x2560xf32>
    %select_n3A_475 = arith.select %gt3A_470, %broadcast_in_dim3A_473, %broadcast_in_dim3A_474 : vector<1x2560xi1>, vector<1x2560xf32>
    %mul3A_476 = arith.mulf %select_n3A_467, %get3A_426 : vector<56x2560xf32>
    %reduce_sum3A_477 = arith.constant dense<0.000000e+00> : vector<2560xf32>
    %reduce_sum3A_478 = vector.multi_reduction <add>, %mul3A_476, %reduce_sum3A_477 [0] : vector<56x2560xf32> to vector<2560xf32>
    %broadcast_in_dim3A_479 = vector.shape_cast %reduce_sum3A_478 : vector<2560xf32> to vector<1x2560xf32>
    %jit3A_480 = arith.constant 0.000000e+00 : f32
    %broadcast_in_dim3A_481 = vector.broadcast %jit3A_480 : f32 to vector<1x2560xf32>
    %select_n3A_482 = arith.select %gt3A_470, %broadcast_in_dim3A_479, %broadcast_in_dim3A_481 : vector<1x2560xi1>, vector<1x2560xf32>
    %mul3A_483 = vector.broadcast %slice3A : vector<56x1xf32> to vector<56x2560xf32>
    %mul3A_484 = arith.mulf %select_n3A_467, %mul3A_483 : vector<56x2560xf32>
    %reduce_sum3A_485 = arith.constant dense<0.000000e+00> : vector<2560xf32>
    %reduce_sum3A_486 = vector.multi_reduction <add>, %mul3A_484, %reduce_sum3A_485 [0] : vector<56x2560xf32> to vector<2560xf32>
    %broadcast_in_dim3A_487 = vector.shape_cast %reduce_sum3A_486 : vector<2560xf32> to vector<1x2560xf32>
    %mul3A_488 = vector.broadcast %slice3A_9 : vector<56x1xf32> to vector<56x2560xf32>
    %mul3A_489 = arith.mulf %select_n3A_467, %mul3A_488 : vector<56x2560xf32>
    %reduce_sum3A_490 = arith.constant dense<0.000000e+00> : vector<2560xf32>
    %reduce_sum3A_491 = vector.multi_reduction <add>, %mul3A_489, %reduce_sum3A_490 [0] : vector<56x2560xf32> to vector<2560xf32>
    %broadcast_in_dim3A_492 = vector.shape_cast %reduce_sum3A_491 : vector<2560xf32> to vector<1x2560xf32>
    %mul3A_493 = vector.broadcast %slice3A_10 : vector<56x1xf32> to vector<56x2560xf32>
    %mul3A_494 = arith.mulf %select_n3A_467, %mul3A_493 : vector<56x2560xf32>
    %reduce_sum3A_495 = arith.constant dense<0.000000e+00> : vector<2560xf32>
    %reduce_sum3A_496 = vector.multi_reduction <add>, %mul3A_494, %reduce_sum3A_495 [0] : vector<56x2560xf32> to vector<2560xf32>
    %broadcast_in_dim3A_497 = vector.shape_cast %reduce_sum3A_496 : vector<2560xf32> to vector<1x2560xf32>
    %mul3A_498 = vector.broadcast %slice3A_11 : vector<56x1xf32> to vector<56x2560xf32>
    %mul3A_499 = arith.mulf %select_n3A_467, %mul3A_498 : vector<56x2560xf32>
    %reduce_sum3A_500 = arith.constant dense<0.000000e+00> : vector<2560xf32>
    %reduce_sum3A_501 = vector.multi_reduction <add>, %mul3A_499, %reduce_sum3A_500 [0] : vector<56x2560xf32> to vector<2560xf32>
    %broadcast_in_dim3A_502 = vector.shape_cast %reduce_sum3A_501 : vector<2560xf32> to vector<1x2560xf32>
    %get3A_503 = arith.constant 0 : index
    %get3A_504 = arith.constant 0 : index
    %get3A_505 = arith.constant 0 : index
    %get3A_506 = vector.load %arg2[%get3A_503, %get3A_504, %get3A_505] : memref<1x8x20480xf32, #tpu.memory_space<vmem>>, vector<1x8x20480xf32>
    %get3A_507 = vector.shape_cast %get3A_506 : vector<1x8x20480xf32> to vector<8x20480xf32>
    %slice3A_508 = vector.extract_strided_slice %get3A_507 {offsets = [0, 2560], sizes = [1, 2560], strides = [1, 1]} : vector<8x20480xf32> to vector<1x2560xf32>
    %lt3A_509 = arith.constant 20000 : i32
    %lt3A_510 = vector.broadcast %lt3A_509 : i32 to vector<1x2560xi32>
    %lt3A_511 = arith.cmpi slt, %slice3A_414, %lt3A_510 : vector<1x2560xi32>
    %abs3A_512 = math.absf %slice3A_508 : vector<1x2560xf32>
    %neg3A_513 = arith.constant 0.000000e+00 : f32
    %neg3A_514 = vector.broadcast %neg3A_513 : f32 to vector<1x2560xf32>
    %neg3A_515 = arith.subf %neg3A_514, %abs3A_512 : vector<1x2560xf32>
    %exp3A_516 = math.exp %neg3A_515 : vector<1x2560xf32>
    %max3A_517 = arith.constant 0.000000e+00 : f32
    %max3A_518 = vector.broadcast %max3A_517 : f32 to vector<1x2560xf32>
    %max3A_519 = arith.maximumf %slice3A_508, %max3A_518 : vector<1x2560xf32>
    %mul3A_520 = arith.mulf %slice3A_508, %select_n3A_482 : vector<1x2560xf32>
    %sub3A_521 = arith.subf %max3A_519, %mul3A_520 : vector<1x2560xf32>
    %add3A_522 = arith.constant 1.000000e+00 : f32
    %add3A_523 = vector.broadcast %add3A_522 : f32 to vector<1x2560xf32>
    %add3A_524 = arith.addf %add3A_523, %exp3A_516 : vector<1x2560xf32>
    %log3A_525 = math.log %add3A_524 : vector<1x2560xf32>
    %add3A_526 = arith.addf %sub3A_521, %log3A_525 : vector<1x2560xf32>
    %ge3A_527 = arith.constant 0.000000e+00 : f32
    %ge3A_528 = vector.broadcast %ge3A_527 : f32 to vector<1x2560xf32>
    %ge3A_529 = arith.cmpf oge, %slice3A_508, %ge3A_528 : vector<1x2560xf32>
    %add3A_530 = arith.constant 1.000000e+00 : f32
    %add3A_531 = vector.broadcast %add3A_530 : f32 to vector<1x2560xf32>
    %add3A_532 = arith.addf %add3A_531, %exp3A_516 : vector<1x2560xf32>
    %div3A_533 = arith.constant 1.000000e+00 : f32
    %div3A_534 = vector.broadcast %div3A_533 : f32 to vector<1x2560xf32>
    %div3A_535 = arith.divf %div3A_534, %add3A_532 : vector<1x2560xf32>
    %add3A_536 = arith.constant 1.000000e+00 : f32
    %add3A_537 = vector.broadcast %add3A_536 : f32 to vector<1x2560xf32>
    %add3A_538 = arith.addf %add3A_537, %exp3A_516 : vector<1x2560xf32>
    %div3A_539 = arith.divf %exp3A_516, %add3A_538 : vector<1x2560xf32>
    %select_n3A_540 = arith.select %ge3A_529, %div3A_535, %div3A_539 : vector<1x2560xi1>, vector<1x2560xf32>
    %mul3A_541 = arith.mulf %select_n3A_540, %select_n3A_482 : vector<1x2560xf32>
    %sub3A_542 = arith.constant 1.000000e+00 : f32
    %sub3A_543 = vector.broadcast %sub3A_542 : f32 to vector<1x2560xf32>
    %sub3A_544 = arith.subf %sub3A_543, %select_n3A_540 : vector<1x2560xf32>
    %sub3A_545 = arith.constant 1.000000e+00 : f32
    %sub3A_546 = vector.broadcast %sub3A_545 : f32 to vector<1x2560xf32>
    %sub3A_547 = arith.subf %sub3A_546, %select_n3A_482 : vector<1x2560xf32>
    %mul3A_548 = arith.mulf %sub3A_544, %sub3A_547 : vector<1x2560xf32>
    %add3A_549 = arith.addf %mul3A_541, %mul3A_548 : vector<1x2560xf32>
    %mul3A_550 = arith.constant 2.500000e-01 : f32
    %mul3A_551 = vector.broadcast %mul3A_550 : f32 to vector<1x2560xf32>
    %mul3A_552 = arith.mulf %mul3A_551, %select_n3A_482 : vector<1x2560xf32>
    %sub3A_553 = arith.constant 1.000000e+00 : f32
    %sub3A_554 = vector.broadcast %sub3A_553 : f32 to vector<1x2560xf32>
    %sub3A_555 = arith.subf %sub3A_554, %select_n3A_482 : vector<1x2560xf32>
    %mul3A_556 = arith.constant 7.500000e-01 : f32
    %mul3A_557 = vector.broadcast %mul3A_556 : f32 to vector<1x2560xf32>
    %mul3A_558 = arith.mulf %mul3A_557, %sub3A_555 : vector<1x2560xf32>
    %add3A_559 = arith.addf %mul3A_552, %mul3A_558 : vector<1x2560xf32>
    %sub3A_560 = arith.constant 1.000000e+00 : f32
    %sub3A_561 = vector.broadcast %sub3A_560 : f32 to vector<1x2560xf32>
    %sub3A_562 = arith.subf %sub3A_561, %add3A_549 : vector<1x2560xf32>
    %mul3A_563 = arith.mulf %add3A_559, %sub3A_562 : vector<1x2560xf32>
    %mul3A_564 = arith.mulf %mul3A_563, %sub3A_562 : vector<1x2560xf32>
    %mul3A_565 = arith.mulf %mul3A_564, %add3A_526 : vector<1x2560xf32>
    %jit3A_566 = arith.constant 0.000000e+00 : f32
    %broadcast_in_dim3A_567 = vector.broadcast %jit3A_566 : f32 to vector<1x2560xf32>
    %select_n3A_568 = arith.select %lt3A_511, %mul3A_565, %broadcast_in_dim3A_567 : vector<1x2560xi1>, vector<1x2560xf32>
    %reduce_sum3A_569 = vector.shape_cast %select_n3A_568 : vector<1x2560xf32> to vector<1x1x2560xf32>
    %reduce_sum3A_570 = arith.constant dense<0.000000e+00> : vector<1xf32>
    %reduce_sum3A_571 = vector.multi_reduction <add>, %reduce_sum3A_569, %reduce_sum3A_570 [1, 2] : vector<1x1x2560xf32> to vector<1xf32>
    %reduce_sum3A_572 = vector.shape_cast %reduce_sum3A_571 : vector<1xf32> to vector<1x1x1xf32>
    %reduce_sum3A_573 = vector.extract %reduce_sum3A_572[0, 0, 0] : f32 from vector<1x1x1xf32>
    %add3A_574 = arith.addf %add3A_300, %reduce_sum3A_573 : f32
    %slice3A_575 = vector.extract_strided_slice %get3A_3 {offsets = [1, 2560], sizes = [1, 2560], strides = [1, 1]} : vector<8x20480xf32> to vector<1x2560xf32>
    %slice3A_576 = vector.extract_strided_slice %get3A_3 {offsets = [2, 2560], sizes = [1, 2560], strides = [1, 1]} : vector<8x20480xf32> to vector<1x2560xf32>
    %slice3A_577 = vector.extract_strided_slice %get3A_3 {offsets = [3, 2560], sizes = [1, 2560], strides = [1, 1]} : vector<8x20480xf32> to vector<1x2560xf32>
    %slice3A_578 = vector.extract_strided_slice %get3A_3 {offsets = [4, 2560], sizes = [1, 2560], strides = [1, 1]} : vector<8x20480xf32> to vector<1x2560xf32>
    %min3A_579 = arith.minimumf %slice3A_577, %broadcast_in_dim3A_497 : vector<1x2560xf32>
    %max3A_580 = arith.maximumf %slice3A_575, %broadcast_in_dim3A_487 : vector<1x2560xf32>
    %sub3A_581 = arith.subf %min3A_579, %max3A_580 : vector<1x2560xf32>
    %max3A_582 = arith.constant 0.000000e+00 : f32
    %max3A_583 = vector.broadcast %max3A_582 : f32 to vector<1x2560xf32>
    %max3A_584 = arith.maximumf %sub3A_581, %max3A_583 : vector<1x2560xf32>
    %min3A_585 = arith.minimumf %slice3A_578, %broadcast_in_dim3A_502 : vector<1x2560xf32>
    %max3A_586 = arith.maximumf %slice3A_576, %broadcast_in_dim3A_492 : vector<1x2560xf32>
    %sub3A_587 = arith.subf %min3A_585, %max3A_586 : vector<1x2560xf32>
    %max3A_588 = arith.constant 0.000000e+00 : f32
    %max3A_589 = vector.broadcast %max3A_588 : f32 to vector<1x2560xf32>
    %max3A_590 = arith.maximumf %sub3A_587, %max3A_589 : vector<1x2560xf32>
    %mul3A_591 = arith.mulf %max3A_584, %max3A_590 : vector<1x2560xf32>
    %sub3A_592 = arith.subf %slice3A_577, %slice3A_575 : vector<1x2560xf32>
    %max3A_593 = arith.constant 0.000000e+00 : f32
    %max3A_594 = vector.broadcast %max3A_593 : f32 to vector<1x2560xf32>
    %max3A_595 = arith.maximumf %sub3A_592, %max3A_594 : vector<1x2560xf32>
    %sub3A_596 = arith.subf %slice3A_578, %slice3A_576 : vector<1x2560xf32>
    %max3A_597 = arith.constant 0.000000e+00 : f32
    %max3A_598 = vector.broadcast %max3A_597 : f32 to vector<1x2560xf32>
    %max3A_599 = arith.maximumf %sub3A_596, %max3A_598 : vector<1x2560xf32>
    %mul3A_600 = arith.mulf %max3A_595, %max3A_599 : vector<1x2560xf32>
    %sub3A_601 = arith.subf %broadcast_in_dim3A_497, %broadcast_in_dim3A_487 : vector<1x2560xf32>
    %max3A_602 = arith.constant 0.000000e+00 : f32
    %max3A_603 = vector.broadcast %max3A_602 : f32 to vector<1x2560xf32>
    %max3A_604 = arith.maximumf %sub3A_601, %max3A_603 : vector<1x2560xf32>
    %sub3A_605 = arith.subf %broadcast_in_dim3A_502, %broadcast_in_dim3A_492 : vector<1x2560xf32>
    %max3A_606 = arith.constant 0.000000e+00 : f32
    %max3A_607 = vector.broadcast %max3A_606 : f32 to vector<1x2560xf32>
    %max3A_608 = arith.maximumf %sub3A_605, %max3A_607 : vector<1x2560xf32>
    %mul3A_609 = arith.mulf %max3A_604, %max3A_608 : vector<1x2560xf32>
    %add3A_610 = arith.addf %mul3A_600, %mul3A_609 : vector<1x2560xf32>
    %sub3A_611 = arith.subf %add3A_610, %mul3A_591 : vector<1x2560xf32>
    %add3A_612 = arith.constant 1.000000e-07 : f32
    %add3A_613 = vector.broadcast %add3A_612 : f32 to vector<1x2560xf32>
    %add3A_614 = arith.addf %sub3A_611, %add3A_613 : vector<1x2560xf32>
    %div3A_615 = arith.divf %mul3A_591, %add3A_614 : vector<1x2560xf32>
    %max3A_616 = arith.maximumf %slice3A_577, %broadcast_in_dim3A_497 : vector<1x2560xf32>
    %min3A_617 = arith.minimumf %slice3A_575, %broadcast_in_dim3A_487 : vector<1x2560xf32>
    %sub3A_618 = arith.subf %max3A_616, %min3A_617 : vector<1x2560xf32>
    %max3A_619 = arith.maximumf %slice3A_578, %broadcast_in_dim3A_502 : vector<1x2560xf32>
    %min3A_620 = arith.minimumf %slice3A_576, %broadcast_in_dim3A_492 : vector<1x2560xf32>
    %sub3A_621 = arith.subf %max3A_619, %min3A_620 : vector<1x2560xf32>
    %mul3A_622 = arith.mulf %sub3A_618, %sub3A_618 : vector<1x2560xf32>
    %mul3A_623 = arith.mulf %sub3A_621, %sub3A_621 : vector<1x2560xf32>
    %add3A_624 = arith.addf %mul3A_622, %mul3A_623 : vector<1x2560xf32>
    %add3A_625 = arith.constant 1.000000e-07 : f32
    %add3A_626 = vector.broadcast %add3A_625 : f32 to vector<1x2560xf32>
    %add3A_627 = arith.addf %add3A_624, %add3A_626 : vector<1x2560xf32>
    %add3A_628 = arith.addf %slice3A_575, %slice3A_577 : vector<1x2560xf32>
    %mul3A_629 = arith.constant 5.000000e-01 : f32
    %mul3A_630 = vector.broadcast %mul3A_629 : f32 to vector<1x2560xf32>
    %mul3A_631 = arith.mulf %add3A_628, %mul3A_630 : vector<1x2560xf32>
    %add3A_632 = arith.addf %broadcast_in_dim3A_487, %broadcast_in_dim3A_497 : vector<1x2560xf32>
    %mul3A_633 = arith.constant 5.000000e-01 : f32
    %mul3A_634 = vector.broadcast %mul3A_633 : f32 to vector<1x2560xf32>
    %mul3A_635 = arith.mulf %add3A_632, %mul3A_634 : vector<1x2560xf32>
    %sub3A_636 = arith.subf %mul3A_631, %mul3A_635 : vector<1x2560xf32>
    %add3A_637 = arith.addf %slice3A_576, %slice3A_578 : vector<1x2560xf32>
    %mul3A_638 = arith.constant 5.000000e-01 : f32
    %mul3A_639 = vector.broadcast %mul3A_638 : f32 to vector<1x2560xf32>
    %mul3A_640 = arith.mulf %add3A_637, %mul3A_639 : vector<1x2560xf32>
    %add3A_641 = arith.addf %broadcast_in_dim3A_492, %broadcast_in_dim3A_502 : vector<1x2560xf32>
    %mul3A_642 = arith.constant 5.000000e-01 : f32
    %mul3A_643 = vector.broadcast %mul3A_642 : f32 to vector<1x2560xf32>
    %mul3A_644 = arith.mulf %add3A_641, %mul3A_643 : vector<1x2560xf32>
    %sub3A_645 = arith.subf %mul3A_640, %mul3A_644 : vector<1x2560xf32>
    %mul3A_646 = arith.mulf %sub3A_636, %sub3A_636 : vector<1x2560xf32>
    %mul3A_647 = arith.mulf %sub3A_645, %sub3A_645 : vector<1x2560xf32>
    %add3A_648 = arith.addf %mul3A_646, %mul3A_647 : vector<1x2560xf32>
    %sub3A_649 = arith.subf %slice3A_577, %slice3A_575 : vector<1x2560xf32>
    %sub3A_650 = arith.subf %broadcast_in_dim3A_497, %broadcast_in_dim3A_487 : vector<1x2560xf32>
    %sub3A_651 = arith.subf %sub3A_649, %sub3A_650 : vector<1x2560xf32>
    %sub3A_652 = arith.subf %slice3A_578, %slice3A_576 : vector<1x2560xf32>
    %sub3A_653 = arith.subf %broadcast_in_dim3A_502, %broadcast_in_dim3A_492 : vector<1x2560xf32>
    %sub3A_654 = arith.subf %sub3A_652, %sub3A_653 : vector<1x2560xf32>
    %sub3A_655 = arith.constant 1.000000e+00 : f32
    %sub3A_656 = vector.broadcast %sub3A_655 : f32 to vector<1x2560xf32>
    %sub3A_657 = arith.subf %sub3A_656, %div3A_615 : vector<1x2560xf32>
    %div3A_658 = arith.divf %add3A_648, %add3A_627 : vector<1x2560xf32>
    %add3A_659 = arith.addf %sub3A_657, %div3A_658 : vector<1x2560xf32>
    %mul3A_660 = arith.mulf %sub3A_651, %sub3A_651 : vector<1x2560xf32>
    %mul3A_661 = arith.mulf %sub3A_618, %sub3A_618 : vector<1x2560xf32>
    %add3A_662 = arith.constant 1.000000e-07 : f32
    %add3A_663 = vector.broadcast %add3A_662 : f32 to vector<1x2560xf32>
    %add3A_664 = arith.addf %mul3A_661, %add3A_663 : vector<1x2560xf32>
    %div3A_665 = arith.divf %mul3A_660, %add3A_664 : vector<1x2560xf32>
    %add3A_666 = arith.addf %add3A_659, %div3A_665 : vector<1x2560xf32>
    %mul3A_667 = arith.mulf %sub3A_654, %sub3A_654 : vector<1x2560xf32>
    %mul3A_668 = arith.mulf %sub3A_621, %sub3A_621 : vector<1x2560xf32>
    %add3A_669 = arith.constant 1.000000e-07 : f32
    %add3A_670 = vector.broadcast %add3A_669 : f32 to vector<1x2560xf32>
    %add3A_671 = arith.addf %mul3A_668, %add3A_670 : vector<1x2560xf32>
    %div3A_672 = arith.divf %mul3A_667, %add3A_671 : vector<1x2560xf32>
    %add3A_673 = arith.addf %add3A_666, %div3A_672 : vector<1x2560xf32>
    %mul3A_674 = arith.mulf %add3A_673, %select_n3A_475 : vector<1x2560xf32>
    %reduce_sum3A_675 = vector.shape_cast %mul3A_674 : vector<1x2560xf32> to vector<1x1x2560xf32>
    %reduce_sum3A_676 = arith.constant dense<0.000000e+00> : vector<1xf32>
    %reduce_sum3A_677 = vector.multi_reduction <add>, %reduce_sum3A_675, %reduce_sum3A_676 [1, 2] : vector<1x1x2560xf32> to vector<1xf32>
    %reduce_sum3A_678 = vector.shape_cast %reduce_sum3A_677 : vector<1xf32> to vector<1x1x1xf32>
    %reduce_sum3A_679 = vector.extract %reduce_sum3A_678[0, 0, 0] : f32 from vector<1x1x1xf32>
    %add3A_680 = arith.addf %add3A_406, %reduce_sum3A_679 : f32
    %reduce_sum3A_681 = vector.shape_cast %select_n3A_475 : vector<1x2560xf32> to vector<1x1x2560xf32>
    %reduce_sum3A_682 = arith.constant dense<0.000000e+00> : vector<1xf32>
    %reduce_sum3A_683 = vector.multi_reduction <add>, %reduce_sum3A_681, %reduce_sum3A_682 [1, 2] : vector<1x1x2560xf32> to vector<1xf32>
    %reduce_sum3A_684 = vector.shape_cast %reduce_sum3A_683 : vector<1xf32> to vector<1x1x1xf32>
    %reduce_sum3A_685 = vector.extract %reduce_sum3A_684[0, 0, 0] : f32 from vector<1x1x1xf32>
    %add3A_686 = arith.addf %add3A_413, %reduce_sum3A_685 : f32
    %slice3A_687 = vector.extract_strided_slice %iota3A_12 {offsets = [0, 5120], sizes = [1, 2560], strides = [1, 1]} : vector<1x20480xi32> to vector<1x2560xi32>
    %get3A_688 = arith.constant 0 : index
    %get3A_689 = arith.constant 0 : index
    %get3A_690 = arith.constant 0 : index
    %get3A_691 = arith.constant 5120 : index
    %get3A_692 = vector.load %arg4[%get3A_688, %get3A_689, %get3A_690, %get3A_691] : memref<1x1x56x20480xf32, #tpu.memory_space<vmem>>, vector<1x1x56x2560xf32>
    %get3A_693 = vector.shape_cast %get3A_692 : vector<1x1x56x2560xf32> to vector<56x2560xf32>
    %get3A_694 = arith.constant 0 : index
    %get3A_695 = arith.constant 0 : index
    %get3A_696 = arith.constant 0 : index
    %get3A_697 = arith.constant 5120 : index
    %get3A_698 = vector.load %arg5[%get3A_694, %get3A_695, %get3A_696, %get3A_697] : memref<1x1x56x20480xf32, #tpu.memory_space<vmem>>, vector<1x1x56x2560xf32>
    %get3A_699 = vector.shape_cast %get3A_698 : vector<1x1x56x2560xf32> to vector<56x2560xf32>
    %le3A_700 = vector.broadcast %add3A_152 : vector<56x1xf32> to vector<56x2560xf32>
    %le3A_701 = arith.cmpf ole, %get3A_693, %le3A_700 : vector<56x2560xf32>
    %lt3A_702 = arith.constant 1.000000e+10 : f32
    %lt3A_703 = vector.broadcast %lt3A_702 : f32 to vector<56x2560xf32>
    %lt3A_704 = arith.cmpf olt, %get3A_693, %lt3A_703 : vector<56x2560xf32>
    %and3A_705 = arith.andi %le3A_701, %lt3A_704 : vector<56x2560xi1>
    %jit3A_706 = arith.constant 1.000000e+00 : f32
    %jit3A_707 = arith.constant 0.000000e+00 : f32
    %broadcast_in_dim3A_708 = vector.broadcast %jit3A_706 : f32 to vector<56x2560xf32>
    %broadcast_in_dim3A_709 = vector.broadcast %jit3A_707 : f32 to vector<56x2560xf32>
    %select_n3A_710 = arith.select %and3A_705, %broadcast_in_dim3A_708, %broadcast_in_dim3A_709 : vector<56x2560xi1>, vector<56x2560xf32>
    %reduce_sum3A_711 = arith.constant dense<0.000000e+00> : vector<2560xf32>
    %reduce_sum3A_712 = vector.multi_reduction <add>, %select_n3A_710, %reduce_sum3A_711 [0] : vector<56x2560xf32> to vector<2560xf32>
    %broadcast_in_dim3A_713 = vector.shape_cast %reduce_sum3A_712 : vector<2560xf32> to vector<1x2560xf32>
    %reduce_min3A_714 = arith.constant dense<0x7F800000> : vector<2560xf32>
    %reduce_min3A_715 = vector.multi_reduction <minimumf>, %get3A_693, %reduce_min3A_714 [0] : vector<56x2560xf32> to vector<2560xf32>
    %broadcast_in_dim3A_716 = vector.shape_cast %reduce_min3A_715 : vector<2560xf32> to vector<1x2560xf32>
    %eq3A_717 = vector.broadcast %broadcast_in_dim3A_716 : vector<1x2560xf32> to vector<56x2560xf32>
    %eq3A_718 = arith.cmpf oeq, %get3A_693, %eq3A_717 : vector<56x2560xf32>
    %jit3A_719 = arith.constant 1073741824 : i32
    %broadcast_in_dim3A_720 = vector.shape_cast %iota3A : vector<56x1xi32> to vector<56x1xi32>
    %broadcast_in_dim3A_721 = vector.broadcast %broadcast_in_dim3A_720 : vector<56x1xi32> to vector<56x2560xi32>
    %broadcast_in_dim3A_722 = vector.broadcast %jit3A_719 : i32 to vector<56x2560xi32>
    %select_n3A_723 = arith.select %eq3A_718, %broadcast_in_dim3A_721, %broadcast_in_dim3A_722 : vector<56x2560xi1>, vector<56x2560xi32>
    %reduce_min3A_724 = arith.constant dense<2147483647> : vector<2560xi32>
    %reduce_min3A_725 = vector.multi_reduction <minsi>, %select_n3A_723, %reduce_min3A_724 [0] : vector<56x2560xi32> to vector<2560xi32>
    %broadcast_in_dim3A_726 = vector.shape_cast %reduce_min3A_725 : vector<2560xi32> to vector<1x2560xi32>
    %gt3A_727 = arith.constant 1.500000e+00 : f32
    %gt3A_728 = vector.broadcast %gt3A_727 : f32 to vector<1x2560xf32>
    %gt3A_729 = arith.cmpf ogt, %broadcast_in_dim3A_713, %gt3A_728 : vector<1x2560xf32>
    %eq3A_730 = vector.broadcast %iota3A : vector<56x1xi32> to vector<56x2560xi32>
    %eq3A_731 = vector.broadcast %broadcast_in_dim3A_726 : vector<1x2560xi32> to vector<56x2560xi32>
    %eq3A_732 = arith.cmpi eq, %eq3A_730, %eq3A_731 : vector<56x2560xi32>
    %jit3A_733 = arith.constant 1.000000e+00 : f32
    %jit3A_734 = arith.constant 0.000000e+00 : f32
    %broadcast_in_dim3A_735 = vector.broadcast %jit3A_733 : f32 to vector<56x2560xf32>
    %broadcast_in_dim3A_736 = vector.broadcast %jit3A_734 : f32 to vector<56x2560xf32>
    %select_n3A_737 = arith.select %eq3A_732, %broadcast_in_dim3A_735, %broadcast_in_dim3A_736 : vector<56x2560xi1>, vector<56x2560xf32>
    %broadcast_in_dim3A_738 = vector.shape_cast %gt3A_729 : vector<1x2560xi1> to vector<1x2560xi1>
    %broadcast_in_dim3A_739 = vector.broadcast %broadcast_in_dim3A_738 : vector<1x2560xi1> to vector<56x2560xi1>
    %select_n3A_740 = arith.select %broadcast_in_dim3A_739, %select_n3A_737, %select_n3A_710 : vector<56x2560xi1>, vector<56x2560xf32>
    %gt3A_741 = arith.constant 5.000000e-01 : f32
    %gt3A_742 = vector.broadcast %gt3A_741 : f32 to vector<1x2560xf32>
    %gt3A_743 = arith.cmpf ogt, %broadcast_in_dim3A_713, %gt3A_742 : vector<1x2560xf32>
    %jit3A_744 = arith.constant 1.000000e+00 : f32
    %jit3A_745 = arith.constant 0.000000e+00 : f32
    %broadcast_in_dim3A_746 = vector.broadcast %jit3A_744 : f32 to vector<1x2560xf32>
    %broadcast_in_dim3A_747 = vector.broadcast %jit3A_745 : f32 to vector<1x2560xf32>
    %select_n3A_748 = arith.select %gt3A_743, %broadcast_in_dim3A_746, %broadcast_in_dim3A_747 : vector<1x2560xi1>, vector<1x2560xf32>
    %mul3A_749 = arith.mulf %select_n3A_740, %get3A_699 : vector<56x2560xf32>
    %reduce_sum3A_750 = arith.constant dense<0.000000e+00> : vector<2560xf32>
    %reduce_sum3A_751 = vector.multi_reduction <add>, %mul3A_749, %reduce_sum3A_750 [0] : vector<56x2560xf32> to vector<2560xf32>
    %broadcast_in_dim3A_752 = vector.shape_cast %reduce_sum3A_751 : vector<2560xf32> to vector<1x2560xf32>
    %jit3A_753 = arith.constant 0.000000e+00 : f32
    %broadcast_in_dim3A_754 = vector.broadcast %jit3A_753 : f32 to vector<1x2560xf32>
    %select_n3A_755 = arith.select %gt3A_743, %broadcast_in_dim3A_752, %broadcast_in_dim3A_754 : vector<1x2560xi1>, vector<1x2560xf32>
    %mul3A_756 = vector.broadcast %slice3A : vector<56x1xf32> to vector<56x2560xf32>
    %mul3A_757 = arith.mulf %select_n3A_740, %mul3A_756 : vector<56x2560xf32>
    %reduce_sum3A_758 = arith.constant dense<0.000000e+00> : vector<2560xf32>
    %reduce_sum3A_759 = vector.multi_reduction <add>, %mul3A_757, %reduce_sum3A_758 [0] : vector<56x2560xf32> to vector<2560xf32>
    %broadcast_in_dim3A_760 = vector.shape_cast %reduce_sum3A_759 : vector<2560xf32> to vector<1x2560xf32>
    %mul3A_761 = vector.broadcast %slice3A_9 : vector<56x1xf32> to vector<56x2560xf32>
    %mul3A_762 = arith.mulf %select_n3A_740, %mul3A_761 : vector<56x2560xf32>
    %reduce_sum3A_763 = arith.constant dense<0.000000e+00> : vector<2560xf32>
    %reduce_sum3A_764 = vector.multi_reduction <add>, %mul3A_762, %reduce_sum3A_763 [0] : vector<56x2560xf32> to vector<2560xf32>
    %broadcast_in_dim3A_765 = vector.shape_cast %reduce_sum3A_764 : vector<2560xf32> to vector<1x2560xf32>
    %mul3A_766 = vector.broadcast %slice3A_10 : vector<56x1xf32> to vector<56x2560xf32>
    %mul3A_767 = arith.mulf %select_n3A_740, %mul3A_766 : vector<56x2560xf32>
    %reduce_sum3A_768 = arith.constant dense<0.000000e+00> : vector<2560xf32>
    %reduce_sum3A_769 = vector.multi_reduction <add>, %mul3A_767, %reduce_sum3A_768 [0] : vector<56x2560xf32> to vector<2560xf32>
    %broadcast_in_dim3A_770 = vector.shape_cast %reduce_sum3A_769 : vector<2560xf32> to vector<1x2560xf32>
    %mul3A_771 = vector.broadcast %slice3A_11 : vector<56x1xf32> to vector<56x2560xf32>
    %mul3A_772 = arith.mulf %select_n3A_740, %mul3A_771 : vector<56x2560xf32>
    %reduce_sum3A_773 = arith.constant dense<0.000000e+00> : vector<2560xf32>
    %reduce_sum3A_774 = vector.multi_reduction <add>, %mul3A_772, %reduce_sum3A_773 [0] : vector<56x2560xf32> to vector<2560xf32>
    %broadcast_in_dim3A_775 = vector.shape_cast %reduce_sum3A_774 : vector<2560xf32> to vector<1x2560xf32>
    %get3A_776 = arith.constant 0 : index
    %get3A_777 = arith.constant 0 : index
    %get3A_778 = arith.constant 0 : index
    %get3A_779 = vector.load %arg2[%get3A_776, %get3A_777, %get3A_778] : memref<1x8x20480xf32, #tpu.memory_space<vmem>>, vector<1x8x20480xf32>
    %get3A_780 = vector.shape_cast %get3A_779 : vector<1x8x20480xf32> to vector<8x20480xf32>
    %slice3A_781 = vector.extract_strided_slice %get3A_780 {offsets = [0, 5120], sizes = [1, 2560], strides = [1, 1]} : vector<8x20480xf32> to vector<1x2560xf32>
    %lt3A_782 = arith.constant 20000 : i32
    %lt3A_783 = vector.broadcast %lt3A_782 : i32 to vector<1x2560xi32>
    %lt3A_784 = arith.cmpi slt, %slice3A_687, %lt3A_783 : vector<1x2560xi32>
    %abs3A_785 = math.absf %slice3A_781 : vector<1x2560xf32>
    %neg3A_786 = arith.constant 0.000000e+00 : f32
    %neg3A_787 = vector.broadcast %neg3A_786 : f32 to vector<1x2560xf32>
    %neg3A_788 = arith.subf %neg3A_787, %abs3A_785 : vector<1x2560xf32>
    %exp3A_789 = math.exp %neg3A_788 : vector<1x2560xf32>
    %max3A_790 = arith.constant 0.000000e+00 : f32
    %max3A_791 = vector.broadcast %max3A_790 : f32 to vector<1x2560xf32>
    %max3A_792 = arith.maximumf %slice3A_781, %max3A_791 : vector<1x2560xf32>
    %mul3A_793 = arith.mulf %slice3A_781, %select_n3A_755 : vector<1x2560xf32>
    %sub3A_794 = arith.subf %max3A_792, %mul3A_793 : vector<1x2560xf32>
    %add3A_795 = arith.constant 1.000000e+00 : f32
    %add3A_796 = vector.broadcast %add3A_795 : f32 to vector<1x2560xf32>
    %add3A_797 = arith.addf %add3A_796, %exp3A_789 : vector<1x2560xf32>
    %log3A_798 = math.log %add3A_797 : vector<1x2560xf32>
    %add3A_799 = arith.addf %sub3A_794, %log3A_798 : vector<1x2560xf32>
    %ge3A_800 = arith.constant 0.000000e+00 : f32
    %ge3A_801 = vector.broadcast %ge3A_800 : f32 to vector<1x2560xf32>
    %ge3A_802 = arith.cmpf oge, %slice3A_781, %ge3A_801 : vector<1x2560xf32>
    %add3A_803 = arith.constant 1.000000e+00 : f32
    %add3A_804 = vector.broadcast %add3A_803 : f32 to vector<1x2560xf32>
    %add3A_805 = arith.addf %add3A_804, %exp3A_789 : vector<1x2560xf32>
    %div3A_806 = arith.constant 1.000000e+00 : f32
    %div3A_807 = vector.broadcast %div3A_806 : f32 to vector<1x2560xf32>
    %div3A_808 = arith.divf %div3A_807, %add3A_805 : vector<1x2560xf32>
    %add3A_809 = arith.constant 1.000000e+00 : f32
    %add3A_810 = vector.broadcast %add3A_809 : f32 to vector<1x2560xf32>
    %add3A_811 = arith.addf %add3A_810, %exp3A_789 : vector<1x2560xf32>
    %div3A_812 = arith.divf %exp3A_789, %add3A_811 : vector<1x2560xf32>
    %select_n3A_813 = arith.select %ge3A_802, %div3A_808, %div3A_812 : vector<1x2560xi1>, vector<1x2560xf32>
    %mul3A_814 = arith.mulf %select_n3A_813, %select_n3A_755 : vector<1x2560xf32>
    %sub3A_815 = arith.constant 1.000000e+00 : f32
    %sub3A_816 = vector.broadcast %sub3A_815 : f32 to vector<1x2560xf32>
    %sub3A_817 = arith.subf %sub3A_816, %select_n3A_813 : vector<1x2560xf32>
    %sub3A_818 = arith.constant 1.000000e+00 : f32
    %sub3A_819 = vector.broadcast %sub3A_818 : f32 to vector<1x2560xf32>
    %sub3A_820 = arith.subf %sub3A_819, %select_n3A_755 : vector<1x2560xf32>
    %mul3A_821 = arith.mulf %sub3A_817, %sub3A_820 : vector<1x2560xf32>
    %add3A_822 = arith.addf %mul3A_814, %mul3A_821 : vector<1x2560xf32>
    %mul3A_823 = arith.constant 2.500000e-01 : f32
    %mul3A_824 = vector.broadcast %mul3A_823 : f32 to vector<1x2560xf32>
    %mul3A_825 = arith.mulf %mul3A_824, %select_n3A_755 : vector<1x2560xf32>
    %sub3A_826 = arith.constant 1.000000e+00 : f32
    %sub3A_827 = vector.broadcast %sub3A_826 : f32 to vector<1x2560xf32>
    %sub3A_828 = arith.subf %sub3A_827, %select_n3A_755 : vector<1x2560xf32>
    %mul3A_829 = arith.constant 7.500000e-01 : f32
    %mul3A_830 = vector.broadcast %mul3A_829 : f32 to vector<1x2560xf32>
    %mul3A_831 = arith.mulf %mul3A_830, %sub3A_828 : vector<1x2560xf32>
    %add3A_832 = arith.addf %mul3A_825, %mul3A_831 : vector<1x2560xf32>
    %sub3A_833 = arith.constant 1.000000e+00 : f32
    %sub3A_834 = vector.broadcast %sub3A_833 : f32 to vector<1x2560xf32>
    %sub3A_835 = arith.subf %sub3A_834, %add3A_822 : vector<1x2560xf32>
    %mul3A_836 = arith.mulf %add3A_832, %sub3A_835 : vector<1x2560xf32>
    %mul3A_837 = arith.mulf %mul3A_836, %sub3A_835 : vector<1x2560xf32>
    %mul3A_838 = arith.mulf %mul3A_837, %add3A_799 : vector<1x2560xf32>
    %jit3A_839 = arith.constant 0.000000e+00 : f32
    %broadcast_in_dim3A_840 = vector.broadcast %jit3A_839 : f32 to vector<1x2560xf32>
    %select_n3A_841 = arith.select %lt3A_784, %mul3A_838, %broadcast_in_dim3A_840 : vector<1x2560xi1>, vector<1x2560xf32>
    %reduce_sum3A_842 = vector.shape_cast %select_n3A_841 : vector<1x2560xf32> to vector<1x1x2560xf32>
    %reduce_sum3A_843 = arith.constant dense<0.000000e+00> : vector<1xf32>
    %reduce_sum3A_844 = vector.multi_reduction <add>, %reduce_sum3A_842, %reduce_sum3A_843 [1, 2] : vector<1x1x2560xf32> to vector<1xf32>
    %reduce_sum3A_845 = vector.shape_cast %reduce_sum3A_844 : vector<1xf32> to vector<1x1x1xf32>
    %reduce_sum3A_846 = vector.extract %reduce_sum3A_845[0, 0, 0] : f32 from vector<1x1x1xf32>
    %add3A_847 = arith.addf %add3A_574, %reduce_sum3A_846 : f32
    %slice3A_848 = vector.extract_strided_slice %get3A_3 {offsets = [1, 5120], sizes = [1, 2560], strides = [1, 1]} : vector<8x20480xf32> to vector<1x2560xf32>
    %slice3A_849 = vector.extract_strided_slice %get3A_3 {offsets = [2, 5120], sizes = [1, 2560], strides = [1, 1]} : vector<8x20480xf32> to vector<1x2560xf32>
    %slice3A_850 = vector.extract_strided_slice %get3A_3 {offsets = [3, 5120], sizes = [1, 2560], strides = [1, 1]} : vector<8x20480xf32> to vector<1x2560xf32>
    %slice3A_851 = vector.extract_strided_slice %get3A_3 {offsets = [4, 5120], sizes = [1, 2560], strides = [1, 1]} : vector<8x20480xf32> to vector<1x2560xf32>
    %min3A_852 = arith.minimumf %slice3A_850, %broadcast_in_dim3A_770 : vector<1x2560xf32>
    %max3A_853 = arith.maximumf %slice3A_848, %broadcast_in_dim3A_760 : vector<1x2560xf32>
    %sub3A_854 = arith.subf %min3A_852, %max3A_853 : vector<1x2560xf32>
    %max3A_855 = arith.constant 0.000000e+00 : f32
    %max3A_856 = vector.broadcast %max3A_855 : f32 to vector<1x2560xf32>
    %max3A_857 = arith.maximumf %sub3A_854, %max3A_856 : vector<1x2560xf32>
    %min3A_858 = arith.minimumf %slice3A_851, %broadcast_in_dim3A_775 : vector<1x2560xf32>
    %max3A_859 = arith.maximumf %slice3A_849, %broadcast_in_dim3A_765 : vector<1x2560xf32>
    %sub3A_860 = arith.subf %min3A_858, %max3A_859 : vector<1x2560xf32>
    %max3A_861 = arith.constant 0.000000e+00 : f32
    %max3A_862 = vector.broadcast %max3A_861 : f32 to vector<1x2560xf32>
    %max3A_863 = arith.maximumf %sub3A_860, %max3A_862 : vector<1x2560xf32>
    %mul3A_864 = arith.mulf %max3A_857, %max3A_863 : vector<1x2560xf32>
    %sub3A_865 = arith.subf %slice3A_850, %slice3A_848 : vector<1x2560xf32>
    %max3A_866 = arith.constant 0.000000e+00 : f32
    %max3A_867 = vector.broadcast %max3A_866 : f32 to vector<1x2560xf32>
    %max3A_868 = arith.maximumf %sub3A_865, %max3A_867 : vector<1x2560xf32>
    %sub3A_869 = arith.subf %slice3A_851, %slice3A_849 : vector<1x2560xf32>
    %max3A_870 = arith.constant 0.000000e+00 : f32
    %max3A_871 = vector.broadcast %max3A_870 : f32 to vector<1x2560xf32>
    %max3A_872 = arith.maximumf %sub3A_869, %max3A_871 : vector<1x2560xf32>
    %mul3A_873 = arith.mulf %max3A_868, %max3A_872 : vector<1x2560xf32>
    %sub3A_874 = arith.subf %broadcast_in_dim3A_770, %broadcast_in_dim3A_760 : vector<1x2560xf32>
    %max3A_875 = arith.constant 0.000000e+00 : f32
    %max3A_876 = vector.broadcast %max3A_875 : f32 to vector<1x2560xf32>
    %max3A_877 = arith.maximumf %sub3A_874, %max3A_876 : vector<1x2560xf32>
    %sub3A_878 = arith.subf %broadcast_in_dim3A_775, %broadcast_in_dim3A_765 : vector<1x2560xf32>
    %max3A_879 = arith.constant 0.000000e+00 : f32
    %max3A_880 = vector.broadcast %max3A_879 : f32 to vector<1x2560xf32>
    %max3A_881 = arith.maximumf %sub3A_878, %max3A_880 : vector<1x2560xf32>
    %mul3A_882 = arith.mulf %max3A_877, %max3A_881 : vector<1x2560xf32>
    %add3A_883 = arith.addf %mul3A_873, %mul3A_882 : vector<1x2560xf32>
    %sub3A_884 = arith.subf %add3A_883, %mul3A_864 : vector<1x2560xf32>
    %add3A_885 = arith.constant 1.000000e-07 : f32
    %add3A_886 = vector.broadcast %add3A_885 : f32 to vector<1x2560xf32>
    %add3A_887 = arith.addf %sub3A_884, %add3A_886 : vector<1x2560xf32>
    %div3A_888 = arith.divf %mul3A_864, %add3A_887 : vector<1x2560xf32>
    %max3A_889 = arith.maximumf %slice3A_850, %broadcast_in_dim3A_770 : vector<1x2560xf32>
    %min3A_890 = arith.minimumf %slice3A_848, %broadcast_in_dim3A_760 : vector<1x2560xf32>
    %sub3A_891 = arith.subf %max3A_889, %min3A_890 : vector<1x2560xf32>
    %max3A_892 = arith.maximumf %slice3A_851, %broadcast_in_dim3A_775 : vector<1x2560xf32>
    %min3A_893 = arith.minimumf %slice3A_849, %broadcast_in_dim3A_765 : vector<1x2560xf32>
    %sub3A_894 = arith.subf %max3A_892, %min3A_893 : vector<1x2560xf32>
    %mul3A_895 = arith.mulf %sub3A_891, %sub3A_891 : vector<1x2560xf32>
    %mul3A_896 = arith.mulf %sub3A_894, %sub3A_894 : vector<1x2560xf32>
    %add3A_897 = arith.addf %mul3A_895, %mul3A_896 : vector<1x2560xf32>
    %add3A_898 = arith.constant 1.000000e-07 : f32
    %add3A_899 = vector.broadcast %add3A_898 : f32 to vector<1x2560xf32>
    %add3A_900 = arith.addf %add3A_897, %add3A_899 : vector<1x2560xf32>
    %add3A_901 = arith.addf %slice3A_848, %slice3A_850 : vector<1x2560xf32>
    %mul3A_902 = arith.constant 5.000000e-01 : f32
    %mul3A_903 = vector.broadcast %mul3A_902 : f32 to vector<1x2560xf32>
    %mul3A_904 = arith.mulf %add3A_901, %mul3A_903 : vector<1x2560xf32>
    %add3A_905 = arith.addf %broadcast_in_dim3A_760, %broadcast_in_dim3A_770 : vector<1x2560xf32>
    %mul3A_906 = arith.constant 5.000000e-01 : f32
    %mul3A_907 = vector.broadcast %mul3A_906 : f32 to vector<1x2560xf32>
    %mul3A_908 = arith.mulf %add3A_905, %mul3A_907 : vector<1x2560xf32>
    %sub3A_909 = arith.subf %mul3A_904, %mul3A_908 : vector<1x2560xf32>
    %add3A_910 = arith.addf %slice3A_849, %slice3A_851 : vector<1x2560xf32>
    %mul3A_911 = arith.constant 5.000000e-01 : f32
    %mul3A_912 = vector.broadcast %mul3A_911 : f32 to vector<1x2560xf32>
    %mul3A_913 = arith.mulf %add3A_910, %mul3A_912 : vector<1x2560xf32>
    %add3A_914 = arith.addf %broadcast_in_dim3A_765, %broadcast_in_dim3A_775 : vector<1x2560xf32>
    %mul3A_915 = arith.constant 5.000000e-01 : f32
    %mul3A_916 = vector.broadcast %mul3A_915 : f32 to vector<1x2560xf32>
    %mul3A_917 = arith.mulf %add3A_914, %mul3A_916 : vector<1x2560xf32>
    %sub3A_918 = arith.subf %mul3A_913, %mul3A_917 : vector<1x2560xf32>
    %mul3A_919 = arith.mulf %sub3A_909, %sub3A_909 : vector<1x2560xf32>
    %mul3A_920 = arith.mulf %sub3A_918, %sub3A_918 : vector<1x2560xf32>
    %add3A_921 = arith.addf %mul3A_919, %mul3A_920 : vector<1x2560xf32>
    %sub3A_922 = arith.subf %slice3A_850, %slice3A_848 : vector<1x2560xf32>
    %sub3A_923 = arith.subf %broadcast_in_dim3A_770, %broadcast_in_dim3A_760 : vector<1x2560xf32>
    %sub3A_924 = arith.subf %sub3A_922, %sub3A_923 : vector<1x2560xf32>
    %sub3A_925 = arith.subf %slice3A_851, %slice3A_849 : vector<1x2560xf32>
    %sub3A_926 = arith.subf %broadcast_in_dim3A_775, %broadcast_in_dim3A_765 : vector<1x2560xf32>
    %sub3A_927 = arith.subf %sub3A_925, %sub3A_926 : vector<1x2560xf32>
    %sub3A_928 = arith.constant 1.000000e+00 : f32
    %sub3A_929 = vector.broadcast %sub3A_928 : f32 to vector<1x2560xf32>
    %sub3A_930 = arith.subf %sub3A_929, %div3A_888 : vector<1x2560xf32>
    %div3A_931 = arith.divf %add3A_921, %add3A_900 : vector<1x2560xf32>
    %add3A_932 = arith.addf %sub3A_930, %div3A_931 : vector<1x2560xf32>
    %mul3A_933 = arith.mulf %sub3A_924, %sub3A_924 : vector<1x2560xf32>
    %mul3A_934 = arith.mulf %sub3A_891, %sub3A_891 : vector<1x2560xf32>
    %add3A_935 = arith.constant 1.000000e-07 : f32
    %add3A_936 = vector.broadcast %add3A_935 : f32 to vector<1x2560xf32>
    %add3A_937 = arith.addf %mul3A_934, %add3A_936 : vector<1x2560xf32>
    %div3A_938 = arith.divf %mul3A_933, %add3A_937 : vector<1x2560xf32>
    %add3A_939 = arith.addf %add3A_932, %div3A_938 : vector<1x2560xf32>
    %mul3A_940 = arith.mulf %sub3A_927, %sub3A_927 : vector<1x2560xf32>
    %mul3A_941 = arith.mulf %sub3A_894, %sub3A_894 : vector<1x2560xf32>
    %add3A_942 = arith.constant 1.000000e-07 : f32
    %add3A_943 = vector.broadcast %add3A_942 : f32 to vector<1x2560xf32>
    %add3A_944 = arith.addf %mul3A_941, %add3A_943 : vector<1x2560xf32>
    %div3A_945 = arith.divf %mul3A_940, %add3A_944 : vector<1x2560xf32>
    %add3A_946 = arith.addf %add3A_939, %div3A_945 : vector<1x2560xf32>
    %mul3A_947 = arith.mulf %add3A_946, %select_n3A_748 : vector<1x2560xf32>
    %reduce_sum3A_948 = vector.shape_cast %mul3A_947 : vector<1x2560xf32> to vector<1x1x2560xf32>
    %reduce_sum3A_949 = arith.constant dense<0.000000e+00> : vector<1xf32>
    %reduce_sum3A_950 = vector.multi_reduction <add>, %reduce_sum3A_948, %reduce_sum3A_949 [1, 2] : vector<1x1x2560xf32> to vector<1xf32>
    %reduce_sum3A_951 = vector.shape_cast %reduce_sum3A_950 : vector<1xf32> to vector<1x1x1xf32>
    %reduce_sum3A_952 = vector.extract %reduce_sum3A_951[0, 0, 0] : f32 from vector<1x1x1xf32>
    %add3A_953 = arith.addf %add3A_680, %reduce_sum3A_952 : f32
    %reduce_sum3A_954 = vector.shape_cast %select_n3A_748 : vector<1x2560xf32> to vector<1x1x2560xf32>
    %reduce_sum3A_955 = arith.constant dense<0.000000e+00> : vector<1xf32>
    %reduce_sum3A_956 = vector.multi_reduction <add>, %reduce_sum3A_954, %reduce_sum3A_955 [1, 2] : vector<1x1x2560xf32> to vector<1xf32>
    %reduce_sum3A_957 = vector.shape_cast %reduce_sum3A_956 : vector<1xf32> to vector<1x1x1xf32>
    %reduce_sum3A_958 = vector.extract %reduce_sum3A_957[0, 0, 0] : f32 from vector<1x1x1xf32>
    %add3A_959 = arith.addf %add3A_686, %reduce_sum3A_958 : f32
    %slice3A_960 = vector.extract_strided_slice %iota3A_12 {offsets = [0, 7680], sizes = [1, 2560], strides = [1, 1]} : vector<1x20480xi32> to vector<1x2560xi32>
    %get3A_961 = arith.constant 0 : index
    %get3A_962 = arith.constant 0 : index
    %get3A_963 = arith.constant 0 : index
    %get3A_964 = arith.constant 7680 : index
    %get3A_965 = vector.load %arg4[%get3A_961, %get3A_962, %get3A_963, %get3A_964] : memref<1x1x56x20480xf32, #tpu.memory_space<vmem>>, vector<1x1x56x2560xf32>
    %get3A_966 = vector.shape_cast %get3A_965 : vector<1x1x56x2560xf32> to vector<56x2560xf32>
    %get3A_967 = arith.constant 0 : index
    %get3A_968 = arith.constant 0 : index
    %get3A_969 = arith.constant 0 : index
    %get3A_970 = arith.constant 7680 : index
    %get3A_971 = vector.load %arg5[%get3A_967, %get3A_968, %get3A_969, %get3A_970] : memref<1x1x56x20480xf32, #tpu.memory_space<vmem>>, vector<1x1x56x2560xf32>
    %get3A_972 = vector.shape_cast %get3A_971 : vector<1x1x56x2560xf32> to vector<56x2560xf32>
    %le3A_973 = vector.broadcast %add3A_152 : vector<56x1xf32> to vector<56x2560xf32>
    %le3A_974 = arith.cmpf ole, %get3A_966, %le3A_973 : vector<56x2560xf32>
    %lt3A_975 = arith.constant 1.000000e+10 : f32
    %lt3A_976 = vector.broadcast %lt3A_975 : f32 to vector<56x2560xf32>
    %lt3A_977 = arith.cmpf olt, %get3A_966, %lt3A_976 : vector<56x2560xf32>
    %and3A_978 = arith.andi %le3A_974, %lt3A_977 : vector<56x2560xi1>
    %jit3A_979 = arith.constant 1.000000e+00 : f32
    %jit3A_980 = arith.constant 0.000000e+00 : f32
    %broadcast_in_dim3A_981 = vector.broadcast %jit3A_979 : f32 to vector<56x2560xf32>
    %broadcast_in_dim3A_982 = vector.broadcast %jit3A_980 : f32 to vector<56x2560xf32>
    %select_n3A_983 = arith.select %and3A_978, %broadcast_in_dim3A_981, %broadcast_in_dim3A_982 : vector<56x2560xi1>, vector<56x2560xf32>
    %reduce_sum3A_984 = arith.constant dense<0.000000e+00> : vector<2560xf32>
    %reduce_sum3A_985 = vector.multi_reduction <add>, %select_n3A_983, %reduce_sum3A_984 [0] : vector<56x2560xf32> to vector<2560xf32>
    %broadcast_in_dim3A_986 = vector.shape_cast %reduce_sum3A_985 : vector<2560xf32> to vector<1x2560xf32>
    %reduce_min3A_987 = arith.constant dense<0x7F800000> : vector<2560xf32>
    %reduce_min3A_988 = vector.multi_reduction <minimumf>, %get3A_966, %reduce_min3A_987 [0] : vector<56x2560xf32> to vector<2560xf32>
    %broadcast_in_dim3A_989 = vector.shape_cast %reduce_min3A_988 : vector<2560xf32> to vector<1x2560xf32>
    %eq3A_990 = vector.broadcast %broadcast_in_dim3A_989 : vector<1x2560xf32> to vector<56x2560xf32>
    %eq3A_991 = arith.cmpf oeq, %get3A_966, %eq3A_990 : vector<56x2560xf32>
    %jit3A_992 = arith.constant 1073741824 : i32
    %broadcast_in_dim3A_993 = vector.shape_cast %iota3A : vector<56x1xi32> to vector<56x1xi32>
    %broadcast_in_dim3A_994 = vector.broadcast %broadcast_in_dim3A_993 : vector<56x1xi32> to vector<56x2560xi32>
    %broadcast_in_dim3A_995 = vector.broadcast %jit3A_992 : i32 to vector<56x2560xi32>
    %select_n3A_996 = arith.select %eq3A_991, %broadcast_in_dim3A_994, %broadcast_in_dim3A_995 : vector<56x2560xi1>, vector<56x2560xi32>
    %reduce_min3A_997 = arith.constant dense<2147483647> : vector<2560xi32>
    %reduce_min3A_998 = vector.multi_reduction <minsi>, %select_n3A_996, %reduce_min3A_997 [0] : vector<56x2560xi32> to vector<2560xi32>
    %broadcast_in_dim3A_999 = vector.shape_cast %reduce_min3A_998 : vector<2560xi32> to vector<1x2560xi32>
    %gt3A_1000 = arith.constant 1.500000e+00 : f32
    %gt3A_1001 = vector.broadcast %gt3A_1000 : f32 to vector<1x2560xf32>
    %gt3A_1002 = arith.cmpf ogt, %broadcast_in_dim3A_986, %gt3A_1001 : vector<1x2560xf32>
    %eq3A_1003 = vector.broadcast %iota3A : vector<56x1xi32> to vector<56x2560xi32>
    %eq3A_1004 = vector.broadcast %broadcast_in_dim3A_999 : vector<1x2560xi32> to vector<56x2560xi32>
    %eq3A_1005 = arith.cmpi eq, %eq3A_1003, %eq3A_1004 : vector<56x2560xi32>
    %jit3A_1006 = arith.constant 1.000000e+00 : f32
    %jit3A_1007 = arith.constant 0.000000e+00 : f32
    %broadcast_in_dim3A_1008 = vector.broadcast %jit3A_1006 : f32 to vector<56x2560xf32>
    %broadcast_in_dim3A_1009 = vector.broadcast %jit3A_1007 : f32 to vector<56x2560xf32>
    %select_n3A_1010 = arith.select %eq3A_1005, %broadcast_in_dim3A_1008, %broadcast_in_dim3A_1009 : vector<56x2560xi1>, vector<56x2560xf32>
    %broadcast_in_dim3A_1011 = vector.shape_cast %gt3A_1002 : vector<1x2560xi1> to vector<1x2560xi1>
    %broadcast_in_dim3A_1012 = vector.broadcast %broadcast_in_dim3A_1011 : vector<1x2560xi1> to vector<56x2560xi1>
    %select_n3A_1013 = arith.select %broadcast_in_dim3A_1012, %select_n3A_1010, %select_n3A_983 : vector<56x2560xi1>, vector<56x2560xf32>
    %gt3A_1014 = arith.constant 5.000000e-01 : f32
    %gt3A_1015 = vector.broadcast %gt3A_1014 : f32 to vector<1x2560xf32>
    %gt3A_1016 = arith.cmpf ogt, %broadcast_in_dim3A_986, %gt3A_1015 : vector<1x2560xf32>
    %jit3A_1017 = arith.constant 1.000000e+00 : f32
    %jit3A_1018 = arith.constant 0.000000e+00 : f32
    %broadcast_in_dim3A_1019 = vector.broadcast %jit3A_1017 : f32 to vector<1x2560xf32>
    %broadcast_in_dim3A_1020 = vector.broadcast %jit3A_1018 : f32 to vector<1x2560xf32>
    %select_n3A_1021 = arith.select %gt3A_1016, %broadcast_in_dim3A_1019, %broadcast_in_dim3A_1020 : vector<1x2560xi1>, vector<1x2560xf32>
    %mul3A_1022 = arith.mulf %select_n3A_1013, %get3A_972 : vector<56x2560xf32>
    %reduce_sum3A_1023 = arith.constant dense<0.000000e+00> : vector<2560xf32>
    %reduce_sum3A_1024 = vector.multi_reduction <add>, %mul3A_1022, %reduce_sum3A_1023 [0] : vector<56x2560xf32> to vector<2560xf32>
    %broadcast_in_dim3A_1025 = vector.shape_cast %reduce_sum3A_1024 : vector<2560xf32> to vector<1x2560xf32>
    %jit3A_1026 = arith.constant 0.000000e+00 : f32
    %broadcast_in_dim3A_1027 = vector.broadcast %jit3A_1026 : f32 to vector<1x2560xf32>
    %select_n3A_1028 = arith.select %gt3A_1016, %broadcast_in_dim3A_1025, %broadcast_in_dim3A_1027 : vector<1x2560xi1>, vector<1x2560xf32>
    %mul3A_1029 = vector.broadcast %slice3A : vector<56x1xf32> to vector<56x2560xf32>
    %mul3A_1030 = arith.mulf %select_n3A_1013, %mul3A_1029 : vector<56x2560xf32>
    %reduce_sum3A_1031 = arith.constant dense<0.000000e+00> : vector<2560xf32>
    %reduce_sum3A_1032 = vector.multi_reduction <add>, %mul3A_1030, %reduce_sum3A_1031 [0] : vector<56x2560xf32> to vector<2560xf32>
    %broadcast_in_dim3A_1033 = vector.shape_cast %reduce_sum3A_1032 : vector<2560xf32> to vector<1x2560xf32>
    %mul3A_1034 = vector.broadcast %slice3A_9 : vector<56x1xf32> to vector<56x2560xf32>
    %mul3A_1035 = arith.mulf %select_n3A_1013, %mul3A_1034 : vector<56x2560xf32>
    %reduce_sum3A_1036 = arith.constant dense<0.000000e+00> : vector<2560xf32>
    %reduce_sum3A_1037 = vector.multi_reduction <add>, %mul3A_1035, %reduce_sum3A_1036 [0] : vector<56x2560xf32> to vector<2560xf32>
    %broadcast_in_dim3A_1038 = vector.shape_cast %reduce_sum3A_1037 : vector<2560xf32> to vector<1x2560xf32>
    %mul3A_1039 = vector.broadcast %slice3A_10 : vector<56x1xf32> to vector<56x2560xf32>
    %mul3A_1040 = arith.mulf %select_n3A_1013, %mul3A_1039 : vector<56x2560xf32>
    %reduce_sum3A_1041 = arith.constant dense<0.000000e+00> : vector<2560xf32>
    %reduce_sum3A_1042 = vector.multi_reduction <add>, %mul3A_1040, %reduce_sum3A_1041 [0] : vector<56x2560xf32> to vector<2560xf32>
    %broadcast_in_dim3A_1043 = vector.shape_cast %reduce_sum3A_1042 : vector<2560xf32> to vector<1x2560xf32>
    %mul3A_1044 = vector.broadcast %slice3A_11 : vector<56x1xf32> to vector<56x2560xf32>
    %mul3A_1045 = arith.mulf %select_n3A_1013, %mul3A_1044 : vector<56x2560xf32>
    %reduce_sum3A_1046 = arith.constant dense<0.000000e+00> : vector<2560xf32>
    %reduce_sum3A_1047 = vector.multi_reduction <add>, %mul3A_1045, %reduce_sum3A_1046 [0] : vector<56x2560xf32> to vector<2560xf32>
    %broadcast_in_dim3A_1048 = vector.shape_cast %reduce_sum3A_1047 : vector<2560xf32> to vector<1x2560xf32>
    %get3A_1049 = arith.constant 0 : index
    %get3A_1050 = arith.constant 0 : index
    %get3A_1051 = arith.constant 0 : index
    %get3A_1052 = vector.load %arg2[%get3A_1049, %get3A_1050, %get3A_1051] : memref<1x8x20480xf32, #tpu.memory_space<vmem>>, vector<1x8x20480xf32>
    %get3A_1053 = vector.shape_cast %get3A_1052 : vector<1x8x20480xf32> to vector<8x20480xf32>
    %slice3A_1054 = vector.extract_strided_slice %get3A_1053 {offsets = [0, 7680], sizes = [1, 2560], strides = [1, 1]} : vector<8x20480xf32> to vector<1x2560xf32>
    %lt3A_1055 = arith.constant 20000 : i32
    %lt3A_1056 = vector.broadcast %lt3A_1055 : i32 to vector<1x2560xi32>
    %lt3A_1057 = arith.cmpi slt, %slice3A_960, %lt3A_1056 : vector<1x2560xi32>
    %abs3A_1058 = math.absf %slice3A_1054 : vector<1x2560xf32>
    %neg3A_1059 = arith.constant 0.000000e+00 : f32
    %neg3A_1060 = vector.broadcast %neg3A_1059 : f32 to vector<1x2560xf32>
    %neg3A_1061 = arith.subf %neg3A_1060, %abs3A_1058 : vector<1x2560xf32>
    %exp3A_1062 = math.exp %neg3A_1061 : vector<1x2560xf32>
    %max3A_1063 = arith.constant 0.000000e+00 : f32
    %max3A_1064 = vector.broadcast %max3A_1063 : f32 to vector<1x2560xf32>
    %max3A_1065 = arith.maximumf %slice3A_1054, %max3A_1064 : vector<1x2560xf32>
    %mul3A_1066 = arith.mulf %slice3A_1054, %select_n3A_1028 : vector<1x2560xf32>
    %sub3A_1067 = arith.subf %max3A_1065, %mul3A_1066 : vector<1x2560xf32>
    %add3A_1068 = arith.constant 1.000000e+00 : f32
    %add3A_1069 = vector.broadcast %add3A_1068 : f32 to vector<1x2560xf32>
    %add3A_1070 = arith.addf %add3A_1069, %exp3A_1062 : vector<1x2560xf32>
    %log3A_1071 = math.log %add3A_1070 : vector<1x2560xf32>
    %add3A_1072 = arith.addf %sub3A_1067, %log3A_1071 : vector<1x2560xf32>
    %ge3A_1073 = arith.constant 0.000000e+00 : f32
    %ge3A_1074 = vector.broadcast %ge3A_1073 : f32 to vector<1x2560xf32>
    %ge3A_1075 = arith.cmpf oge, %slice3A_1054, %ge3A_1074 : vector<1x2560xf32>
    %add3A_1076 = arith.constant 1.000000e+00 : f32
    %add3A_1077 = vector.broadcast %add3A_1076 : f32 to vector<1x2560xf32>
    %add3A_1078 = arith.addf %add3A_1077, %exp3A_1062 : vector<1x2560xf32>
    %div3A_1079 = arith.constant 1.000000e+00 : f32
    %div3A_1080 = vector.broadcast %div3A_1079 : f32 to vector<1x2560xf32>
    %div3A_1081 = arith.divf %div3A_1080, %add3A_1078 : vector<1x2560xf32>
    %add3A_1082 = arith.constant 1.000000e+00 : f32
    %add3A_1083 = vector.broadcast %add3A_1082 : f32 to vector<1x2560xf32>
    %add3A_1084 = arith.addf %add3A_1083, %exp3A_1062 : vector<1x2560xf32>
    %div3A_1085 = arith.divf %exp3A_1062, %add3A_1084 : vector<1x2560xf32>
    %select_n3A_1086 = arith.select %ge3A_1075, %div3A_1081, %div3A_1085 : vector<1x2560xi1>, vector<1x2560xf32>
    %mul3A_1087 = arith.mulf %select_n3A_1086, %select_n3A_1028 : vector<1x2560xf32>
    %sub3A_1088 = arith.constant 1.000000e+00 : f32
    %sub3A_1089 = vector.broadcast %sub3A_1088 : f32 to vector<1x2560xf32>
    %sub3A_1090 = arith.subf %sub3A_1089, %select_n3A_1086 : vector<1x2560xf32>
    %sub3A_1091 = arith.constant 1.000000e+00 : f32
    %sub3A_1092 = vector.broadcast %sub3A_1091 : f32 to vector<1x2560xf32>
    %sub3A_1093 = arith.subf %sub3A_1092, %select_n3A_1028 : vector<1x2560xf32>
    %mul3A_1094 = arith.mulf %sub3A_1090, %sub3A_1093 : vector<1x2560xf32>
    %add3A_1095 = arith.addf %mul3A_1087, %mul3A_1094 : vector<1x2560xf32>
    %mul3A_1096 = arith.constant 2.500000e-01 : f32
    %mul3A_1097 = vector.broadcast %mul3A_1096 : f32 to vector<1x2560xf32>
    %mul3A_1098 = arith.mulf %mul3A_1097, %select_n3A_1028 : vector<1x2560xf32>
    %sub3A_1099 = arith.constant 1.000000e+00 : f32
    %sub3A_1100 = vector.broadcast %sub3A_1099 : f32 to vector<1x2560xf32>
    %sub3A_1101 = arith.subf %sub3A_1100, %select_n3A_1028 : vector<1x2560xf32>
    %mul3A_1102 = arith.constant 7.500000e-01 : f32
    %mul3A_1103 = vector.broadcast %mul3A_1102 : f32 to vector<1x2560xf32>
    %mul3A_1104 = arith.mulf %mul3A_1103, %sub3A_1101 : vector<1x2560xf32>
    %add3A_1105 = arith.addf %mul3A_1098, %mul3A_1104 : vector<1x2560xf32>
    %sub3A_1106 = arith.constant 1.000000e+00 : f32
    %sub3A_1107 = vector.broadcast %sub3A_1106 : f32 to vector<1x2560xf32>
    %sub3A_1108 = arith.subf %sub3A_1107, %add3A_1095 : vector<1x2560xf32>
    %mul3A_1109 = arith.mulf %add3A_1105, %sub3A_1108 : vector<1x2560xf32>
    %mul3A_1110 = arith.mulf %mul3A_1109, %sub3A_1108 : vector<1x2560xf32>
    %mul3A_1111 = arith.mulf %mul3A_1110, %add3A_1072 : vector<1x2560xf32>
    %jit3A_1112 = arith.constant 0.000000e+00 : f32
    %broadcast_in_dim3A_1113 = vector.broadcast %jit3A_1112 : f32 to vector<1x2560xf32>
    %select_n3A_1114 = arith.select %lt3A_1057, %mul3A_1111, %broadcast_in_dim3A_1113 : vector<1x2560xi1>, vector<1x2560xf32>
    %reduce_sum3A_1115 = vector.shape_cast %select_n3A_1114 : vector<1x2560xf32> to vector<1x1x2560xf32>
    %reduce_sum3A_1116 = arith.constant dense<0.000000e+00> : vector<1xf32>
    %reduce_sum3A_1117 = vector.multi_reduction <add>, %reduce_sum3A_1115, %reduce_sum3A_1116 [1, 2] : vector<1x1x2560xf32> to vector<1xf32>
    %reduce_sum3A_1118 = vector.shape_cast %reduce_sum3A_1117 : vector<1xf32> to vector<1x1x1xf32>
    %reduce_sum3A_1119 = vector.extract %reduce_sum3A_1118[0, 0, 0] : f32 from vector<1x1x1xf32>
    %add3A_1120 = arith.addf %add3A_847, %reduce_sum3A_1119 : f32
    %slice3A_1121 = vector.extract_strided_slice %get3A_3 {offsets = [1, 7680], sizes = [1, 2560], strides = [1, 1]} : vector<8x20480xf32> to vector<1x2560xf32>
    %slice3A_1122 = vector.extract_strided_slice %get3A_3 {offsets = [2, 7680], sizes = [1, 2560], strides = [1, 1]} : vector<8x20480xf32> to vector<1x2560xf32>
    %slice3A_1123 = vector.extract_strided_slice %get3A_3 {offsets = [3, 7680], sizes = [1, 2560], strides = [1, 1]} : vector<8x20480xf32> to vector<1x2560xf32>
    %slice3A_1124 = vector.extract_strided_slice %get3A_3 {offsets = [4, 7680], sizes = [1, 2560], strides = [1, 1]} : vector<8x20480xf32> to vector<1x2560xf32>
    %min3A_1125 = arith.minimumf %slice3A_1123, %broadcast_in_dim3A_1043 : vector<1x2560xf32>
    %max3A_1126 = arith.maximumf %slice3A_1121, %broadcast_in_dim3A_1033 : vector<1x2560xf32>
    %sub3A_1127 = arith.subf %min3A_1125, %max3A_1126 : vector<1x2560xf32>
    %max3A_1128 = arith.constant 0.000000e+00 : f32
    %max3A_1129 = vector.broadcast %max3A_1128 : f32 to vector<1x2560xf32>
    %max3A_1130 = arith.maximumf %sub3A_1127, %max3A_1129 : vector<1x2560xf32>
    %min3A_1131 = arith.minimumf %slice3A_1124, %broadcast_in_dim3A_1048 : vector<1x2560xf32>
    %max3A_1132 = arith.maximumf %slice3A_1122, %broadcast_in_dim3A_1038 : vector<1x2560xf32>
    %sub3A_1133 = arith.subf %min3A_1131, %max3A_1132 : vector<1x2560xf32>
    %max3A_1134 = arith.constant 0.000000e+00 : f32
    %max3A_1135 = vector.broadcast %max3A_1134 : f32 to vector<1x2560xf32>
    %max3A_1136 = arith.maximumf %sub3A_1133, %max3A_1135 : vector<1x2560xf32>
    %mul3A_1137 = arith.mulf %max3A_1130, %max3A_1136 : vector<1x2560xf32>
    %sub3A_1138 = arith.subf %slice3A_1123, %slice3A_1121 : vector<1x2560xf32>
    %max3A_1139 = arith.constant 0.000000e+00 : f32
    %max3A_1140 = vector.broadcast %max3A_1139 : f32 to vector<1x2560xf32>
    %max3A_1141 = arith.maximumf %sub3A_1138, %max3A_1140 : vector<1x2560xf32>
    %sub3A_1142 = arith.subf %slice3A_1124, %slice3A_1122 : vector<1x2560xf32>
    %max3A_1143 = arith.constant 0.000000e+00 : f32
    %max3A_1144 = vector.broadcast %max3A_1143 : f32 to vector<1x2560xf32>
    %max3A_1145 = arith.maximumf %sub3A_1142, %max3A_1144 : vector<1x2560xf32>
    %mul3A_1146 = arith.mulf %max3A_1141, %max3A_1145 : vector<1x2560xf32>
    %sub3A_1147 = arith.subf %broadcast_in_dim3A_1043, %broadcast_in_dim3A_1033 : vector<1x2560xf32>
    %max3A_1148 = arith.constant 0.000000e+00 : f32
    %max3A_1149 = vector.broadcast %max3A_1148 : f32 to vector<1x2560xf32>
    %max3A_1150 = arith.maximumf %sub3A_1147, %max3A_1149 : vector<1x2560xf32>
    %sub3A_1151 = arith.subf %broadcast_in_dim3A_1048, %broadcast_in_dim3A_1038 : vector<1x2560xf32>
    %max3A_1152 = arith.constant 0.000000e+00 : f32
    %max3A_1153 = vector.broadcast %max3A_1152 : f32 to vector<1x2560xf32>
    %max3A_1154 = arith.maximumf %sub3A_1151, %max3A_1153 : vector<1x2560xf32>
    %mul3A_1155 = arith.mulf %max3A_1150, %max3A_1154 : vector<1x2560xf32>
    %add3A_1156 = arith.addf %mul3A_1146, %mul3A_1155 : vector<1x2560xf32>
    %sub3A_1157 = arith.subf %add3A_1156, %mul3A_1137 : vector<1x2560xf32>
    %add3A_1158 = arith.constant 1.000000e-07 : f32
    %add3A_1159 = vector.broadcast %add3A_1158 : f32 to vector<1x2560xf32>
    %add3A_1160 = arith.addf %sub3A_1157, %add3A_1159 : vector<1x2560xf32>
    %div3A_1161 = arith.divf %mul3A_1137, %add3A_1160 : vector<1x2560xf32>
    %max3A_1162 = arith.maximumf %slice3A_1123, %broadcast_in_dim3A_1043 : vector<1x2560xf32>
    %min3A_1163 = arith.minimumf %slice3A_1121, %broadcast_in_dim3A_1033 : vector<1x2560xf32>
    %sub3A_1164 = arith.subf %max3A_1162, %min3A_1163 : vector<1x2560xf32>
    %max3A_1165 = arith.maximumf %slice3A_1124, %broadcast_in_dim3A_1048 : vector<1x2560xf32>
    %min3A_1166 = arith.minimumf %slice3A_1122, %broadcast_in_dim3A_1038 : vector<1x2560xf32>
    %sub3A_1167 = arith.subf %max3A_1165, %min3A_1166 : vector<1x2560xf32>
    %mul3A_1168 = arith.mulf %sub3A_1164, %sub3A_1164 : vector<1x2560xf32>
    %mul3A_1169 = arith.mulf %sub3A_1167, %sub3A_1167 : vector<1x2560xf32>
    %add3A_1170 = arith.addf %mul3A_1168, %mul3A_1169 : vector<1x2560xf32>
    %add3A_1171 = arith.constant 1.000000e-07 : f32
    %add3A_1172 = vector.broadcast %add3A_1171 : f32 to vector<1x2560xf32>
    %add3A_1173 = arith.addf %add3A_1170, %add3A_1172 : vector<1x2560xf32>
    %add3A_1174 = arith.addf %slice3A_1121, %slice3A_1123 : vector<1x2560xf32>
    %mul3A_1175 = arith.constant 5.000000e-01 : f32
    %mul3A_1176 = vector.broadcast %mul3A_1175 : f32 to vector<1x2560xf32>
    %mul3A_1177 = arith.mulf %add3A_1174, %mul3A_1176 : vector<1x2560xf32>
    %add3A_1178 = arith.addf %broadcast_in_dim3A_1033, %broadcast_in_dim3A_1043 : vector<1x2560xf32>
    %mul3A_1179 = arith.constant 5.000000e-01 : f32
    %mul3A_1180 = vector.broadcast %mul3A_1179 : f32 to vector<1x2560xf32>
    %mul3A_1181 = arith.mulf %add3A_1178, %mul3A_1180 : vector<1x2560xf32>
    %sub3A_1182 = arith.subf %mul3A_1177, %mul3A_1181 : vector<1x2560xf32>
    %add3A_1183 = arith.addf %slice3A_1122, %slice3A_1124 : vector<1x2560xf32>
    %mul3A_1184 = arith.constant 5.000000e-01 : f32
    %mul3A_1185 = vector.broadcast %mul3A_1184 : f32 to vector<1x2560xf32>
    %mul3A_1186 = arith.mulf %add3A_1183, %mul3A_1185 : vector<1x2560xf32>
    %add3A_1187 = arith.addf %broadcast_in_dim3A_1038, %broadcast_in_dim3A_1048 : vector<1x2560xf32>
    %mul3A_1188 = arith.constant 5.000000e-01 : f32
    %mul3A_1189 = vector.broadcast %mul3A_1188 : f32 to vector<1x2560xf32>
    %mul3A_1190 = arith.mulf %add3A_1187, %mul3A_1189 : vector<1x2560xf32>
    %sub3A_1191 = arith.subf %mul3A_1186, %mul3A_1190 : vector<1x2560xf32>
    %mul3A_1192 = arith.mulf %sub3A_1182, %sub3A_1182 : vector<1x2560xf32>
    %mul3A_1193 = arith.mulf %sub3A_1191, %sub3A_1191 : vector<1x2560xf32>
    %add3A_1194 = arith.addf %mul3A_1192, %mul3A_1193 : vector<1x2560xf32>
    %sub3A_1195 = arith.subf %slice3A_1123, %slice3A_1121 : vector<1x2560xf32>
    %sub3A_1196 = arith.subf %broadcast_in_dim3A_1043, %broadcast_in_dim3A_1033 : vector<1x2560xf32>
    %sub3A_1197 = arith.subf %sub3A_1195, %sub3A_1196 : vector<1x2560xf32>
    %sub3A_1198 = arith.subf %slice3A_1124, %slice3A_1122 : vector<1x2560xf32>
    %sub3A_1199 = arith.subf %broadcast_in_dim3A_1048, %broadcast_in_dim3A_1038 : vector<1x2560xf32>
    %sub3A_1200 = arith.subf %sub3A_1198, %sub3A_1199 : vector<1x2560xf32>
    %sub3A_1201 = arith.constant 1.000000e+00 : f32
    %sub3A_1202 = vector.broadcast %sub3A_1201 : f32 to vector<1x2560xf32>
    %sub3A_1203 = arith.subf %sub3A_1202, %div3A_1161 : vector<1x2560xf32>
    %div3A_1204 = arith.divf %add3A_1194, %add3A_1173 : vector<1x2560xf32>
    %add3A_1205 = arith.addf %sub3A_1203, %div3A_1204 : vector<1x2560xf32>
    %mul3A_1206 = arith.mulf %sub3A_1197, %sub3A_1197 : vector<1x2560xf32>
    %mul3A_1207 = arith.mulf %sub3A_1164, %sub3A_1164 : vector<1x2560xf32>
    %add3A_1208 = arith.constant 1.000000e-07 : f32
    %add3A_1209 = vector.broadcast %add3A_1208 : f32 to vector<1x2560xf32>
    %add3A_1210 = arith.addf %mul3A_1207, %add3A_1209 : vector<1x2560xf32>
    %div3A_1211 = arith.divf %mul3A_1206, %add3A_1210 : vector<1x2560xf32>
    %add3A_1212 = arith.addf %add3A_1205, %div3A_1211 : vector<1x2560xf32>
    %mul3A_1213 = arith.mulf %sub3A_1200, %sub3A_1200 : vector<1x2560xf32>
    %mul3A_1214 = arith.mulf %sub3A_1167, %sub3A_1167 : vector<1x2560xf32>
    %add3A_1215 = arith.constant 1.000000e-07 : f32
    %add3A_1216 = vector.broadcast %add3A_1215 : f32 to vector<1x2560xf32>
    %add3A_1217 = arith.addf %mul3A_1214, %add3A_1216 : vector<1x2560xf32>
    %div3A_1218 = arith.divf %mul3A_1213, %add3A_1217 : vector<1x2560xf32>
    %add3A_1219 = arith.addf %add3A_1212, %div3A_1218 : vector<1x2560xf32>
    %mul3A_1220 = arith.mulf %add3A_1219, %select_n3A_1021 : vector<1x2560xf32>
    %reduce_sum3A_1221 = vector.shape_cast %mul3A_1220 : vector<1x2560xf32> to vector<1x1x2560xf32>
    %reduce_sum3A_1222 = arith.constant dense<0.000000e+00> : vector<1xf32>
    %reduce_sum3A_1223 = vector.multi_reduction <add>, %reduce_sum3A_1221, %reduce_sum3A_1222 [1, 2] : vector<1x1x2560xf32> to vector<1xf32>
    %reduce_sum3A_1224 = vector.shape_cast %reduce_sum3A_1223 : vector<1xf32> to vector<1x1x1xf32>
    %reduce_sum3A_1225 = vector.extract %reduce_sum3A_1224[0, 0, 0] : f32 from vector<1x1x1xf32>
    %add3A_1226 = arith.addf %add3A_953, %reduce_sum3A_1225 : f32
    %reduce_sum3A_1227 = vector.shape_cast %select_n3A_1021 : vector<1x2560xf32> to vector<1x1x2560xf32>
    %reduce_sum3A_1228 = arith.constant dense<0.000000e+00> : vector<1xf32>
    %reduce_sum3A_1229 = vector.multi_reduction <add>, %reduce_sum3A_1227, %reduce_sum3A_1228 [1, 2] : vector<1x1x2560xf32> to vector<1xf32>
    %reduce_sum3A_1230 = vector.shape_cast %reduce_sum3A_1229 : vector<1xf32> to vector<1x1x1xf32>
    %reduce_sum3A_1231 = vector.extract %reduce_sum3A_1230[0, 0, 0] : f32 from vector<1x1x1xf32>
    %add3A_1232 = arith.addf %add3A_959, %reduce_sum3A_1231 : f32
    %slice3A_1233 = vector.extract_strided_slice %iota3A_12 {offsets = [0, 10240], sizes = [1, 2560], strides = [1, 1]} : vector<1x20480xi32> to vector<1x2560xi32>
    %get3A_1234 = arith.constant 0 : index
    %get3A_1235 = arith.constant 0 : index
    %get3A_1236 = arith.constant 0 : index
    %get3A_1237 = arith.constant 10240 : index
    %get3A_1238 = vector.load %arg4[%get3A_1234, %get3A_1235, %get3A_1236, %get3A_1237] : memref<1x1x56x20480xf32, #tpu.memory_space<vmem>>, vector<1x1x56x2560xf32>
    %get3A_1239 = vector.shape_cast %get3A_1238 : vector<1x1x56x2560xf32> to vector<56x2560xf32>
    %get3A_1240 = arith.constant 0 : index
    %get3A_1241 = arith.constant 0 : index
    %get3A_1242 = arith.constant 0 : index
    %get3A_1243 = arith.constant 10240 : index
    %get3A_1244 = vector.load %arg5[%get3A_1240, %get3A_1241, %get3A_1242, %get3A_1243] : memref<1x1x56x20480xf32, #tpu.memory_space<vmem>>, vector<1x1x56x2560xf32>
    %get3A_1245 = vector.shape_cast %get3A_1244 : vector<1x1x56x2560xf32> to vector<56x2560xf32>
    %le3A_1246 = vector.broadcast %add3A_152 : vector<56x1xf32> to vector<56x2560xf32>
    %le3A_1247 = arith.cmpf ole, %get3A_1239, %le3A_1246 : vector<56x2560xf32>
    %lt3A_1248 = arith.constant 1.000000e+10 : f32
    %lt3A_1249 = vector.broadcast %lt3A_1248 : f32 to vector<56x2560xf32>
    %lt3A_1250 = arith.cmpf olt, %get3A_1239, %lt3A_1249 : vector<56x2560xf32>
    %and3A_1251 = arith.andi %le3A_1247, %lt3A_1250 : vector<56x2560xi1>
    %jit3A_1252 = arith.constant 1.000000e+00 : f32
    %jit3A_1253 = arith.constant 0.000000e+00 : f32
    %broadcast_in_dim3A_1254 = vector.broadcast %jit3A_1252 : f32 to vector<56x2560xf32>
    %broadcast_in_dim3A_1255 = vector.broadcast %jit3A_1253 : f32 to vector<56x2560xf32>
    %select_n3A_1256 = arith.select %and3A_1251, %broadcast_in_dim3A_1254, %broadcast_in_dim3A_1255 : vector<56x2560xi1>, vector<56x2560xf32>
    %reduce_sum3A_1257 = arith.constant dense<0.000000e+00> : vector<2560xf32>
    %reduce_sum3A_1258 = vector.multi_reduction <add>, %select_n3A_1256, %reduce_sum3A_1257 [0] : vector<56x2560xf32> to vector<2560xf32>
    %broadcast_in_dim3A_1259 = vector.shape_cast %reduce_sum3A_1258 : vector<2560xf32> to vector<1x2560xf32>
    %reduce_min3A_1260 = arith.constant dense<0x7F800000> : vector<2560xf32>
    %reduce_min3A_1261 = vector.multi_reduction <minimumf>, %get3A_1239, %reduce_min3A_1260 [0] : vector<56x2560xf32> to vector<2560xf32>
    %broadcast_in_dim3A_1262 = vector.shape_cast %reduce_min3A_1261 : vector<2560xf32> to vector<1x2560xf32>
    %eq3A_1263 = vector.broadcast %broadcast_in_dim3A_1262 : vector<1x2560xf32> to vector<56x2560xf32>
    %eq3A_1264 = arith.cmpf oeq, %get3A_1239, %eq3A_1263 : vector<56x2560xf32>
    %jit3A_1265 = arith.constant 1073741824 : i32
    %broadcast_in_dim3A_1266 = vector.shape_cast %iota3A : vector<56x1xi32> to vector<56x1xi32>
    %broadcast_in_dim3A_1267 = vector.broadcast %broadcast_in_dim3A_1266 : vector<56x1xi32> to vector<56x2560xi32>
    %broadcast_in_dim3A_1268 = vector.broadcast %jit3A_1265 : i32 to vector<56x2560xi32>
    %select_n3A_1269 = arith.select %eq3A_1264, %broadcast_in_dim3A_1267, %broadcast_in_dim3A_1268 : vector<56x2560xi1>, vector<56x2560xi32>
    %reduce_min3A_1270 = arith.constant dense<2147483647> : vector<2560xi32>
    %reduce_min3A_1271 = vector.multi_reduction <minsi>, %select_n3A_1269, %reduce_min3A_1270 [0] : vector<56x2560xi32> to vector<2560xi32>
    %broadcast_in_dim3A_1272 = vector.shape_cast %reduce_min3A_1271 : vector<2560xi32> to vector<1x2560xi32>
    %gt3A_1273 = arith.constant 1.500000e+00 : f32
    %gt3A_1274 = vector.broadcast %gt3A_1273 : f32 to vector<1x2560xf32>
    %gt3A_1275 = arith.cmpf ogt, %broadcast_in_dim3A_1259, %gt3A_1274 : vector<1x2560xf32>
    %eq3A_1276 = vector.broadcast %iota3A : vector<56x1xi32> to vector<56x2560xi32>
    %eq3A_1277 = vector.broadcast %broadcast_in_dim3A_1272 : vector<1x2560xi32> to vector<56x2560xi32>
    %eq3A_1278 = arith.cmpi eq, %eq3A_1276, %eq3A_1277 : vector<56x2560xi32>
    %jit3A_1279 = arith.constant 1.000000e+00 : f32
    %jit3A_1280 = arith.constant 0.000000e+00 : f32
    %broadcast_in_dim3A_1281 = vector.broadcast %jit3A_1279 : f32 to vector<56x2560xf32>
    %broadcast_in_dim3A_1282 = vector.broadcast %jit3A_1280 : f32 to vector<56x2560xf32>
    %select_n3A_1283 = arith.select %eq3A_1278, %broadcast_in_dim3A_1281, %broadcast_in_dim3A_1282 : vector<56x2560xi1>, vector<56x2560xf32>
    %broadcast_in_dim3A_1284 = vector.shape_cast %gt3A_1275 : vector<1x2560xi1> to vector<1x2560xi1>
    %broadcast_in_dim3A_1285 = vector.broadcast %broadcast_in_dim3A_1284 : vector<1x2560xi1> to vector<56x2560xi1>
    %select_n3A_1286 = arith.select %broadcast_in_dim3A_1285, %select_n3A_1283, %select_n3A_1256 : vector<56x2560xi1>, vector<56x2560xf32>
    %gt3A_1287 = arith.constant 5.000000e-01 : f32
    %gt3A_1288 = vector.broadcast %gt3A_1287 : f32 to vector<1x2560xf32>
    %gt3A_1289 = arith.cmpf ogt, %broadcast_in_dim3A_1259, %gt3A_1288 : vector<1x2560xf32>
    %jit3A_1290 = arith.constant 1.000000e+00 : f32
    %jit3A_1291 = arith.constant 0.000000e+00 : f32
    %broadcast_in_dim3A_1292 = vector.broadcast %jit3A_1290 : f32 to vector<1x2560xf32>
    %broadcast_in_dim3A_1293 = vector.broadcast %jit3A_1291 : f32 to vector<1x2560xf32>
    %select_n3A_1294 = arith.select %gt3A_1289, %broadcast_in_dim3A_1292, %broadcast_in_dim3A_1293 : vector<1x2560xi1>, vector<1x2560xf32>
    %mul3A_1295 = arith.mulf %select_n3A_1286, %get3A_1245 : vector<56x2560xf32>
    %reduce_sum3A_1296 = arith.constant dense<0.000000e+00> : vector<2560xf32>
    %reduce_sum3A_1297 = vector.multi_reduction <add>, %mul3A_1295, %reduce_sum3A_1296 [0] : vector<56x2560xf32> to vector<2560xf32>
    %broadcast_in_dim3A_1298 = vector.shape_cast %reduce_sum3A_1297 : vector<2560xf32> to vector<1x2560xf32>
    %jit3A_1299 = arith.constant 0.000000e+00 : f32
    %broadcast_in_dim3A_1300 = vector.broadcast %jit3A_1299 : f32 to vector<1x2560xf32>
    %select_n3A_1301 = arith.select %gt3A_1289, %broadcast_in_dim3A_1298, %broadcast_in_dim3A_1300 : vector<1x2560xi1>, vector<1x2560xf32>
    %mul3A_1302 = vector.broadcast %slice3A : vector<56x1xf32> to vector<56x2560xf32>
    %mul3A_1303 = arith.mulf %select_n3A_1286, %mul3A_1302 : vector<56x2560xf32>
    %reduce_sum3A_1304 = arith.constant dense<0.000000e+00> : vector<2560xf32>
    %reduce_sum3A_1305 = vector.multi_reduction <add>, %mul3A_1303, %reduce_sum3A_1304 [0] : vector<56x2560xf32> to vector<2560xf32>
    %broadcast_in_dim3A_1306 = vector.shape_cast %reduce_sum3A_1305 : vector<2560xf32> to vector<1x2560xf32>
    %mul3A_1307 = vector.broadcast %slice3A_9 : vector<56x1xf32> to vector<56x2560xf32>
    %mul3A_1308 = arith.mulf %select_n3A_1286, %mul3A_1307 : vector<56x2560xf32>
    %reduce_sum3A_1309 = arith.constant dense<0.000000e+00> : vector<2560xf32>
    %reduce_sum3A_1310 = vector.multi_reduction <add>, %mul3A_1308, %reduce_sum3A_1309 [0] : vector<56x2560xf32> to vector<2560xf32>
    %broadcast_in_dim3A_1311 = vector.shape_cast %reduce_sum3A_1310 : vector<2560xf32> to vector<1x2560xf32>
    %mul3A_1312 = vector.broadcast %slice3A_10 : vector<56x1xf32> to vector<56x2560xf32>
    %mul3A_1313 = arith.mulf %select_n3A_1286, %mul3A_1312 : vector<56x2560xf32>
    %reduce_sum3A_1314 = arith.constant dense<0.000000e+00> : vector<2560xf32>
    %reduce_sum3A_1315 = vector.multi_reduction <add>, %mul3A_1313, %reduce_sum3A_1314 [0] : vector<56x2560xf32> to vector<2560xf32>
    %broadcast_in_dim3A_1316 = vector.shape_cast %reduce_sum3A_1315 : vector<2560xf32> to vector<1x2560xf32>
    %mul3A_1317 = vector.broadcast %slice3A_11 : vector<56x1xf32> to vector<56x2560xf32>
    %mul3A_1318 = arith.mulf %select_n3A_1286, %mul3A_1317 : vector<56x2560xf32>
    %reduce_sum3A_1319 = arith.constant dense<0.000000e+00> : vector<2560xf32>
    %reduce_sum3A_1320 = vector.multi_reduction <add>, %mul3A_1318, %reduce_sum3A_1319 [0] : vector<56x2560xf32> to vector<2560xf32>
    %broadcast_in_dim3A_1321 = vector.shape_cast %reduce_sum3A_1320 : vector<2560xf32> to vector<1x2560xf32>
    %get3A_1322 = arith.constant 0 : index
    %get3A_1323 = arith.constant 0 : index
    %get3A_1324 = arith.constant 0 : index
    %get3A_1325 = vector.load %arg2[%get3A_1322, %get3A_1323, %get3A_1324] : memref<1x8x20480xf32, #tpu.memory_space<vmem>>, vector<1x8x20480xf32>
    %get3A_1326 = vector.shape_cast %get3A_1325 : vector<1x8x20480xf32> to vector<8x20480xf32>
    %slice3A_1327 = vector.extract_strided_slice %get3A_1326 {offsets = [0, 10240], sizes = [1, 2560], strides = [1, 1]} : vector<8x20480xf32> to vector<1x2560xf32>
    %lt3A_1328 = arith.constant 20000 : i32
    %lt3A_1329 = vector.broadcast %lt3A_1328 : i32 to vector<1x2560xi32>
    %lt3A_1330 = arith.cmpi slt, %slice3A_1233, %lt3A_1329 : vector<1x2560xi32>
    %abs3A_1331 = math.absf %slice3A_1327 : vector<1x2560xf32>
    %neg3A_1332 = arith.constant 0.000000e+00 : f32
    %neg3A_1333 = vector.broadcast %neg3A_1332 : f32 to vector<1x2560xf32>
    %neg3A_1334 = arith.subf %neg3A_1333, %abs3A_1331 : vector<1x2560xf32>
    %exp3A_1335 = math.exp %neg3A_1334 : vector<1x2560xf32>
    %max3A_1336 = arith.constant 0.000000e+00 : f32
    %max3A_1337 = vector.broadcast %max3A_1336 : f32 to vector<1x2560xf32>
    %max3A_1338 = arith.maximumf %slice3A_1327, %max3A_1337 : vector<1x2560xf32>
    %mul3A_1339 = arith.mulf %slice3A_1327, %select_n3A_1301 : vector<1x2560xf32>
    %sub3A_1340 = arith.subf %max3A_1338, %mul3A_1339 : vector<1x2560xf32>
    %add3A_1341 = arith.constant 1.000000e+00 : f32
    %add3A_1342 = vector.broadcast %add3A_1341 : f32 to vector<1x2560xf32>
    %add3A_1343 = arith.addf %add3A_1342, %exp3A_1335 : vector<1x2560xf32>
    %log3A_1344 = math.log %add3A_1343 : vector<1x2560xf32>
    %add3A_1345 = arith.addf %sub3A_1340, %log3A_1344 : vector<1x2560xf32>
    %ge3A_1346 = arith.constant 0.000000e+00 : f32
    %ge3A_1347 = vector.broadcast %ge3A_1346 : f32 to vector<1x2560xf32>
    %ge3A_1348 = arith.cmpf oge, %slice3A_1327, %ge3A_1347 : vector<1x2560xf32>
    %add3A_1349 = arith.constant 1.000000e+00 : f32
    %add3A_1350 = vector.broadcast %add3A_1349 : f32 to vector<1x2560xf32>
    %add3A_1351 = arith.addf %add3A_1350, %exp3A_1335 : vector<1x2560xf32>
    %div3A_1352 = arith.constant 1.000000e+00 : f32
    %div3A_1353 = vector.broadcast %div3A_1352 : f32 to vector<1x2560xf32>
    %div3A_1354 = arith.divf %div3A_1353, %add3A_1351 : vector<1x2560xf32>
    %add3A_1355 = arith.constant 1.000000e+00 : f32
    %add3A_1356 = vector.broadcast %add3A_1355 : f32 to vector<1x2560xf32>
    %add3A_1357 = arith.addf %add3A_1356, %exp3A_1335 : vector<1x2560xf32>
    %div3A_1358 = arith.divf %exp3A_1335, %add3A_1357 : vector<1x2560xf32>
    %select_n3A_1359 = arith.select %ge3A_1348, %div3A_1354, %div3A_1358 : vector<1x2560xi1>, vector<1x2560xf32>
    %mul3A_1360 = arith.mulf %select_n3A_1359, %select_n3A_1301 : vector<1x2560xf32>
    %sub3A_1361 = arith.constant 1.000000e+00 : f32
    %sub3A_1362 = vector.broadcast %sub3A_1361 : f32 to vector<1x2560xf32>
    %sub3A_1363 = arith.subf %sub3A_1362, %select_n3A_1359 : vector<1x2560xf32>
    %sub3A_1364 = arith.constant 1.000000e+00 : f32
    %sub3A_1365 = vector.broadcast %sub3A_1364 : f32 to vector<1x2560xf32>
    %sub3A_1366 = arith.subf %sub3A_1365, %select_n3A_1301 : vector<1x2560xf32>
    %mul3A_1367 = arith.mulf %sub3A_1363, %sub3A_1366 : vector<1x2560xf32>
    %add3A_1368 = arith.addf %mul3A_1360, %mul3A_1367 : vector<1x2560xf32>
    %mul3A_1369 = arith.constant 2.500000e-01 : f32
    %mul3A_1370 = vector.broadcast %mul3A_1369 : f32 to vector<1x2560xf32>
    %mul3A_1371 = arith.mulf %mul3A_1370, %select_n3A_1301 : vector<1x2560xf32>
    %sub3A_1372 = arith.constant 1.000000e+00 : f32
    %sub3A_1373 = vector.broadcast %sub3A_1372 : f32 to vector<1x2560xf32>
    %sub3A_1374 = arith.subf %sub3A_1373, %select_n3A_1301 : vector<1x2560xf32>
    %mul3A_1375 = arith.constant 7.500000e-01 : f32
    %mul3A_1376 = vector.broadcast %mul3A_1375 : f32 to vector<1x2560xf32>
    %mul3A_1377 = arith.mulf %mul3A_1376, %sub3A_1374 : vector<1x2560xf32>
    %add3A_1378 = arith.addf %mul3A_1371, %mul3A_1377 : vector<1x2560xf32>
    %sub3A_1379 = arith.constant 1.000000e+00 : f32
    %sub3A_1380 = vector.broadcast %sub3A_1379 : f32 to vector<1x2560xf32>
    %sub3A_1381 = arith.subf %sub3A_1380, %add3A_1368 : vector<1x2560xf32>
    %mul3A_1382 = arith.mulf %add3A_1378, %sub3A_1381 : vector<1x2560xf32>
    %mul3A_1383 = arith.mulf %mul3A_1382, %sub3A_1381 : vector<1x2560xf32>
    %mul3A_1384 = arith.mulf %mul3A_1383, %add3A_1345 : vector<1x2560xf32>
    %jit3A_1385 = arith.constant 0.000000e+00 : f32
    %broadcast_in_dim3A_1386 = vector.broadcast %jit3A_1385 : f32 to vector<1x2560xf32>
    %select_n3A_1387 = arith.select %lt3A_1330, %mul3A_1384, %broadcast_in_dim3A_1386 : vector<1x2560xi1>, vector<1x2560xf32>
    %reduce_sum3A_1388 = vector.shape_cast %select_n3A_1387 : vector<1x2560xf32> to vector<1x1x2560xf32>
    %reduce_sum3A_1389 = arith.constant dense<0.000000e+00> : vector<1xf32>
    %reduce_sum3A_1390 = vector.multi_reduction <add>, %reduce_sum3A_1388, %reduce_sum3A_1389 [1, 2] : vector<1x1x2560xf32> to vector<1xf32>
    %reduce_sum3A_1391 = vector.shape_cast %reduce_sum3A_1390 : vector<1xf32> to vector<1x1x1xf32>
    %reduce_sum3A_1392 = vector.extract %reduce_sum3A_1391[0, 0, 0] : f32 from vector<1x1x1xf32>
    %add3A_1393 = arith.addf %add3A_1120, %reduce_sum3A_1392 : f32
    %slice3A_1394 = vector.extract_strided_slice %get3A_3 {offsets = [1, 10240], sizes = [1, 2560], strides = [1, 1]} : vector<8x20480xf32> to vector<1x2560xf32>
    %slice3A_1395 = vector.extract_strided_slice %get3A_3 {offsets = [2, 10240], sizes = [1, 2560], strides = [1, 1]} : vector<8x20480xf32> to vector<1x2560xf32>
    %slice3A_1396 = vector.extract_strided_slice %get3A_3 {offsets = [3, 10240], sizes = [1, 2560], strides = [1, 1]} : vector<8x20480xf32> to vector<1x2560xf32>
    %slice3A_1397 = vector.extract_strided_slice %get3A_3 {offsets = [4, 10240], sizes = [1, 2560], strides = [1, 1]} : vector<8x20480xf32> to vector<1x2560xf32>
    %min3A_1398 = arith.minimumf %slice3A_1396, %broadcast_in_dim3A_1316 : vector<1x2560xf32>
    %max3A_1399 = arith.maximumf %slice3A_1394, %broadcast_in_dim3A_1306 : vector<1x2560xf32>
    %sub3A_1400 = arith.subf %min3A_1398, %max3A_1399 : vector<1x2560xf32>
    %max3A_1401 = arith.constant 0.000000e+00 : f32
    %max3A_1402 = vector.broadcast %max3A_1401 : f32 to vector<1x2560xf32>
    %max3A_1403 = arith.maximumf %sub3A_1400, %max3A_1402 : vector<1x2560xf32>
    %min3A_1404 = arith.minimumf %slice3A_1397, %broadcast_in_dim3A_1321 : vector<1x2560xf32>
    %max3A_1405 = arith.maximumf %slice3A_1395, %broadcast_in_dim3A_1311 : vector<1x2560xf32>
    %sub3A_1406 = arith.subf %min3A_1404, %max3A_1405 : vector<1x2560xf32>
    %max3A_1407 = arith.constant 0.000000e+00 : f32
    %max3A_1408 = vector.broadcast %max3A_1407 : f32 to vector<1x2560xf32>
    %max3A_1409 = arith.maximumf %sub3A_1406, %max3A_1408 : vector<1x2560xf32>
    %mul3A_1410 = arith.mulf %max3A_1403, %max3A_1409 : vector<1x2560xf32>
    %sub3A_1411 = arith.subf %slice3A_1396, %slice3A_1394 : vector<1x2560xf32>
    %max3A_1412 = arith.constant 0.000000e+00 : f32
    %max3A_1413 = vector.broadcast %max3A_1412 : f32 to vector<1x2560xf32>
    %max3A_1414 = arith.maximumf %sub3A_1411, %max3A_1413 : vector<1x2560xf32>
    %sub3A_1415 = arith.subf %slice3A_1397, %slice3A_1395 : vector<1x2560xf32>
    %max3A_1416 = arith.constant 0.000000e+00 : f32
    %max3A_1417 = vector.broadcast %max3A_1416 : f32 to vector<1x2560xf32>
    %max3A_1418 = arith.maximumf %sub3A_1415, %max3A_1417 : vector<1x2560xf32>
    %mul3A_1419 = arith.mulf %max3A_1414, %max3A_1418 : vector<1x2560xf32>
    %sub3A_1420 = arith.subf %broadcast_in_dim3A_1316, %broadcast_in_dim3A_1306 : vector<1x2560xf32>
    %max3A_1421 = arith.constant 0.000000e+00 : f32
    %max3A_1422 = vector.broadcast %max3A_1421 : f32 to vector<1x2560xf32>
    %max3A_1423 = arith.maximumf %sub3A_1420, %max3A_1422 : vector<1x2560xf32>
    %sub3A_1424 = arith.subf %broadcast_in_dim3A_1321, %broadcast_in_dim3A_1311 : vector<1x2560xf32>
    %max3A_1425 = arith.constant 0.000000e+00 : f32
    %max3A_1426 = vector.broadcast %max3A_1425 : f32 to vector<1x2560xf32>
    %max3A_1427 = arith.maximumf %sub3A_1424, %max3A_1426 : vector<1x2560xf32>
    %mul3A_1428 = arith.mulf %max3A_1423, %max3A_1427 : vector<1x2560xf32>
    %add3A_1429 = arith.addf %mul3A_1419, %mul3A_1428 : vector<1x2560xf32>
    %sub3A_1430 = arith.subf %add3A_1429, %mul3A_1410 : vector<1x2560xf32>
    %add3A_1431 = arith.constant 1.000000e-07 : f32
    %add3A_1432 = vector.broadcast %add3A_1431 : f32 to vector<1x2560xf32>
    %add3A_1433 = arith.addf %sub3A_1430, %add3A_1432 : vector<1x2560xf32>
    %div3A_1434 = arith.divf %mul3A_1410, %add3A_1433 : vector<1x2560xf32>
    %max3A_1435 = arith.maximumf %slice3A_1396, %broadcast_in_dim3A_1316 : vector<1x2560xf32>
    %min3A_1436 = arith.minimumf %slice3A_1394, %broadcast_in_dim3A_1306 : vector<1x2560xf32>
    %sub3A_1437 = arith.subf %max3A_1435, %min3A_1436 : vector<1x2560xf32>
    %max3A_1438 = arith.maximumf %slice3A_1397, %broadcast_in_dim3A_1321 : vector<1x2560xf32>
    %min3A_1439 = arith.minimumf %slice3A_1395, %broadcast_in_dim3A_1311 : vector<1x2560xf32>
    %sub3A_1440 = arith.subf %max3A_1438, %min3A_1439 : vector<1x2560xf32>
    %mul3A_1441 = arith.mulf %sub3A_1437, %sub3A_1437 : vector<1x2560xf32>
    %mul3A_1442 = arith.mulf %sub3A_1440, %sub3A_1440 : vector<1x2560xf32>
    %add3A_1443 = arith.addf %mul3A_1441, %mul3A_1442 : vector<1x2560xf32>
    %add3A_1444 = arith.constant 1.000000e-07 : f32
    %add3A_1445 = vector.broadcast %add3A_1444 : f32 to vector<1x2560xf32>
    %add3A_1446 = arith.addf %add3A_1443, %add3A_1445 : vector<1x2560xf32>
    %add3A_1447 = arith.addf %slice3A_1394, %slice3A_1396 : vector<1x2560xf32>
    %mul3A_1448 = arith.constant 5.000000e-01 : f32
    %mul3A_1449 = vector.broadcast %mul3A_1448 : f32 to vector<1x2560xf32>
    %mul3A_1450 = arith.mulf %add3A_1447, %mul3A_1449 : vector<1x2560xf32>
    %add3A_1451 = arith.addf %broadcast_in_dim3A_1306, %broadcast_in_dim3A_1316 : vector<1x2560xf32>
    %mul3A_1452 = arith.constant 5.000000e-01 : f32
    %mul3A_1453 = vector.broadcast %mul3A_1452 : f32 to vector<1x2560xf32>
    %mul3A_1454 = arith.mulf %add3A_1451, %mul3A_1453 : vector<1x2560xf32>
    %sub3A_1455 = arith.subf %mul3A_1450, %mul3A_1454 : vector<1x2560xf32>
    %add3A_1456 = arith.addf %slice3A_1395, %slice3A_1397 : vector<1x2560xf32>
    %mul3A_1457 = arith.constant 5.000000e-01 : f32
    %mul3A_1458 = vector.broadcast %mul3A_1457 : f32 to vector<1x2560xf32>
    %mul3A_1459 = arith.mulf %add3A_1456, %mul3A_1458 : vector<1x2560xf32>
    %add3A_1460 = arith.addf %broadcast_in_dim3A_1311, %broadcast_in_dim3A_1321 : vector<1x2560xf32>
    %mul3A_1461 = arith.constant 5.000000e-01 : f32
    %mul3A_1462 = vector.broadcast %mul3A_1461 : f32 to vector<1x2560xf32>
    %mul3A_1463 = arith.mulf %add3A_1460, %mul3A_1462 : vector<1x2560xf32>
    %sub3A_1464 = arith.subf %mul3A_1459, %mul3A_1463 : vector<1x2560xf32>
    %mul3A_1465 = arith.mulf %sub3A_1455, %sub3A_1455 : vector<1x2560xf32>
    %mul3A_1466 = arith.mulf %sub3A_1464, %sub3A_1464 : vector<1x2560xf32>
    %add3A_1467 = arith.addf %mul3A_1465, %mul3A_1466 : vector<1x2560xf32>
    %sub3A_1468 = arith.subf %slice3A_1396, %slice3A_1394 : vector<1x2560xf32>
    %sub3A_1469 = arith.subf %broadcast_in_dim3A_1316, %broadcast_in_dim3A_1306 : vector<1x2560xf32>
    %sub3A_1470 = arith.subf %sub3A_1468, %sub3A_1469 : vector<1x2560xf32>
    %sub3A_1471 = arith.subf %slice3A_1397, %slice3A_1395 : vector<1x2560xf32>
    %sub3A_1472 = arith.subf %broadcast_in_dim3A_1321, %broadcast_in_dim3A_1311 : vector<1x2560xf32>
    %sub3A_1473 = arith.subf %sub3A_1471, %sub3A_1472 : vector<1x2560xf32>
    %sub3A_1474 = arith.constant 1.000000e+00 : f32
    %sub3A_1475 = vector.broadcast %sub3A_1474 : f32 to vector<1x2560xf32>
    %sub3A_1476 = arith.subf %sub3A_1475, %div3A_1434 : vector<1x2560xf32>
    %div3A_1477 = arith.divf %add3A_1467, %add3A_1446 : vector<1x2560xf32>
    %add3A_1478 = arith.addf %sub3A_1476, %div3A_1477 : vector<1x2560xf32>
    %mul3A_1479 = arith.mulf %sub3A_1470, %sub3A_1470 : vector<1x2560xf32>
    %mul3A_1480 = arith.mulf %sub3A_1437, %sub3A_1437 : vector<1x2560xf32>
    %add3A_1481 = arith.constant 1.000000e-07 : f32
    %add3A_1482 = vector.broadcast %add3A_1481 : f32 to vector<1x2560xf32>
    %add3A_1483 = arith.addf %mul3A_1480, %add3A_1482 : vector<1x2560xf32>
    %div3A_1484 = arith.divf %mul3A_1479, %add3A_1483 : vector<1x2560xf32>
    %add3A_1485 = arith.addf %add3A_1478, %div3A_1484 : vector<1x2560xf32>
    %mul3A_1486 = arith.mulf %sub3A_1473, %sub3A_1473 : vector<1x2560xf32>
    %mul3A_1487 = arith.mulf %sub3A_1440, %sub3A_1440 : vector<1x2560xf32>
    %add3A_1488 = arith.constant 1.000000e-07 : f32
    %add3A_1489 = vector.broadcast %add3A_1488 : f32 to vector<1x2560xf32>
    %add3A_1490 = arith.addf %mul3A_1487, %add3A_1489 : vector<1x2560xf32>
    %div3A_1491 = arith.divf %mul3A_1486, %add3A_1490 : vector<1x2560xf32>
    %add3A_1492 = arith.addf %add3A_1485, %div3A_1491 : vector<1x2560xf32>
    %mul3A_1493 = arith.mulf %add3A_1492, %select_n3A_1294 : vector<1x2560xf32>
    %reduce_sum3A_1494 = vector.shape_cast %mul3A_1493 : vector<1x2560xf32> to vector<1x1x2560xf32>
    %reduce_sum3A_1495 = arith.constant dense<0.000000e+00> : vector<1xf32>
    %reduce_sum3A_1496 = vector.multi_reduction <add>, %reduce_sum3A_1494, %reduce_sum3A_1495 [1, 2] : vector<1x1x2560xf32> to vector<1xf32>
    %reduce_sum3A_1497 = vector.shape_cast %reduce_sum3A_1496 : vector<1xf32> to vector<1x1x1xf32>
    %reduce_sum3A_1498 = vector.extract %reduce_sum3A_1497[0, 0, 0] : f32 from vector<1x1x1xf32>
    %add3A_1499 = arith.addf %add3A_1226, %reduce_sum3A_1498 : f32
    %reduce_sum3A_1500 = vector.shape_cast %select_n3A_1294 : vector<1x2560xf32> to vector<1x1x2560xf32>
    %reduce_sum3A_1501 = arith.constant dense<0.000000e+00> : vector<1xf32>
    %reduce_sum3A_1502 = vector.multi_reduction <add>, %reduce_sum3A_1500, %reduce_sum3A_1501 [1, 2] : vector<1x1x2560xf32> to vector<1xf32>
    %reduce_sum3A_1503 = vector.shape_cast %reduce_sum3A_1502 : vector<1xf32> to vector<1x1x1xf32>
    %reduce_sum3A_1504 = vector.extract %reduce_sum3A_1503[0, 0, 0] : f32 from vector<1x1x1xf32>
    %add3A_1505 = arith.addf %add3A_1232, %reduce_sum3A_1504 : f32
    %slice3A_1506 = vector.extract_strided_slice %iota3A_12 {offsets = [0, 12800], sizes = [1, 2560], strides = [1, 1]} : vector<1x20480xi32> to vector<1x2560xi32>
    %get3A_1507 = arith.constant 0 : index
    %get3A_1508 = arith.constant 0 : index
    %get3A_1509 = arith.constant 0 : index
    %get3A_1510 = arith.constant 12800 : index
    %get3A_1511 = vector.load %arg4[%get3A_1507, %get3A_1508, %get3A_1509, %get3A_1510] : memref<1x1x56x20480xf32, #tpu.memory_space<vmem>>, vector<1x1x56x2560xf32>
    %get3A_1512 = vector.shape_cast %get3A_1511 : vector<1x1x56x2560xf32> to vector<56x2560xf32>
    %get3A_1513 = arith.constant 0 : index
    %get3A_1514 = arith.constant 0 : index
    %get3A_1515 = arith.constant 0 : index
    %get3A_1516 = arith.constant 12800 : index
    %get3A_1517 = vector.load %arg5[%get3A_1513, %get3A_1514, %get3A_1515, %get3A_1516] : memref<1x1x56x20480xf32, #tpu.memory_space<vmem>>, vector<1x1x56x2560xf32>
    %get3A_1518 = vector.shape_cast %get3A_1517 : vector<1x1x56x2560xf32> to vector<56x2560xf32>
    %le3A_1519 = vector.broadcast %add3A_152 : vector<56x1xf32> to vector<56x2560xf32>
    %le3A_1520 = arith.cmpf ole, %get3A_1512, %le3A_1519 : vector<56x2560xf32>
    %lt3A_1521 = arith.constant 1.000000e+10 : f32
    %lt3A_1522 = vector.broadcast %lt3A_1521 : f32 to vector<56x2560xf32>
    %lt3A_1523 = arith.cmpf olt, %get3A_1512, %lt3A_1522 : vector<56x2560xf32>
    %and3A_1524 = arith.andi %le3A_1520, %lt3A_1523 : vector<56x2560xi1>
    %jit3A_1525 = arith.constant 1.000000e+00 : f32
    %jit3A_1526 = arith.constant 0.000000e+00 : f32
    %broadcast_in_dim3A_1527 = vector.broadcast %jit3A_1525 : f32 to vector<56x2560xf32>
    %broadcast_in_dim3A_1528 = vector.broadcast %jit3A_1526 : f32 to vector<56x2560xf32>
    %select_n3A_1529 = arith.select %and3A_1524, %broadcast_in_dim3A_1527, %broadcast_in_dim3A_1528 : vector<56x2560xi1>, vector<56x2560xf32>
    %reduce_sum3A_1530 = arith.constant dense<0.000000e+00> : vector<2560xf32>
    %reduce_sum3A_1531 = vector.multi_reduction <add>, %select_n3A_1529, %reduce_sum3A_1530 [0] : vector<56x2560xf32> to vector<2560xf32>
    %broadcast_in_dim3A_1532 = vector.shape_cast %reduce_sum3A_1531 : vector<2560xf32> to vector<1x2560xf32>
    %reduce_min3A_1533 = arith.constant dense<0x7F800000> : vector<2560xf32>
    %reduce_min3A_1534 = vector.multi_reduction <minimumf>, %get3A_1512, %reduce_min3A_1533 [0] : vector<56x2560xf32> to vector<2560xf32>
    %broadcast_in_dim3A_1535 = vector.shape_cast %reduce_min3A_1534 : vector<2560xf32> to vector<1x2560xf32>
    %eq3A_1536 = vector.broadcast %broadcast_in_dim3A_1535 : vector<1x2560xf32> to vector<56x2560xf32>
    %eq3A_1537 = arith.cmpf oeq, %get3A_1512, %eq3A_1536 : vector<56x2560xf32>
    %jit3A_1538 = arith.constant 1073741824 : i32
    %broadcast_in_dim3A_1539 = vector.shape_cast %iota3A : vector<56x1xi32> to vector<56x1xi32>
    %broadcast_in_dim3A_1540 = vector.broadcast %broadcast_in_dim3A_1539 : vector<56x1xi32> to vector<56x2560xi32>
    %broadcast_in_dim3A_1541 = vector.broadcast %jit3A_1538 : i32 to vector<56x2560xi32>
    %select_n3A_1542 = arith.select %eq3A_1537, %broadcast_in_dim3A_1540, %broadcast_in_dim3A_1541 : vector<56x2560xi1>, vector<56x2560xi32>
    %reduce_min3A_1543 = arith.constant dense<2147483647> : vector<2560xi32>
    %reduce_min3A_1544 = vector.multi_reduction <minsi>, %select_n3A_1542, %reduce_min3A_1543 [0] : vector<56x2560xi32> to vector<2560xi32>
    %broadcast_in_dim3A_1545 = vector.shape_cast %reduce_min3A_1544 : vector<2560xi32> to vector<1x2560xi32>
    %gt3A_1546 = arith.constant 1.500000e+00 : f32
    %gt3A_1547 = vector.broadcast %gt3A_1546 : f32 to vector<1x2560xf32>
    %gt3A_1548 = arith.cmpf ogt, %broadcast_in_dim3A_1532, %gt3A_1547 : vector<1x2560xf32>
    %eq3A_1549 = vector.broadcast %iota3A : vector<56x1xi32> to vector<56x2560xi32>
    %eq3A_1550 = vector.broadcast %broadcast_in_dim3A_1545 : vector<1x2560xi32> to vector<56x2560xi32>
    %eq3A_1551 = arith.cmpi eq, %eq3A_1549, %eq3A_1550 : vector<56x2560xi32>
    %jit3A_1552 = arith.constant 1.000000e+00 : f32
    %jit3A_1553 = arith.constant 0.000000e+00 : f32
    %broadcast_in_dim3A_1554 = vector.broadcast %jit3A_1552 : f32 to vector<56x2560xf32>
    %broadcast_in_dim3A_1555 = vector.broadcast %jit3A_1553 : f32 to vector<56x2560xf32>
    %select_n3A_1556 = arith.select %eq3A_1551, %broadcast_in_dim3A_1554, %broadcast_in_dim3A_1555 : vector<56x2560xi1>, vector<56x2560xf32>
    %broadcast_in_dim3A_1557 = vector.shape_cast %gt3A_1548 : vector<1x2560xi1> to vector<1x2560xi1>
    %broadcast_in_dim3A_1558 = vector.broadcast %broadcast_in_dim3A_1557 : vector<1x2560xi1> to vector<56x2560xi1>
    %select_n3A_1559 = arith.select %broadcast_in_dim3A_1558, %select_n3A_1556, %select_n3A_1529 : vector<56x2560xi1>, vector<56x2560xf32>
    %gt3A_1560 = arith.constant 5.000000e-01 : f32
    %gt3A_1561 = vector.broadcast %gt3A_1560 : f32 to vector<1x2560xf32>
    %gt3A_1562 = arith.cmpf ogt, %broadcast_in_dim3A_1532, %gt3A_1561 : vector<1x2560xf32>
    %jit3A_1563 = arith.constant 1.000000e+00 : f32
    %jit3A_1564 = arith.constant 0.000000e+00 : f32
    %broadcast_in_dim3A_1565 = vector.broadcast %jit3A_1563 : f32 to vector<1x2560xf32>
    %broadcast_in_dim3A_1566 = vector.broadcast %jit3A_1564 : f32 to vector<1x2560xf32>
    %select_n3A_1567 = arith.select %gt3A_1562, %broadcast_in_dim3A_1565, %broadcast_in_dim3A_1566 : vector<1x2560xi1>, vector<1x2560xf32>
    %mul3A_1568 = arith.mulf %select_n3A_1559, %get3A_1518 : vector<56x2560xf32>
    %reduce_sum3A_1569 = arith.constant dense<0.000000e+00> : vector<2560xf32>
    %reduce_sum3A_1570 = vector.multi_reduction <add>, %mul3A_1568, %reduce_sum3A_1569 [0] : vector<56x2560xf32> to vector<2560xf32>
    %broadcast_in_dim3A_1571 = vector.shape_cast %reduce_sum3A_1570 : vector<2560xf32> to vector<1x2560xf32>
    %jit3A_1572 = arith.constant 0.000000e+00 : f32
    %broadcast_in_dim3A_1573 = vector.broadcast %jit3A_1572 : f32 to vector<1x2560xf32>
    %select_n3A_1574 = arith.select %gt3A_1562, %broadcast_in_dim3A_1571, %broadcast_in_dim3A_1573 : vector<1x2560xi1>, vector<1x2560xf32>
    %mul3A_1575 = vector.broadcast %slice3A : vector<56x1xf32> to vector<56x2560xf32>
    %mul3A_1576 = arith.mulf %select_n3A_1559, %mul3A_1575 : vector<56x2560xf32>
    %reduce_sum3A_1577 = arith.constant dense<0.000000e+00> : vector<2560xf32>
    %reduce_sum3A_1578 = vector.multi_reduction <add>, %mul3A_1576, %reduce_sum3A_1577 [0] : vector<56x2560xf32> to vector<2560xf32>
    %broadcast_in_dim3A_1579 = vector.shape_cast %reduce_sum3A_1578 : vector<2560xf32> to vector<1x2560xf32>
    %mul3A_1580 = vector.broadcast %slice3A_9 : vector<56x1xf32> to vector<56x2560xf32>
    %mul3A_1581 = arith.mulf %select_n3A_1559, %mul3A_1580 : vector<56x2560xf32>
    %reduce_sum3A_1582 = arith.constant dense<0.000000e+00> : vector<2560xf32>
    %reduce_sum3A_1583 = vector.multi_reduction <add>, %mul3A_1581, %reduce_sum3A_1582 [0] : vector<56x2560xf32> to vector<2560xf32>
    %broadcast_in_dim3A_1584 = vector.shape_cast %reduce_sum3A_1583 : vector<2560xf32> to vector<1x2560xf32>
    %mul3A_1585 = vector.broadcast %slice3A_10 : vector<56x1xf32> to vector<56x2560xf32>
    %mul3A_1586 = arith.mulf %select_n3A_1559, %mul3A_1585 : vector<56x2560xf32>
    %reduce_sum3A_1587 = arith.constant dense<0.000000e+00> : vector<2560xf32>
    %reduce_sum3A_1588 = vector.multi_reduction <add>, %mul3A_1586, %reduce_sum3A_1587 [0] : vector<56x2560xf32> to vector<2560xf32>
    %broadcast_in_dim3A_1589 = vector.shape_cast %reduce_sum3A_1588 : vector<2560xf32> to vector<1x2560xf32>
    %mul3A_1590 = vector.broadcast %slice3A_11 : vector<56x1xf32> to vector<56x2560xf32>
    %mul3A_1591 = arith.mulf %select_n3A_1559, %mul3A_1590 : vector<56x2560xf32>
    %reduce_sum3A_1592 = arith.constant dense<0.000000e+00> : vector<2560xf32>
    %reduce_sum3A_1593 = vector.multi_reduction <add>, %mul3A_1591, %reduce_sum3A_1592 [0] : vector<56x2560xf32> to vector<2560xf32>
    %broadcast_in_dim3A_1594 = vector.shape_cast %reduce_sum3A_1593 : vector<2560xf32> to vector<1x2560xf32>
    %get3A_1595 = arith.constant 0 : index
    %get3A_1596 = arith.constant 0 : index
    %get3A_1597 = arith.constant 0 : index
    %get3A_1598 = vector.load %arg2[%get3A_1595, %get3A_1596, %get3A_1597] : memref<1x8x20480xf32, #tpu.memory_space<vmem>>, vector<1x8x20480xf32>
    %get3A_1599 = vector.shape_cast %get3A_1598 : vector<1x8x20480xf32> to vector<8x20480xf32>
    %slice3A_1600 = vector.extract_strided_slice %get3A_1599 {offsets = [0, 12800], sizes = [1, 2560], strides = [1, 1]} : vector<8x20480xf32> to vector<1x2560xf32>
    %lt3A_1601 = arith.constant 20000 : i32
    %lt3A_1602 = vector.broadcast %lt3A_1601 : i32 to vector<1x2560xi32>
    %lt3A_1603 = arith.cmpi slt, %slice3A_1506, %lt3A_1602 : vector<1x2560xi32>
    %abs3A_1604 = math.absf %slice3A_1600 : vector<1x2560xf32>
    %neg3A_1605 = arith.constant 0.000000e+00 : f32
    %neg3A_1606 = vector.broadcast %neg3A_1605 : f32 to vector<1x2560xf32>
    %neg3A_1607 = arith.subf %neg3A_1606, %abs3A_1604 : vector<1x2560xf32>
    %exp3A_1608 = math.exp %neg3A_1607 : vector<1x2560xf32>
    %max3A_1609 = arith.constant 0.000000e+00 : f32
    %max3A_1610 = vector.broadcast %max3A_1609 : f32 to vector<1x2560xf32>
    %max3A_1611 = arith.maximumf %slice3A_1600, %max3A_1610 : vector<1x2560xf32>
    %mul3A_1612 = arith.mulf %slice3A_1600, %select_n3A_1574 : vector<1x2560xf32>
    %sub3A_1613 = arith.subf %max3A_1611, %mul3A_1612 : vector<1x2560xf32>
    %add3A_1614 = arith.constant 1.000000e+00 : f32
    %add3A_1615 = vector.broadcast %add3A_1614 : f32 to vector<1x2560xf32>
    %add3A_1616 = arith.addf %add3A_1615, %exp3A_1608 : vector<1x2560xf32>
    %log3A_1617 = math.log %add3A_1616 : vector<1x2560xf32>
    %add3A_1618 = arith.addf %sub3A_1613, %log3A_1617 : vector<1x2560xf32>
    %ge3A_1619 = arith.constant 0.000000e+00 : f32
    %ge3A_1620 = vector.broadcast %ge3A_1619 : f32 to vector<1x2560xf32>
    %ge3A_1621 = arith.cmpf oge, %slice3A_1600, %ge3A_1620 : vector<1x2560xf32>
    %add3A_1622 = arith.constant 1.000000e+00 : f32
    %add3A_1623 = vector.broadcast %add3A_1622 : f32 to vector<1x2560xf32>
    %add3A_1624 = arith.addf %add3A_1623, %exp3A_1608 : vector<1x2560xf32>
    %div3A_1625 = arith.constant 1.000000e+00 : f32
    %div3A_1626 = vector.broadcast %div3A_1625 : f32 to vector<1x2560xf32>
    %div3A_1627 = arith.divf %div3A_1626, %add3A_1624 : vector<1x2560xf32>
    %add3A_1628 = arith.constant 1.000000e+00 : f32
    %add3A_1629 = vector.broadcast %add3A_1628 : f32 to vector<1x2560xf32>
    %add3A_1630 = arith.addf %add3A_1629, %exp3A_1608 : vector<1x2560xf32>
    %div3A_1631 = arith.divf %exp3A_1608, %add3A_1630 : vector<1x2560xf32>
    %select_n3A_1632 = arith.select %ge3A_1621, %div3A_1627, %div3A_1631 : vector<1x2560xi1>, vector<1x2560xf32>
    %mul3A_1633 = arith.mulf %select_n3A_1632, %select_n3A_1574 : vector<1x2560xf32>
    %sub3A_1634 = arith.constant 1.000000e+00 : f32
    %sub3A_1635 = vector.broadcast %sub3A_1634 : f32 to vector<1x2560xf32>
    %sub3A_1636 = arith.subf %sub3A_1635, %select_n3A_1632 : vector<1x2560xf32>
    %sub3A_1637 = arith.constant 1.000000e+00 : f32
    %sub3A_1638 = vector.broadcast %sub3A_1637 : f32 to vector<1x2560xf32>
    %sub3A_1639 = arith.subf %sub3A_1638, %select_n3A_1574 : vector<1x2560xf32>
    %mul3A_1640 = arith.mulf %sub3A_1636, %sub3A_1639 : vector<1x2560xf32>
    %add3A_1641 = arith.addf %mul3A_1633, %mul3A_1640 : vector<1x2560xf32>
    %mul3A_1642 = arith.constant 2.500000e-01 : f32
    %mul3A_1643 = vector.broadcast %mul3A_1642 : f32 to vector<1x2560xf32>
    %mul3A_1644 = arith.mulf %mul3A_1643, %select_n3A_1574 : vector<1x2560xf32>
    %sub3A_1645 = arith.constant 1.000000e+00 : f32
    %sub3A_1646 = vector.broadcast %sub3A_1645 : f32 to vector<1x2560xf32>
    %sub3A_1647 = arith.subf %sub3A_1646, %select_n3A_1574 : vector<1x2560xf32>
    %mul3A_1648 = arith.constant 7.500000e-01 : f32
    %mul3A_1649 = vector.broadcast %mul3A_1648 : f32 to vector<1x2560xf32>
    %mul3A_1650 = arith.mulf %mul3A_1649, %sub3A_1647 : vector<1x2560xf32>
    %add3A_1651 = arith.addf %mul3A_1644, %mul3A_1650 : vector<1x2560xf32>
    %sub3A_1652 = arith.constant 1.000000e+00 : f32
    %sub3A_1653 = vector.broadcast %sub3A_1652 : f32 to vector<1x2560xf32>
    %sub3A_1654 = arith.subf %sub3A_1653, %add3A_1641 : vector<1x2560xf32>
    %mul3A_1655 = arith.mulf %add3A_1651, %sub3A_1654 : vector<1x2560xf32>
    %mul3A_1656 = arith.mulf %mul3A_1655, %sub3A_1654 : vector<1x2560xf32>
    %mul3A_1657 = arith.mulf %mul3A_1656, %add3A_1618 : vector<1x2560xf32>
    %jit3A_1658 = arith.constant 0.000000e+00 : f32
    %broadcast_in_dim3A_1659 = vector.broadcast %jit3A_1658 : f32 to vector<1x2560xf32>
    %select_n3A_1660 = arith.select %lt3A_1603, %mul3A_1657, %broadcast_in_dim3A_1659 : vector<1x2560xi1>, vector<1x2560xf32>
    %reduce_sum3A_1661 = vector.shape_cast %select_n3A_1660 : vector<1x2560xf32> to vector<1x1x2560xf32>
    %reduce_sum3A_1662 = arith.constant dense<0.000000e+00> : vector<1xf32>
    %reduce_sum3A_1663 = vector.multi_reduction <add>, %reduce_sum3A_1661, %reduce_sum3A_1662 [1, 2] : vector<1x1x2560xf32> to vector<1xf32>
    %reduce_sum3A_1664 = vector.shape_cast %reduce_sum3A_1663 : vector<1xf32> to vector<1x1x1xf32>
    %reduce_sum3A_1665 = vector.extract %reduce_sum3A_1664[0, 0, 0] : f32 from vector<1x1x1xf32>
    %add3A_1666 = arith.addf %add3A_1393, %reduce_sum3A_1665 : f32
    %slice3A_1667 = vector.extract_strided_slice %get3A_3 {offsets = [1, 12800], sizes = [1, 2560], strides = [1, 1]} : vector<8x20480xf32> to vector<1x2560xf32>
    %slice3A_1668 = vector.extract_strided_slice %get3A_3 {offsets = [2, 12800], sizes = [1, 2560], strides = [1, 1]} : vector<8x20480xf32> to vector<1x2560xf32>
    %slice3A_1669 = vector.extract_strided_slice %get3A_3 {offsets = [3, 12800], sizes = [1, 2560], strides = [1, 1]} : vector<8x20480xf32> to vector<1x2560xf32>
    %slice3A_1670 = vector.extract_strided_slice %get3A_3 {offsets = [4, 12800], sizes = [1, 2560], strides = [1, 1]} : vector<8x20480xf32> to vector<1x2560xf32>
    %min3A_1671 = arith.minimumf %slice3A_1669, %broadcast_in_dim3A_1589 : vector<1x2560xf32>
    %max3A_1672 = arith.maximumf %slice3A_1667, %broadcast_in_dim3A_1579 : vector<1x2560xf32>
    %sub3A_1673 = arith.subf %min3A_1671, %max3A_1672 : vector<1x2560xf32>
    %max3A_1674 = arith.constant 0.000000e+00 : f32
    %max3A_1675 = vector.broadcast %max3A_1674 : f32 to vector<1x2560xf32>
    %max3A_1676 = arith.maximumf %sub3A_1673, %max3A_1675 : vector<1x2560xf32>
    %min3A_1677 = arith.minimumf %slice3A_1670, %broadcast_in_dim3A_1594 : vector<1x2560xf32>
    %max3A_1678 = arith.maximumf %slice3A_1668, %broadcast_in_dim3A_1584 : vector<1x2560xf32>
    %sub3A_1679 = arith.subf %min3A_1677, %max3A_1678 : vector<1x2560xf32>
    %max3A_1680 = arith.constant 0.000000e+00 : f32
    %max3A_1681 = vector.broadcast %max3A_1680 : f32 to vector<1x2560xf32>
    %max3A_1682 = arith.maximumf %sub3A_1679, %max3A_1681 : vector<1x2560xf32>
    %mul3A_1683 = arith.mulf %max3A_1676, %max3A_1682 : vector<1x2560xf32>
    %sub3A_1684 = arith.subf %slice3A_1669, %slice3A_1667 : vector<1x2560xf32>
    %max3A_1685 = arith.constant 0.000000e+00 : f32
    %max3A_1686 = vector.broadcast %max3A_1685 : f32 to vector<1x2560xf32>
    %max3A_1687 = arith.maximumf %sub3A_1684, %max3A_1686 : vector<1x2560xf32>
    %sub3A_1688 = arith.subf %slice3A_1670, %slice3A_1668 : vector<1x2560xf32>
    %max3A_1689 = arith.constant 0.000000e+00 : f32
    %max3A_1690 = vector.broadcast %max3A_1689 : f32 to vector<1x2560xf32>
    %max3A_1691 = arith.maximumf %sub3A_1688, %max3A_1690 : vector<1x2560xf32>
    %mul3A_1692 = arith.mulf %max3A_1687, %max3A_1691 : vector<1x2560xf32>
    %sub3A_1693 = arith.subf %broadcast_in_dim3A_1589, %broadcast_in_dim3A_1579 : vector<1x2560xf32>
    %max3A_1694 = arith.constant 0.000000e+00 : f32
    %max3A_1695 = vector.broadcast %max3A_1694 : f32 to vector<1x2560xf32>
    %max3A_1696 = arith.maximumf %sub3A_1693, %max3A_1695 : vector<1x2560xf32>
    %sub3A_1697 = arith.subf %broadcast_in_dim3A_1594, %broadcast_in_dim3A_1584 : vector<1x2560xf32>
    %max3A_1698 = arith.constant 0.000000e+00 : f32
    %max3A_1699 = vector.broadcast %max3A_1698 : f32 to vector<1x2560xf32>
    %max3A_1700 = arith.maximumf %sub3A_1697, %max3A_1699 : vector<1x2560xf32>
    %mul3A_1701 = arith.mulf %max3A_1696, %max3A_1700 : vector<1x2560xf32>
    %add3A_1702 = arith.addf %mul3A_1692, %mul3A_1701 : vector<1x2560xf32>
    %sub3A_1703 = arith.subf %add3A_1702, %mul3A_1683 : vector<1x2560xf32>
    %add3A_1704 = arith.constant 1.000000e-07 : f32
    %add3A_1705 = vector.broadcast %add3A_1704 : f32 to vector<1x2560xf32>
    %add3A_1706 = arith.addf %sub3A_1703, %add3A_1705 : vector<1x2560xf32>
    %div3A_1707 = arith.divf %mul3A_1683, %add3A_1706 : vector<1x2560xf32>
    %max3A_1708 = arith.maximumf %slice3A_1669, %broadcast_in_dim3A_1589 : vector<1x2560xf32>
    %min3A_1709 = arith.minimumf %slice3A_1667, %broadcast_in_dim3A_1579 : vector<1x2560xf32>
    %sub3A_1710 = arith.subf %max3A_1708, %min3A_1709 : vector<1x2560xf32>
    %max3A_1711 = arith.maximumf %slice3A_1670, %broadcast_in_dim3A_1594 : vector<1x2560xf32>
    %min3A_1712 = arith.minimumf %slice3A_1668, %broadcast_in_dim3A_1584 : vector<1x2560xf32>
    %sub3A_1713 = arith.subf %max3A_1711, %min3A_1712 : vector<1x2560xf32>
    %mul3A_1714 = arith.mulf %sub3A_1710, %sub3A_1710 : vector<1x2560xf32>
    %mul3A_1715 = arith.mulf %sub3A_1713, %sub3A_1713 : vector<1x2560xf32>
    %add3A_1716 = arith.addf %mul3A_1714, %mul3A_1715 : vector<1x2560xf32>
    %add3A_1717 = arith.constant 1.000000e-07 : f32
    %add3A_1718 = vector.broadcast %add3A_1717 : f32 to vector<1x2560xf32>
    %add3A_1719 = arith.addf %add3A_1716, %add3A_1718 : vector<1x2560xf32>
    %add3A_1720 = arith.addf %slice3A_1667, %slice3A_1669 : vector<1x2560xf32>
    %mul3A_1721 = arith.constant 5.000000e-01 : f32
    %mul3A_1722 = vector.broadcast %mul3A_1721 : f32 to vector<1x2560xf32>
    %mul3A_1723 = arith.mulf %add3A_1720, %mul3A_1722 : vector<1x2560xf32>
    %add3A_1724 = arith.addf %broadcast_in_dim3A_1579, %broadcast_in_dim3A_1589 : vector<1x2560xf32>
    %mul3A_1725 = arith.constant 5.000000e-01 : f32
    %mul3A_1726 = vector.broadcast %mul3A_1725 : f32 to vector<1x2560xf32>
    %mul3A_1727 = arith.mulf %add3A_1724, %mul3A_1726 : vector<1x2560xf32>
    %sub3A_1728 = arith.subf %mul3A_1723, %mul3A_1727 : vector<1x2560xf32>
    %add3A_1729 = arith.addf %slice3A_1668, %slice3A_1670 : vector<1x2560xf32>
    %mul3A_1730 = arith.constant 5.000000e-01 : f32
    %mul3A_1731 = vector.broadcast %mul3A_1730 : f32 to vector<1x2560xf32>
    %mul3A_1732 = arith.mulf %add3A_1729, %mul3A_1731 : vector<1x2560xf32>
    %add3A_1733 = arith.addf %broadcast_in_dim3A_1584, %broadcast_in_dim3A_1594 : vector<1x2560xf32>
    %mul3A_1734 = arith.constant 5.000000e-01 : f32
    %mul3A_1735 = vector.broadcast %mul3A_1734 : f32 to vector<1x2560xf32>
    %mul3A_1736 = arith.mulf %add3A_1733, %mul3A_1735 : vector<1x2560xf32>
    %sub3A_1737 = arith.subf %mul3A_1732, %mul3A_1736 : vector<1x2560xf32>
    %mul3A_1738 = arith.mulf %sub3A_1728, %sub3A_1728 : vector<1x2560xf32>
    %mul3A_1739 = arith.mulf %sub3A_1737, %sub3A_1737 : vector<1x2560xf32>
    %add3A_1740 = arith.addf %mul3A_1738, %mul3A_1739 : vector<1x2560xf32>
    %sub3A_1741 = arith.subf %slice3A_1669, %slice3A_1667 : vector<1x2560xf32>
    %sub3A_1742 = arith.subf %broadcast_in_dim3A_1589, %broadcast_in_dim3A_1579 : vector<1x2560xf32>
    %sub3A_1743 = arith.subf %sub3A_1741, %sub3A_1742 : vector<1x2560xf32>
    %sub3A_1744 = arith.subf %slice3A_1670, %slice3A_1668 : vector<1x2560xf32>
    %sub3A_1745 = arith.subf %broadcast_in_dim3A_1594, %broadcast_in_dim3A_1584 : vector<1x2560xf32>
    %sub3A_1746 = arith.subf %sub3A_1744, %sub3A_1745 : vector<1x2560xf32>
    %sub3A_1747 = arith.constant 1.000000e+00 : f32
    %sub3A_1748 = vector.broadcast %sub3A_1747 : f32 to vector<1x2560xf32>
    %sub3A_1749 = arith.subf %sub3A_1748, %div3A_1707 : vector<1x2560xf32>
    %div3A_1750 = arith.divf %add3A_1740, %add3A_1719 : vector<1x2560xf32>
    %add3A_1751 = arith.addf %sub3A_1749, %div3A_1750 : vector<1x2560xf32>
    %mul3A_1752 = arith.mulf %sub3A_1743, %sub3A_1743 : vector<1x2560xf32>
    %mul3A_1753 = arith.mulf %sub3A_1710, %sub3A_1710 : vector<1x2560xf32>
    %add3A_1754 = arith.constant 1.000000e-07 : f32
    %add3A_1755 = vector.broadcast %add3A_1754 : f32 to vector<1x2560xf32>
    %add3A_1756 = arith.addf %mul3A_1753, %add3A_1755 : vector<1x2560xf32>
    %div3A_1757 = arith.divf %mul3A_1752, %add3A_1756 : vector<1x2560xf32>
    %add3A_1758 = arith.addf %add3A_1751, %div3A_1757 : vector<1x2560xf32>
    %mul3A_1759 = arith.mulf %sub3A_1746, %sub3A_1746 : vector<1x2560xf32>
    %mul3A_1760 = arith.mulf %sub3A_1713, %sub3A_1713 : vector<1x2560xf32>
    %add3A_1761 = arith.constant 1.000000e-07 : f32
    %add3A_1762 = vector.broadcast %add3A_1761 : f32 to vector<1x2560xf32>
    %add3A_1763 = arith.addf %mul3A_1760, %add3A_1762 : vector<1x2560xf32>
    %div3A_1764 = arith.divf %mul3A_1759, %add3A_1763 : vector<1x2560xf32>
    %add3A_1765 = arith.addf %add3A_1758, %div3A_1764 : vector<1x2560xf32>
    %mul3A_1766 = arith.mulf %add3A_1765, %select_n3A_1567 : vector<1x2560xf32>
    %reduce_sum3A_1767 = vector.shape_cast %mul3A_1766 : vector<1x2560xf32> to vector<1x1x2560xf32>
    %reduce_sum3A_1768 = arith.constant dense<0.000000e+00> : vector<1xf32>
    %reduce_sum3A_1769 = vector.multi_reduction <add>, %reduce_sum3A_1767, %reduce_sum3A_1768 [1, 2] : vector<1x1x2560xf32> to vector<1xf32>
    %reduce_sum3A_1770 = vector.shape_cast %reduce_sum3A_1769 : vector<1xf32> to vector<1x1x1xf32>
    %reduce_sum3A_1771 = vector.extract %reduce_sum3A_1770[0, 0, 0] : f32 from vector<1x1x1xf32>
    %add3A_1772 = arith.addf %add3A_1499, %reduce_sum3A_1771 : f32
    %reduce_sum3A_1773 = vector.shape_cast %select_n3A_1567 : vector<1x2560xf32> to vector<1x1x2560xf32>
    %reduce_sum3A_1774 = arith.constant dense<0.000000e+00> : vector<1xf32>
    %reduce_sum3A_1775 = vector.multi_reduction <add>, %reduce_sum3A_1773, %reduce_sum3A_1774 [1, 2] : vector<1x1x2560xf32> to vector<1xf32>
    %reduce_sum3A_1776 = vector.shape_cast %reduce_sum3A_1775 : vector<1xf32> to vector<1x1x1xf32>
    %reduce_sum3A_1777 = vector.extract %reduce_sum3A_1776[0, 0, 0] : f32 from vector<1x1x1xf32>
    %add3A_1778 = arith.addf %add3A_1505, %reduce_sum3A_1777 : f32
    %slice3A_1779 = vector.extract_strided_slice %iota3A_12 {offsets = [0, 15360], sizes = [1, 2560], strides = [1, 1]} : vector<1x20480xi32> to vector<1x2560xi32>
    %get3A_1780 = arith.constant 0 : index
    %get3A_1781 = arith.constant 0 : index
    %get3A_1782 = arith.constant 0 : index
    %get3A_1783 = arith.constant 15360 : index
    %get3A_1784 = vector.load %arg4[%get3A_1780, %get3A_1781, %get3A_1782, %get3A_1783] : memref<1x1x56x20480xf32, #tpu.memory_space<vmem>>, vector<1x1x56x2560xf32>
    %get3A_1785 = vector.shape_cast %get3A_1784 : vector<1x1x56x2560xf32> to vector<56x2560xf32>
    %get3A_1786 = arith.constant 0 : index
    %get3A_1787 = arith.constant 0 : index
    %get3A_1788 = arith.constant 0 : index
    %get3A_1789 = arith.constant 15360 : index
    %get3A_1790 = vector.load %arg5[%get3A_1786, %get3A_1787, %get3A_1788, %get3A_1789] : memref<1x1x56x20480xf32, #tpu.memory_space<vmem>>, vector<1x1x56x2560xf32>
    %get3A_1791 = vector.shape_cast %get3A_1790 : vector<1x1x56x2560xf32> to vector<56x2560xf32>
    %le3A_1792 = vector.broadcast %add3A_152 : vector<56x1xf32> to vector<56x2560xf32>
    %le3A_1793 = arith.cmpf ole, %get3A_1785, %le3A_1792 : vector<56x2560xf32>
    %lt3A_1794 = arith.constant 1.000000e+10 : f32
    %lt3A_1795 = vector.broadcast %lt3A_1794 : f32 to vector<56x2560xf32>
    %lt3A_1796 = arith.cmpf olt, %get3A_1785, %lt3A_1795 : vector<56x2560xf32>
    %and3A_1797 = arith.andi %le3A_1793, %lt3A_1796 : vector<56x2560xi1>
    %jit3A_1798 = arith.constant 1.000000e+00 : f32
    %jit3A_1799 = arith.constant 0.000000e+00 : f32
    %broadcast_in_dim3A_1800 = vector.broadcast %jit3A_1798 : f32 to vector<56x2560xf32>
    %broadcast_in_dim3A_1801 = vector.broadcast %jit3A_1799 : f32 to vector<56x2560xf32>
    %select_n3A_1802 = arith.select %and3A_1797, %broadcast_in_dim3A_1800, %broadcast_in_dim3A_1801 : vector<56x2560xi1>, vector<56x2560xf32>
    %reduce_sum3A_1803 = arith.constant dense<0.000000e+00> : vector<2560xf32>
    %reduce_sum3A_1804 = vector.multi_reduction <add>, %select_n3A_1802, %reduce_sum3A_1803 [0] : vector<56x2560xf32> to vector<2560xf32>
    %broadcast_in_dim3A_1805 = vector.shape_cast %reduce_sum3A_1804 : vector<2560xf32> to vector<1x2560xf32>
    %reduce_min3A_1806 = arith.constant dense<0x7F800000> : vector<2560xf32>
    %reduce_min3A_1807 = vector.multi_reduction <minimumf>, %get3A_1785, %reduce_min3A_1806 [0] : vector<56x2560xf32> to vector<2560xf32>
    %broadcast_in_dim3A_1808 = vector.shape_cast %reduce_min3A_1807 : vector<2560xf32> to vector<1x2560xf32>
    %eq3A_1809 = vector.broadcast %broadcast_in_dim3A_1808 : vector<1x2560xf32> to vector<56x2560xf32>
    %eq3A_1810 = arith.cmpf oeq, %get3A_1785, %eq3A_1809 : vector<56x2560xf32>
    %jit3A_1811 = arith.constant 1073741824 : i32
    %broadcast_in_dim3A_1812 = vector.shape_cast %iota3A : vector<56x1xi32> to vector<56x1xi32>
    %broadcast_in_dim3A_1813 = vector.broadcast %broadcast_in_dim3A_1812 : vector<56x1xi32> to vector<56x2560xi32>
    %broadcast_in_dim3A_1814 = vector.broadcast %jit3A_1811 : i32 to vector<56x2560xi32>
    %select_n3A_1815 = arith.select %eq3A_1810, %broadcast_in_dim3A_1813, %broadcast_in_dim3A_1814 : vector<56x2560xi1>, vector<56x2560xi32>
    %reduce_min3A_1816 = arith.constant dense<2147483647> : vector<2560xi32>
    %reduce_min3A_1817 = vector.multi_reduction <minsi>, %select_n3A_1815, %reduce_min3A_1816 [0] : vector<56x2560xi32> to vector<2560xi32>
    %broadcast_in_dim3A_1818 = vector.shape_cast %reduce_min3A_1817 : vector<2560xi32> to vector<1x2560xi32>
    %gt3A_1819 = arith.constant 1.500000e+00 : f32
    %gt3A_1820 = vector.broadcast %gt3A_1819 : f32 to vector<1x2560xf32>
    %gt3A_1821 = arith.cmpf ogt, %broadcast_in_dim3A_1805, %gt3A_1820 : vector<1x2560xf32>
    %eq3A_1822 = vector.broadcast %iota3A : vector<56x1xi32> to vector<56x2560xi32>
    %eq3A_1823 = vector.broadcast %broadcast_in_dim3A_1818 : vector<1x2560xi32> to vector<56x2560xi32>
    %eq3A_1824 = arith.cmpi eq, %eq3A_1822, %eq3A_1823 : vector<56x2560xi32>
    %jit3A_1825 = arith.constant 1.000000e+00 : f32
    %jit3A_1826 = arith.constant 0.000000e+00 : f32
    %broadcast_in_dim3A_1827 = vector.broadcast %jit3A_1825 : f32 to vector<56x2560xf32>
    %broadcast_in_dim3A_1828 = vector.broadcast %jit3A_1826 : f32 to vector<56x2560xf32>
    %select_n3A_1829 = arith.select %eq3A_1824, %broadcast_in_dim3A_1827, %broadcast_in_dim3A_1828 : vector<56x2560xi1>, vector<56x2560xf32>
    %broadcast_in_dim3A_1830 = vector.shape_cast %gt3A_1821 : vector<1x2560xi1> to vector<1x2560xi1>
    %broadcast_in_dim3A_1831 = vector.broadcast %broadcast_in_dim3A_1830 : vector<1x2560xi1> to vector<56x2560xi1>
    %select_n3A_1832 = arith.select %broadcast_in_dim3A_1831, %select_n3A_1829, %select_n3A_1802 : vector<56x2560xi1>, vector<56x2560xf32>
    %gt3A_1833 = arith.constant 5.000000e-01 : f32
    %gt3A_1834 = vector.broadcast %gt3A_1833 : f32 to vector<1x2560xf32>
    %gt3A_1835 = arith.cmpf ogt, %broadcast_in_dim3A_1805, %gt3A_1834 : vector<1x2560xf32>
    %jit3A_1836 = arith.constant 1.000000e+00 : f32
    %jit3A_1837 = arith.constant 0.000000e+00 : f32
    %broadcast_in_dim3A_1838 = vector.broadcast %jit3A_1836 : f32 to vector<1x2560xf32>
    %broadcast_in_dim3A_1839 = vector.broadcast %jit3A_1837 : f32 to vector<1x2560xf32>
    %select_n3A_1840 = arith.select %gt3A_1835, %broadcast_in_dim3A_1838, %broadcast_in_dim3A_1839 : vector<1x2560xi1>, vector<1x2560xf32>
    %mul3A_1841 = arith.mulf %select_n3A_1832, %get3A_1791 : vector<56x2560xf32>
    %reduce_sum3A_1842 = arith.constant dense<0.000000e+00> : vector<2560xf32>
    %reduce_sum3A_1843 = vector.multi_reduction <add>, %mul3A_1841, %reduce_sum3A_1842 [0] : vector<56x2560xf32> to vector<2560xf32>
    %broadcast_in_dim3A_1844 = vector.shape_cast %reduce_sum3A_1843 : vector<2560xf32> to vector<1x2560xf32>
    %jit3A_1845 = arith.constant 0.000000e+00 : f32
    %broadcast_in_dim3A_1846 = vector.broadcast %jit3A_1845 : f32 to vector<1x2560xf32>
    %select_n3A_1847 = arith.select %gt3A_1835, %broadcast_in_dim3A_1844, %broadcast_in_dim3A_1846 : vector<1x2560xi1>, vector<1x2560xf32>
    %mul3A_1848 = vector.broadcast %slice3A : vector<56x1xf32> to vector<56x2560xf32>
    %mul3A_1849 = arith.mulf %select_n3A_1832, %mul3A_1848 : vector<56x2560xf32>
    %reduce_sum3A_1850 = arith.constant dense<0.000000e+00> : vector<2560xf32>
    %reduce_sum3A_1851 = vector.multi_reduction <add>, %mul3A_1849, %reduce_sum3A_1850 [0] : vector<56x2560xf32> to vector<2560xf32>
    %broadcast_in_dim3A_1852 = vector.shape_cast %reduce_sum3A_1851 : vector<2560xf32> to vector<1x2560xf32>
    %mul3A_1853 = vector.broadcast %slice3A_9 : vector<56x1xf32> to vector<56x2560xf32>
    %mul3A_1854 = arith.mulf %select_n3A_1832, %mul3A_1853 : vector<56x2560xf32>
    %reduce_sum3A_1855 = arith.constant dense<0.000000e+00> : vector<2560xf32>
    %reduce_sum3A_1856 = vector.multi_reduction <add>, %mul3A_1854, %reduce_sum3A_1855 [0] : vector<56x2560xf32> to vector<2560xf32>
    %broadcast_in_dim3A_1857 = vector.shape_cast %reduce_sum3A_1856 : vector<2560xf32> to vector<1x2560xf32>
    %mul3A_1858 = vector.broadcast %slice3A_10 : vector<56x1xf32> to vector<56x2560xf32>
    %mul3A_1859 = arith.mulf %select_n3A_1832, %mul3A_1858 : vector<56x2560xf32>
    %reduce_sum3A_1860 = arith.constant dense<0.000000e+00> : vector<2560xf32>
    %reduce_sum3A_1861 = vector.multi_reduction <add>, %mul3A_1859, %reduce_sum3A_1860 [0] : vector<56x2560xf32> to vector<2560xf32>
    %broadcast_in_dim3A_1862 = vector.shape_cast %reduce_sum3A_1861 : vector<2560xf32> to vector<1x2560xf32>
    %mul3A_1863 = vector.broadcast %slice3A_11 : vector<56x1xf32> to vector<56x2560xf32>
    %mul3A_1864 = arith.mulf %select_n3A_1832, %mul3A_1863 : vector<56x2560xf32>
    %reduce_sum3A_1865 = arith.constant dense<0.000000e+00> : vector<2560xf32>
    %reduce_sum3A_1866 = vector.multi_reduction <add>, %mul3A_1864, %reduce_sum3A_1865 [0] : vector<56x2560xf32> to vector<2560xf32>
    %broadcast_in_dim3A_1867 = vector.shape_cast %reduce_sum3A_1866 : vector<2560xf32> to vector<1x2560xf32>
    %get3A_1868 = arith.constant 0 : index
    %get3A_1869 = arith.constant 0 : index
    %get3A_1870 = arith.constant 0 : index
    %get3A_1871 = vector.load %arg2[%get3A_1868, %get3A_1869, %get3A_1870] : memref<1x8x20480xf32, #tpu.memory_space<vmem>>, vector<1x8x20480xf32>
    %get3A_1872 = vector.shape_cast %get3A_1871 : vector<1x8x20480xf32> to vector<8x20480xf32>
    %slice3A_1873 = vector.extract_strided_slice %get3A_1872 {offsets = [0, 15360], sizes = [1, 2560], strides = [1, 1]} : vector<8x20480xf32> to vector<1x2560xf32>
    %lt3A_1874 = arith.constant 20000 : i32
    %lt3A_1875 = vector.broadcast %lt3A_1874 : i32 to vector<1x2560xi32>
    %lt3A_1876 = arith.cmpi slt, %slice3A_1779, %lt3A_1875 : vector<1x2560xi32>
    %abs3A_1877 = math.absf %slice3A_1873 : vector<1x2560xf32>
    %neg3A_1878 = arith.constant 0.000000e+00 : f32
    %neg3A_1879 = vector.broadcast %neg3A_1878 : f32 to vector<1x2560xf32>
    %neg3A_1880 = arith.subf %neg3A_1879, %abs3A_1877 : vector<1x2560xf32>
    %exp3A_1881 = math.exp %neg3A_1880 : vector<1x2560xf32>
    %max3A_1882 = arith.constant 0.000000e+00 : f32
    %max3A_1883 = vector.broadcast %max3A_1882 : f32 to vector<1x2560xf32>
    %max3A_1884 = arith.maximumf %slice3A_1873, %max3A_1883 : vector<1x2560xf32>
    %mul3A_1885 = arith.mulf %slice3A_1873, %select_n3A_1847 : vector<1x2560xf32>
    %sub3A_1886 = arith.subf %max3A_1884, %mul3A_1885 : vector<1x2560xf32>
    %add3A_1887 = arith.constant 1.000000e+00 : f32
    %add3A_1888 = vector.broadcast %add3A_1887 : f32 to vector<1x2560xf32>
    %add3A_1889 = arith.addf %add3A_1888, %exp3A_1881 : vector<1x2560xf32>
    %log3A_1890 = math.log %add3A_1889 : vector<1x2560xf32>
    %add3A_1891 = arith.addf %sub3A_1886, %log3A_1890 : vector<1x2560xf32>
    %ge3A_1892 = arith.constant 0.000000e+00 : f32
    %ge3A_1893 = vector.broadcast %ge3A_1892 : f32 to vector<1x2560xf32>
    %ge3A_1894 = arith.cmpf oge, %slice3A_1873, %ge3A_1893 : vector<1x2560xf32>
    %add3A_1895 = arith.constant 1.000000e+00 : f32
    %add3A_1896 = vector.broadcast %add3A_1895 : f32 to vector<1x2560xf32>
    %add3A_1897 = arith.addf %add3A_1896, %exp3A_1881 : vector<1x2560xf32>
    %div3A_1898 = arith.constant 1.000000e+00 : f32
    %div3A_1899 = vector.broadcast %div3A_1898 : f32 to vector<1x2560xf32>
    %div3A_1900 = arith.divf %div3A_1899, %add3A_1897 : vector<1x2560xf32>
    %add3A_1901 = arith.constant 1.000000e+00 : f32
    %add3A_1902 = vector.broadcast %add3A_1901 : f32 to vector<1x2560xf32>
    %add3A_1903 = arith.addf %add3A_1902, %exp3A_1881 : vector<1x2560xf32>
    %div3A_1904 = arith.divf %exp3A_1881, %add3A_1903 : vector<1x2560xf32>
    %select_n3A_1905 = arith.select %ge3A_1894, %div3A_1900, %div3A_1904 : vector<1x2560xi1>, vector<1x2560xf32>
    %mul3A_1906 = arith.mulf %select_n3A_1905, %select_n3A_1847 : vector<1x2560xf32>
    %sub3A_1907 = arith.constant 1.000000e+00 : f32
    %sub3A_1908 = vector.broadcast %sub3A_1907 : f32 to vector<1x2560xf32>
    %sub3A_1909 = arith.subf %sub3A_1908, %select_n3A_1905 : vector<1x2560xf32>
    %sub3A_1910 = arith.constant 1.000000e+00 : f32
    %sub3A_1911 = vector.broadcast %sub3A_1910 : f32 to vector<1x2560xf32>
    %sub3A_1912 = arith.subf %sub3A_1911, %select_n3A_1847 : vector<1x2560xf32>
    %mul3A_1913 = arith.mulf %sub3A_1909, %sub3A_1912 : vector<1x2560xf32>
    %add3A_1914 = arith.addf %mul3A_1906, %mul3A_1913 : vector<1x2560xf32>
    %mul3A_1915 = arith.constant 2.500000e-01 : f32
    %mul3A_1916 = vector.broadcast %mul3A_1915 : f32 to vector<1x2560xf32>
    %mul3A_1917 = arith.mulf %mul3A_1916, %select_n3A_1847 : vector<1x2560xf32>
    %sub3A_1918 = arith.constant 1.000000e+00 : f32
    %sub3A_1919 = vector.broadcast %sub3A_1918 : f32 to vector<1x2560xf32>
    %sub3A_1920 = arith.subf %sub3A_1919, %select_n3A_1847 : vector<1x2560xf32>
    %mul3A_1921 = arith.constant 7.500000e-01 : f32
    %mul3A_1922 = vector.broadcast %mul3A_1921 : f32 to vector<1x2560xf32>
    %mul3A_1923 = arith.mulf %mul3A_1922, %sub3A_1920 : vector<1x2560xf32>
    %add3A_1924 = arith.addf %mul3A_1917, %mul3A_1923 : vector<1x2560xf32>
    %sub3A_1925 = arith.constant 1.000000e+00 : f32
    %sub3A_1926 = vector.broadcast %sub3A_1925 : f32 to vector<1x2560xf32>
    %sub3A_1927 = arith.subf %sub3A_1926, %add3A_1914 : vector<1x2560xf32>
    %mul3A_1928 = arith.mulf %add3A_1924, %sub3A_1927 : vector<1x2560xf32>
    %mul3A_1929 = arith.mulf %mul3A_1928, %sub3A_1927 : vector<1x2560xf32>
    %mul3A_1930 = arith.mulf %mul3A_1929, %add3A_1891 : vector<1x2560xf32>
    %jit3A_1931 = arith.constant 0.000000e+00 : f32
    %broadcast_in_dim3A_1932 = vector.broadcast %jit3A_1931 : f32 to vector<1x2560xf32>
    %select_n3A_1933 = arith.select %lt3A_1876, %mul3A_1930, %broadcast_in_dim3A_1932 : vector<1x2560xi1>, vector<1x2560xf32>
    %reduce_sum3A_1934 = vector.shape_cast %select_n3A_1933 : vector<1x2560xf32> to vector<1x1x2560xf32>
    %reduce_sum3A_1935 = arith.constant dense<0.000000e+00> : vector<1xf32>
    %reduce_sum3A_1936 = vector.multi_reduction <add>, %reduce_sum3A_1934, %reduce_sum3A_1935 [1, 2] : vector<1x1x2560xf32> to vector<1xf32>
    %reduce_sum3A_1937 = vector.shape_cast %reduce_sum3A_1936 : vector<1xf32> to vector<1x1x1xf32>
    %reduce_sum3A_1938 = vector.extract %reduce_sum3A_1937[0, 0, 0] : f32 from vector<1x1x1xf32>
    %add3A_1939 = arith.addf %add3A_1666, %reduce_sum3A_1938 : f32
    %slice3A_1940 = vector.extract_strided_slice %get3A_3 {offsets = [1, 15360], sizes = [1, 2560], strides = [1, 1]} : vector<8x20480xf32> to vector<1x2560xf32>
    %slice3A_1941 = vector.extract_strided_slice %get3A_3 {offsets = [2, 15360], sizes = [1, 2560], strides = [1, 1]} : vector<8x20480xf32> to vector<1x2560xf32>
    %slice3A_1942 = vector.extract_strided_slice %get3A_3 {offsets = [3, 15360], sizes = [1, 2560], strides = [1, 1]} : vector<8x20480xf32> to vector<1x2560xf32>
    %slice3A_1943 = vector.extract_strided_slice %get3A_3 {offsets = [4, 15360], sizes = [1, 2560], strides = [1, 1]} : vector<8x20480xf32> to vector<1x2560xf32>
    %min3A_1944 = arith.minimumf %slice3A_1942, %broadcast_in_dim3A_1862 : vector<1x2560xf32>
    %max3A_1945 = arith.maximumf %slice3A_1940, %broadcast_in_dim3A_1852 : vector<1x2560xf32>
    %sub3A_1946 = arith.subf %min3A_1944, %max3A_1945 : vector<1x2560xf32>
    %max3A_1947 = arith.constant 0.000000e+00 : f32
    %max3A_1948 = vector.broadcast %max3A_1947 : f32 to vector<1x2560xf32>
    %max3A_1949 = arith.maximumf %sub3A_1946, %max3A_1948 : vector<1x2560xf32>
    %min3A_1950 = arith.minimumf %slice3A_1943, %broadcast_in_dim3A_1867 : vector<1x2560xf32>
    %max3A_1951 = arith.maximumf %slice3A_1941, %broadcast_in_dim3A_1857 : vector<1x2560xf32>
    %sub3A_1952 = arith.subf %min3A_1950, %max3A_1951 : vector<1x2560xf32>
    %max3A_1953 = arith.constant 0.000000e+00 : f32
    %max3A_1954 = vector.broadcast %max3A_1953 : f32 to vector<1x2560xf32>
    %max3A_1955 = arith.maximumf %sub3A_1952, %max3A_1954 : vector<1x2560xf32>
    %mul3A_1956 = arith.mulf %max3A_1949, %max3A_1955 : vector<1x2560xf32>
    %sub3A_1957 = arith.subf %slice3A_1942, %slice3A_1940 : vector<1x2560xf32>
    %max3A_1958 = arith.constant 0.000000e+00 : f32
    %max3A_1959 = vector.broadcast %max3A_1958 : f32 to vector<1x2560xf32>
    %max3A_1960 = arith.maximumf %sub3A_1957, %max3A_1959 : vector<1x2560xf32>
    %sub3A_1961 = arith.subf %slice3A_1943, %slice3A_1941 : vector<1x2560xf32>
    %max3A_1962 = arith.constant 0.000000e+00 : f32
    %max3A_1963 = vector.broadcast %max3A_1962 : f32 to vector<1x2560xf32>
    %max3A_1964 = arith.maximumf %sub3A_1961, %max3A_1963 : vector<1x2560xf32>
    %mul3A_1965 = arith.mulf %max3A_1960, %max3A_1964 : vector<1x2560xf32>
    %sub3A_1966 = arith.subf %broadcast_in_dim3A_1862, %broadcast_in_dim3A_1852 : vector<1x2560xf32>
    %max3A_1967 = arith.constant 0.000000e+00 : f32
    %max3A_1968 = vector.broadcast %max3A_1967 : f32 to vector<1x2560xf32>
    %max3A_1969 = arith.maximumf %sub3A_1966, %max3A_1968 : vector<1x2560xf32>
    %sub3A_1970 = arith.subf %broadcast_in_dim3A_1867, %broadcast_in_dim3A_1857 : vector<1x2560xf32>
    %max3A_1971 = arith.constant 0.000000e+00 : f32
    %max3A_1972 = vector.broadcast %max3A_1971 : f32 to vector<1x2560xf32>
    %max3A_1973 = arith.maximumf %sub3A_1970, %max3A_1972 : vector<1x2560xf32>
    %mul3A_1974 = arith.mulf %max3A_1969, %max3A_1973 : vector<1x2560xf32>
    %add3A_1975 = arith.addf %mul3A_1965, %mul3A_1974 : vector<1x2560xf32>
    %sub3A_1976 = arith.subf %add3A_1975, %mul3A_1956 : vector<1x2560xf32>
    %add3A_1977 = arith.constant 1.000000e-07 : f32
    %add3A_1978 = vector.broadcast %add3A_1977 : f32 to vector<1x2560xf32>
    %add3A_1979 = arith.addf %sub3A_1976, %add3A_1978 : vector<1x2560xf32>
    %div3A_1980 = arith.divf %mul3A_1956, %add3A_1979 : vector<1x2560xf32>
    %max3A_1981 = arith.maximumf %slice3A_1942, %broadcast_in_dim3A_1862 : vector<1x2560xf32>
    %min3A_1982 = arith.minimumf %slice3A_1940, %broadcast_in_dim3A_1852 : vector<1x2560xf32>
    %sub3A_1983 = arith.subf %max3A_1981, %min3A_1982 : vector<1x2560xf32>
    %max3A_1984 = arith.maximumf %slice3A_1943, %broadcast_in_dim3A_1867 : vector<1x2560xf32>
    %min3A_1985 = arith.minimumf %slice3A_1941, %broadcast_in_dim3A_1857 : vector<1x2560xf32>
    %sub3A_1986 = arith.subf %max3A_1984, %min3A_1985 : vector<1x2560xf32>
    %mul3A_1987 = arith.mulf %sub3A_1983, %sub3A_1983 : vector<1x2560xf32>
    %mul3A_1988 = arith.mulf %sub3A_1986, %sub3A_1986 : vector<1x2560xf32>
    %add3A_1989 = arith.addf %mul3A_1987, %mul3A_1988 : vector<1x2560xf32>
    %add3A_1990 = arith.constant 1.000000e-07 : f32
    %add3A_1991 = vector.broadcast %add3A_1990 : f32 to vector<1x2560xf32>
    %add3A_1992 = arith.addf %add3A_1989, %add3A_1991 : vector<1x2560xf32>
    %add3A_1993 = arith.addf %slice3A_1940, %slice3A_1942 : vector<1x2560xf32>
    %mul3A_1994 = arith.constant 5.000000e-01 : f32
    %mul3A_1995 = vector.broadcast %mul3A_1994 : f32 to vector<1x2560xf32>
    %mul3A_1996 = arith.mulf %add3A_1993, %mul3A_1995 : vector<1x2560xf32>
    %add3A_1997 = arith.addf %broadcast_in_dim3A_1852, %broadcast_in_dim3A_1862 : vector<1x2560xf32>
    %mul3A_1998 = arith.constant 5.000000e-01 : f32
    %mul3A_1999 = vector.broadcast %mul3A_1998 : f32 to vector<1x2560xf32>
    %mul3A_2000 = arith.mulf %add3A_1997, %mul3A_1999 : vector<1x2560xf32>
    %sub3A_2001 = arith.subf %mul3A_1996, %mul3A_2000 : vector<1x2560xf32>
    %add3A_2002 = arith.addf %slice3A_1941, %slice3A_1943 : vector<1x2560xf32>
    %mul3A_2003 = arith.constant 5.000000e-01 : f32
    %mul3A_2004 = vector.broadcast %mul3A_2003 : f32 to vector<1x2560xf32>
    %mul3A_2005 = arith.mulf %add3A_2002, %mul3A_2004 : vector<1x2560xf32>
    %add3A_2006 = arith.addf %broadcast_in_dim3A_1857, %broadcast_in_dim3A_1867 : vector<1x2560xf32>
    %mul3A_2007 = arith.constant 5.000000e-01 : f32
    %mul3A_2008 = vector.broadcast %mul3A_2007 : f32 to vector<1x2560xf32>
    %mul3A_2009 = arith.mulf %add3A_2006, %mul3A_2008 : vector<1x2560xf32>
    %sub3A_2010 = arith.subf %mul3A_2005, %mul3A_2009 : vector<1x2560xf32>
    %mul3A_2011 = arith.mulf %sub3A_2001, %sub3A_2001 : vector<1x2560xf32>
    %mul3A_2012 = arith.mulf %sub3A_2010, %sub3A_2010 : vector<1x2560xf32>
    %add3A_2013 = arith.addf %mul3A_2011, %mul3A_2012 : vector<1x2560xf32>
    %sub3A_2014 = arith.subf %slice3A_1942, %slice3A_1940 : vector<1x2560xf32>
    %sub3A_2015 = arith.subf %broadcast_in_dim3A_1862, %broadcast_in_dim3A_1852 : vector<1x2560xf32>
    %sub3A_2016 = arith.subf %sub3A_2014, %sub3A_2015 : vector<1x2560xf32>
    %sub3A_2017 = arith.subf %slice3A_1943, %slice3A_1941 : vector<1x2560xf32>
    %sub3A_2018 = arith.subf %broadcast_in_dim3A_1867, %broadcast_in_dim3A_1857 : vector<1x2560xf32>
    %sub3A_2019 = arith.subf %sub3A_2017, %sub3A_2018 : vector<1x2560xf32>
    %sub3A_2020 = arith.constant 1.000000e+00 : f32
    %sub3A_2021 = vector.broadcast %sub3A_2020 : f32 to vector<1x2560xf32>
    %sub3A_2022 = arith.subf %sub3A_2021, %div3A_1980 : vector<1x2560xf32>
    %div3A_2023 = arith.divf %add3A_2013, %add3A_1992 : vector<1x2560xf32>
    %add3A_2024 = arith.addf %sub3A_2022, %div3A_2023 : vector<1x2560xf32>
    %mul3A_2025 = arith.mulf %sub3A_2016, %sub3A_2016 : vector<1x2560xf32>
    %mul3A_2026 = arith.mulf %sub3A_1983, %sub3A_1983 : vector<1x2560xf32>
    %add3A_2027 = arith.constant 1.000000e-07 : f32
    %add3A_2028 = vector.broadcast %add3A_2027 : f32 to vector<1x2560xf32>
    %add3A_2029 = arith.addf %mul3A_2026, %add3A_2028 : vector<1x2560xf32>
    %div3A_2030 = arith.divf %mul3A_2025, %add3A_2029 : vector<1x2560xf32>
    %add3A_2031 = arith.addf %add3A_2024, %div3A_2030 : vector<1x2560xf32>
    %mul3A_2032 = arith.mulf %sub3A_2019, %sub3A_2019 : vector<1x2560xf32>
    %mul3A_2033 = arith.mulf %sub3A_1986, %sub3A_1986 : vector<1x2560xf32>
    %add3A_2034 = arith.constant 1.000000e-07 : f32
    %add3A_2035 = vector.broadcast %add3A_2034 : f32 to vector<1x2560xf32>
    %add3A_2036 = arith.addf %mul3A_2033, %add3A_2035 : vector<1x2560xf32>
    %div3A_2037 = arith.divf %mul3A_2032, %add3A_2036 : vector<1x2560xf32>
    %add3A_2038 = arith.addf %add3A_2031, %div3A_2037 : vector<1x2560xf32>
    %mul3A_2039 = arith.mulf %add3A_2038, %select_n3A_1840 : vector<1x2560xf32>
    %reduce_sum3A_2040 = vector.shape_cast %mul3A_2039 : vector<1x2560xf32> to vector<1x1x2560xf32>
    %reduce_sum3A_2041 = arith.constant dense<0.000000e+00> : vector<1xf32>
    %reduce_sum3A_2042 = vector.multi_reduction <add>, %reduce_sum3A_2040, %reduce_sum3A_2041 [1, 2] : vector<1x1x2560xf32> to vector<1xf32>
    %reduce_sum3A_2043 = vector.shape_cast %reduce_sum3A_2042 : vector<1xf32> to vector<1x1x1xf32>
    %reduce_sum3A_2044 = vector.extract %reduce_sum3A_2043[0, 0, 0] : f32 from vector<1x1x1xf32>
    %add3A_2045 = arith.addf %add3A_1772, %reduce_sum3A_2044 : f32
    %reduce_sum3A_2046 = vector.shape_cast %select_n3A_1840 : vector<1x2560xf32> to vector<1x1x2560xf32>
    %reduce_sum3A_2047 = arith.constant dense<0.000000e+00> : vector<1xf32>
    %reduce_sum3A_2048 = vector.multi_reduction <add>, %reduce_sum3A_2046, %reduce_sum3A_2047 [1, 2] : vector<1x1x2560xf32> to vector<1xf32>
    %reduce_sum3A_2049 = vector.shape_cast %reduce_sum3A_2048 : vector<1xf32> to vector<1x1x1xf32>
    %reduce_sum3A_2050 = vector.extract %reduce_sum3A_2049[0, 0, 0] : f32 from vector<1x1x1xf32>
    %add3A_2051 = arith.addf %add3A_1778, %reduce_sum3A_2050 : f32
    %slice3A_2052 = vector.extract_strided_slice %iota3A_12 {offsets = [0, 17920], sizes = [1, 2560], strides = [1, 1]} : vector<1x20480xi32> to vector<1x2560xi32>
    %get3A_2053 = arith.constant 0 : index
    %get3A_2054 = arith.constant 0 : index
    %get3A_2055 = arith.constant 0 : index
    %get3A_2056 = arith.constant 17920 : index
    %get3A_2057 = vector.load %arg4[%get3A_2053, %get3A_2054, %get3A_2055, %get3A_2056] : memref<1x1x56x20480xf32, #tpu.memory_space<vmem>>, vector<1x1x56x2560xf32>
    %get3A_2058 = vector.shape_cast %get3A_2057 : vector<1x1x56x2560xf32> to vector<56x2560xf32>
    %get3A_2059 = arith.constant 0 : index
    %get3A_2060 = arith.constant 0 : index
    %get3A_2061 = arith.constant 0 : index
    %get3A_2062 = arith.constant 17920 : index
    %get3A_2063 = vector.load %arg5[%get3A_2059, %get3A_2060, %get3A_2061, %get3A_2062] : memref<1x1x56x20480xf32, #tpu.memory_space<vmem>>, vector<1x1x56x2560xf32>
    %get3A_2064 = vector.shape_cast %get3A_2063 : vector<1x1x56x2560xf32> to vector<56x2560xf32>
    %le3A_2065 = vector.broadcast %add3A_152 : vector<56x1xf32> to vector<56x2560xf32>
    %le3A_2066 = arith.cmpf ole, %get3A_2058, %le3A_2065 : vector<56x2560xf32>
    %lt3A_2067 = arith.constant 1.000000e+10 : f32
    %lt3A_2068 = vector.broadcast %lt3A_2067 : f32 to vector<56x2560xf32>
    %lt3A_2069 = arith.cmpf olt, %get3A_2058, %lt3A_2068 : vector<56x2560xf32>
    %and3A_2070 = arith.andi %le3A_2066, %lt3A_2069 : vector<56x2560xi1>
    %jit3A_2071 = arith.constant 1.000000e+00 : f32
    %jit3A_2072 = arith.constant 0.000000e+00 : f32
    %broadcast_in_dim3A_2073 = vector.broadcast %jit3A_2071 : f32 to vector<56x2560xf32>
    %broadcast_in_dim3A_2074 = vector.broadcast %jit3A_2072 : f32 to vector<56x2560xf32>
    %select_n3A_2075 = arith.select %and3A_2070, %broadcast_in_dim3A_2073, %broadcast_in_dim3A_2074 : vector<56x2560xi1>, vector<56x2560xf32>
    %reduce_sum3A_2076 = arith.constant dense<0.000000e+00> : vector<2560xf32>
    %reduce_sum3A_2077 = vector.multi_reduction <add>, %select_n3A_2075, %reduce_sum3A_2076 [0] : vector<56x2560xf32> to vector<2560xf32>
    %broadcast_in_dim3A_2078 = vector.shape_cast %reduce_sum3A_2077 : vector<2560xf32> to vector<1x2560xf32>
    %reduce_min3A_2079 = arith.constant dense<0x7F800000> : vector<2560xf32>
    %reduce_min3A_2080 = vector.multi_reduction <minimumf>, %get3A_2058, %reduce_min3A_2079 [0] : vector<56x2560xf32> to vector<2560xf32>
    %broadcast_in_dim3A_2081 = vector.shape_cast %reduce_min3A_2080 : vector<2560xf32> to vector<1x2560xf32>
    %eq3A_2082 = vector.broadcast %broadcast_in_dim3A_2081 : vector<1x2560xf32> to vector<56x2560xf32>
    %eq3A_2083 = arith.cmpf oeq, %get3A_2058, %eq3A_2082 : vector<56x2560xf32>
    %jit3A_2084 = arith.constant 1073741824 : i32
    %broadcast_in_dim3A_2085 = vector.shape_cast %iota3A : vector<56x1xi32> to vector<56x1xi32>
    %broadcast_in_dim3A_2086 = vector.broadcast %broadcast_in_dim3A_2085 : vector<56x1xi32> to vector<56x2560xi32>
    %broadcast_in_dim3A_2087 = vector.broadcast %jit3A_2084 : i32 to vector<56x2560xi32>
    %select_n3A_2088 = arith.select %eq3A_2083, %broadcast_in_dim3A_2086, %broadcast_in_dim3A_2087 : vector<56x2560xi1>, vector<56x2560xi32>
    %reduce_min3A_2089 = arith.constant dense<2147483647> : vector<2560xi32>
    %reduce_min3A_2090 = vector.multi_reduction <minsi>, %select_n3A_2088, %reduce_min3A_2089 [0] : vector<56x2560xi32> to vector<2560xi32>
    %broadcast_in_dim3A_2091 = vector.shape_cast %reduce_min3A_2090 : vector<2560xi32> to vector<1x2560xi32>
    %gt3A_2092 = arith.constant 1.500000e+00 : f32
    %gt3A_2093 = vector.broadcast %gt3A_2092 : f32 to vector<1x2560xf32>
    %gt3A_2094 = arith.cmpf ogt, %broadcast_in_dim3A_2078, %gt3A_2093 : vector<1x2560xf32>
    %eq3A_2095 = vector.broadcast %iota3A : vector<56x1xi32> to vector<56x2560xi32>
    %eq3A_2096 = vector.broadcast %broadcast_in_dim3A_2091 : vector<1x2560xi32> to vector<56x2560xi32>
    %eq3A_2097 = arith.cmpi eq, %eq3A_2095, %eq3A_2096 : vector<56x2560xi32>
    %jit3A_2098 = arith.constant 1.000000e+00 : f32
    %jit3A_2099 = arith.constant 0.000000e+00 : f32
    %broadcast_in_dim3A_2100 = vector.broadcast %jit3A_2098 : f32 to vector<56x2560xf32>
    %broadcast_in_dim3A_2101 = vector.broadcast %jit3A_2099 : f32 to vector<56x2560xf32>
    %select_n3A_2102 = arith.select %eq3A_2097, %broadcast_in_dim3A_2100, %broadcast_in_dim3A_2101 : vector<56x2560xi1>, vector<56x2560xf32>
    %broadcast_in_dim3A_2103 = vector.shape_cast %gt3A_2094 : vector<1x2560xi1> to vector<1x2560xi1>
    %broadcast_in_dim3A_2104 = vector.broadcast %broadcast_in_dim3A_2103 : vector<1x2560xi1> to vector<56x2560xi1>
    %select_n3A_2105 = arith.select %broadcast_in_dim3A_2104, %select_n3A_2102, %select_n3A_2075 : vector<56x2560xi1>, vector<56x2560xf32>
    %gt3A_2106 = arith.constant 5.000000e-01 : f32
    %gt3A_2107 = vector.broadcast %gt3A_2106 : f32 to vector<1x2560xf32>
    %gt3A_2108 = arith.cmpf ogt, %broadcast_in_dim3A_2078, %gt3A_2107 : vector<1x2560xf32>
    %jit3A_2109 = arith.constant 1.000000e+00 : f32
    %jit3A_2110 = arith.constant 0.000000e+00 : f32
    %broadcast_in_dim3A_2111 = vector.broadcast %jit3A_2109 : f32 to vector<1x2560xf32>
    %broadcast_in_dim3A_2112 = vector.broadcast %jit3A_2110 : f32 to vector<1x2560xf32>
    %select_n3A_2113 = arith.select %gt3A_2108, %broadcast_in_dim3A_2111, %broadcast_in_dim3A_2112 : vector<1x2560xi1>, vector<1x2560xf32>
    %mul3A_2114 = arith.mulf %select_n3A_2105, %get3A_2064 : vector<56x2560xf32>
    %reduce_sum3A_2115 = arith.constant dense<0.000000e+00> : vector<2560xf32>
    %reduce_sum3A_2116 = vector.multi_reduction <add>, %mul3A_2114, %reduce_sum3A_2115 [0] : vector<56x2560xf32> to vector<2560xf32>
    %broadcast_in_dim3A_2117 = vector.shape_cast %reduce_sum3A_2116 : vector<2560xf32> to vector<1x2560xf32>
    %jit3A_2118 = arith.constant 0.000000e+00 : f32
    %broadcast_in_dim3A_2119 = vector.broadcast %jit3A_2118 : f32 to vector<1x2560xf32>
    %select_n3A_2120 = arith.select %gt3A_2108, %broadcast_in_dim3A_2117, %broadcast_in_dim3A_2119 : vector<1x2560xi1>, vector<1x2560xf32>
    %mul3A_2121 = vector.broadcast %slice3A : vector<56x1xf32> to vector<56x2560xf32>
    %mul3A_2122 = arith.mulf %select_n3A_2105, %mul3A_2121 : vector<56x2560xf32>
    %reduce_sum3A_2123 = arith.constant dense<0.000000e+00> : vector<2560xf32>
    %reduce_sum3A_2124 = vector.multi_reduction <add>, %mul3A_2122, %reduce_sum3A_2123 [0] : vector<56x2560xf32> to vector<2560xf32>
    %broadcast_in_dim3A_2125 = vector.shape_cast %reduce_sum3A_2124 : vector<2560xf32> to vector<1x2560xf32>
    %mul3A_2126 = vector.broadcast %slice3A_9 : vector<56x1xf32> to vector<56x2560xf32>
    %mul3A_2127 = arith.mulf %select_n3A_2105, %mul3A_2126 : vector<56x2560xf32>
    %reduce_sum3A_2128 = arith.constant dense<0.000000e+00> : vector<2560xf32>
    %reduce_sum3A_2129 = vector.multi_reduction <add>, %mul3A_2127, %reduce_sum3A_2128 [0] : vector<56x2560xf32> to vector<2560xf32>
    %broadcast_in_dim3A_2130 = vector.shape_cast %reduce_sum3A_2129 : vector<2560xf32> to vector<1x2560xf32>
    %mul3A_2131 = vector.broadcast %slice3A_10 : vector<56x1xf32> to vector<56x2560xf32>
    %mul3A_2132 = arith.mulf %select_n3A_2105, %mul3A_2131 : vector<56x2560xf32>
    %reduce_sum3A_2133 = arith.constant dense<0.000000e+00> : vector<2560xf32>
    %reduce_sum3A_2134 = vector.multi_reduction <add>, %mul3A_2132, %reduce_sum3A_2133 [0] : vector<56x2560xf32> to vector<2560xf32>
    %broadcast_in_dim3A_2135 = vector.shape_cast %reduce_sum3A_2134 : vector<2560xf32> to vector<1x2560xf32>
    %mul3A_2136 = vector.broadcast %slice3A_11 : vector<56x1xf32> to vector<56x2560xf32>
    %mul3A_2137 = arith.mulf %select_n3A_2105, %mul3A_2136 : vector<56x2560xf32>
    %reduce_sum3A_2138 = arith.constant dense<0.000000e+00> : vector<2560xf32>
    %reduce_sum3A_2139 = vector.multi_reduction <add>, %mul3A_2137, %reduce_sum3A_2138 [0] : vector<56x2560xf32> to vector<2560xf32>
    %broadcast_in_dim3A_2140 = vector.shape_cast %reduce_sum3A_2139 : vector<2560xf32> to vector<1x2560xf32>
    %get3A_2141 = arith.constant 0 : index
    %get3A_2142 = arith.constant 0 : index
    %get3A_2143 = arith.constant 0 : index
    %get3A_2144 = vector.load %arg2[%get3A_2141, %get3A_2142, %get3A_2143] : memref<1x8x20480xf32, #tpu.memory_space<vmem>>, vector<1x8x20480xf32>
    %get3A_2145 = vector.shape_cast %get3A_2144 : vector<1x8x20480xf32> to vector<8x20480xf32>
    %slice3A_2146 = vector.extract_strided_slice %get3A_2145 {offsets = [0, 17920], sizes = [1, 2560], strides = [1, 1]} : vector<8x20480xf32> to vector<1x2560xf32>
    %lt3A_2147 = arith.constant 20000 : i32
    %lt3A_2148 = vector.broadcast %lt3A_2147 : i32 to vector<1x2560xi32>
    %lt3A_2149 = arith.cmpi slt, %slice3A_2052, %lt3A_2148 : vector<1x2560xi32>
    %abs3A_2150 = math.absf %slice3A_2146 : vector<1x2560xf32>
    %neg3A_2151 = arith.constant 0.000000e+00 : f32
    %neg3A_2152 = vector.broadcast %neg3A_2151 : f32 to vector<1x2560xf32>
    %neg3A_2153 = arith.subf %neg3A_2152, %abs3A_2150 : vector<1x2560xf32>
    %exp3A_2154 = math.exp %neg3A_2153 : vector<1x2560xf32>
    %max3A_2155 = arith.constant 0.000000e+00 : f32
    %max3A_2156 = vector.broadcast %max3A_2155 : f32 to vector<1x2560xf32>
    %max3A_2157 = arith.maximumf %slice3A_2146, %max3A_2156 : vector<1x2560xf32>
    %mul3A_2158 = arith.mulf %slice3A_2146, %select_n3A_2120 : vector<1x2560xf32>
    %sub3A_2159 = arith.subf %max3A_2157, %mul3A_2158 : vector<1x2560xf32>
    %add3A_2160 = arith.constant 1.000000e+00 : f32
    %add3A_2161 = vector.broadcast %add3A_2160 : f32 to vector<1x2560xf32>
    %add3A_2162 = arith.addf %add3A_2161, %exp3A_2154 : vector<1x2560xf32>
    %log3A_2163 = math.log %add3A_2162 : vector<1x2560xf32>
    %add3A_2164 = arith.addf %sub3A_2159, %log3A_2163 : vector<1x2560xf32>
    %ge3A_2165 = arith.constant 0.000000e+00 : f32
    %ge3A_2166 = vector.broadcast %ge3A_2165 : f32 to vector<1x2560xf32>
    %ge3A_2167 = arith.cmpf oge, %slice3A_2146, %ge3A_2166 : vector<1x2560xf32>
    %add3A_2168 = arith.constant 1.000000e+00 : f32
    %add3A_2169 = vector.broadcast %add3A_2168 : f32 to vector<1x2560xf32>
    %add3A_2170 = arith.addf %add3A_2169, %exp3A_2154 : vector<1x2560xf32>
    %div3A_2171 = arith.constant 1.000000e+00 : f32
    %div3A_2172 = vector.broadcast %div3A_2171 : f32 to vector<1x2560xf32>
    %div3A_2173 = arith.divf %div3A_2172, %add3A_2170 : vector<1x2560xf32>
    %add3A_2174 = arith.constant 1.000000e+00 : f32
    %add3A_2175 = vector.broadcast %add3A_2174 : f32 to vector<1x2560xf32>
    %add3A_2176 = arith.addf %add3A_2175, %exp3A_2154 : vector<1x2560xf32>
    %div3A_2177 = arith.divf %exp3A_2154, %add3A_2176 : vector<1x2560xf32>
    %select_n3A_2178 = arith.select %ge3A_2167, %div3A_2173, %div3A_2177 : vector<1x2560xi1>, vector<1x2560xf32>
    %mul3A_2179 = arith.mulf %select_n3A_2178, %select_n3A_2120 : vector<1x2560xf32>
    %sub3A_2180 = arith.constant 1.000000e+00 : f32
    %sub3A_2181 = vector.broadcast %sub3A_2180 : f32 to vector<1x2560xf32>
    %sub3A_2182 = arith.subf %sub3A_2181, %select_n3A_2178 : vector<1x2560xf32>
    %sub3A_2183 = arith.constant 1.000000e+00 : f32
    %sub3A_2184 = vector.broadcast %sub3A_2183 : f32 to vector<1x2560xf32>
    %sub3A_2185 = arith.subf %sub3A_2184, %select_n3A_2120 : vector<1x2560xf32>
    %mul3A_2186 = arith.mulf %sub3A_2182, %sub3A_2185 : vector<1x2560xf32>
    %add3A_2187 = arith.addf %mul3A_2179, %mul3A_2186 : vector<1x2560xf32>
    %mul3A_2188 = arith.constant 2.500000e-01 : f32
    %mul3A_2189 = vector.broadcast %mul3A_2188 : f32 to vector<1x2560xf32>
    %mul3A_2190 = arith.mulf %mul3A_2189, %select_n3A_2120 : vector<1x2560xf32>
    %sub3A_2191 = arith.constant 1.000000e+00 : f32
    %sub3A_2192 = vector.broadcast %sub3A_2191 : f32 to vector<1x2560xf32>
    %sub3A_2193 = arith.subf %sub3A_2192, %select_n3A_2120 : vector<1x2560xf32>
    %mul3A_2194 = arith.constant 7.500000e-01 : f32
    %mul3A_2195 = vector.broadcast %mul3A_2194 : f32 to vector<1x2560xf32>
    %mul3A_2196 = arith.mulf %mul3A_2195, %sub3A_2193 : vector<1x2560xf32>
    %add3A_2197 = arith.addf %mul3A_2190, %mul3A_2196 : vector<1x2560xf32>
    %sub3A_2198 = arith.constant 1.000000e+00 : f32
    %sub3A_2199 = vector.broadcast %sub3A_2198 : f32 to vector<1x2560xf32>
    %sub3A_2200 = arith.subf %sub3A_2199, %add3A_2187 : vector<1x2560xf32>
    %mul3A_2201 = arith.mulf %add3A_2197, %sub3A_2200 : vector<1x2560xf32>
    %mul3A_2202 = arith.mulf %mul3A_2201, %sub3A_2200 : vector<1x2560xf32>
    %mul3A_2203 = arith.mulf %mul3A_2202, %add3A_2164 : vector<1x2560xf32>
    %jit3A_2204 = arith.constant 0.000000e+00 : f32
    %broadcast_in_dim3A_2205 = vector.broadcast %jit3A_2204 : f32 to vector<1x2560xf32>
    %select_n3A_2206 = arith.select %lt3A_2149, %mul3A_2203, %broadcast_in_dim3A_2205 : vector<1x2560xi1>, vector<1x2560xf32>
    %reduce_sum3A_2207 = vector.shape_cast %select_n3A_2206 : vector<1x2560xf32> to vector<1x1x2560xf32>
    %reduce_sum3A_2208 = arith.constant dense<0.000000e+00> : vector<1xf32>
    %reduce_sum3A_2209 = vector.multi_reduction <add>, %reduce_sum3A_2207, %reduce_sum3A_2208 [1, 2] : vector<1x1x2560xf32> to vector<1xf32>
    %reduce_sum3A_2210 = vector.shape_cast %reduce_sum3A_2209 : vector<1xf32> to vector<1x1x1xf32>
    %reduce_sum3A_2211 = vector.extract %reduce_sum3A_2210[0, 0, 0] : f32 from vector<1x1x1xf32>
    %add3A_2212 = arith.addf %add3A_1939, %reduce_sum3A_2211 : f32
    %slice3A_2213 = vector.extract_strided_slice %get3A_3 {offsets = [1, 17920], sizes = [1, 2560], strides = [1, 1]} : vector<8x20480xf32> to vector<1x2560xf32>
    %slice3A_2214 = vector.extract_strided_slice %get3A_3 {offsets = [2, 17920], sizes = [1, 2560], strides = [1, 1]} : vector<8x20480xf32> to vector<1x2560xf32>
    %slice3A_2215 = vector.extract_strided_slice %get3A_3 {offsets = [3, 17920], sizes = [1, 2560], strides = [1, 1]} : vector<8x20480xf32> to vector<1x2560xf32>
    %slice3A_2216 = vector.extract_strided_slice %get3A_3 {offsets = [4, 17920], sizes = [1, 2560], strides = [1, 1]} : vector<8x20480xf32> to vector<1x2560xf32>
    %min3A_2217 = arith.minimumf %slice3A_2215, %broadcast_in_dim3A_2135 : vector<1x2560xf32>
    %max3A_2218 = arith.maximumf %slice3A_2213, %broadcast_in_dim3A_2125 : vector<1x2560xf32>
    %sub3A_2219 = arith.subf %min3A_2217, %max3A_2218 : vector<1x2560xf32>
    %max3A_2220 = arith.constant 0.000000e+00 : f32
    %max3A_2221 = vector.broadcast %max3A_2220 : f32 to vector<1x2560xf32>
    %max3A_2222 = arith.maximumf %sub3A_2219, %max3A_2221 : vector<1x2560xf32>
    %min3A_2223 = arith.minimumf %slice3A_2216, %broadcast_in_dim3A_2140 : vector<1x2560xf32>
    %max3A_2224 = arith.maximumf %slice3A_2214, %broadcast_in_dim3A_2130 : vector<1x2560xf32>
    %sub3A_2225 = arith.subf %min3A_2223, %max3A_2224 : vector<1x2560xf32>
    %max3A_2226 = arith.constant 0.000000e+00 : f32
    %max3A_2227 = vector.broadcast %max3A_2226 : f32 to vector<1x2560xf32>
    %max3A_2228 = arith.maximumf %sub3A_2225, %max3A_2227 : vector<1x2560xf32>
    %mul3A_2229 = arith.mulf %max3A_2222, %max3A_2228 : vector<1x2560xf32>
    %sub3A_2230 = arith.subf %slice3A_2215, %slice3A_2213 : vector<1x2560xf32>
    %max3A_2231 = arith.constant 0.000000e+00 : f32
    %max3A_2232 = vector.broadcast %max3A_2231 : f32 to vector<1x2560xf32>
    %max3A_2233 = arith.maximumf %sub3A_2230, %max3A_2232 : vector<1x2560xf32>
    %sub3A_2234 = arith.subf %slice3A_2216, %slice3A_2214 : vector<1x2560xf32>
    %max3A_2235 = arith.constant 0.000000e+00 : f32
    %max3A_2236 = vector.broadcast %max3A_2235 : f32 to vector<1x2560xf32>
    %max3A_2237 = arith.maximumf %sub3A_2234, %max3A_2236 : vector<1x2560xf32>
    %mul3A_2238 = arith.mulf %max3A_2233, %max3A_2237 : vector<1x2560xf32>
    %sub3A_2239 = arith.subf %broadcast_in_dim3A_2135, %broadcast_in_dim3A_2125 : vector<1x2560xf32>
    %max3A_2240 = arith.constant 0.000000e+00 : f32
    %max3A_2241 = vector.broadcast %max3A_2240 : f32 to vector<1x2560xf32>
    %max3A_2242 = arith.maximumf %sub3A_2239, %max3A_2241 : vector<1x2560xf32>
    %sub3A_2243 = arith.subf %broadcast_in_dim3A_2140, %broadcast_in_dim3A_2130 : vector<1x2560xf32>
    %max3A_2244 = arith.constant 0.000000e+00 : f32
    %max3A_2245 = vector.broadcast %max3A_2244 : f32 to vector<1x2560xf32>
    %max3A_2246 = arith.maximumf %sub3A_2243, %max3A_2245 : vector<1x2560xf32>
    %mul3A_2247 = arith.mulf %max3A_2242, %max3A_2246 : vector<1x2560xf32>
    %add3A_2248 = arith.addf %mul3A_2238, %mul3A_2247 : vector<1x2560xf32>
    %sub3A_2249 = arith.subf %add3A_2248, %mul3A_2229 : vector<1x2560xf32>
    %add3A_2250 = arith.constant 1.000000e-07 : f32
    %add3A_2251 = vector.broadcast %add3A_2250 : f32 to vector<1x2560xf32>
    %add3A_2252 = arith.addf %sub3A_2249, %add3A_2251 : vector<1x2560xf32>
    %div3A_2253 = arith.divf %mul3A_2229, %add3A_2252 : vector<1x2560xf32>
    %max3A_2254 = arith.maximumf %slice3A_2215, %broadcast_in_dim3A_2135 : vector<1x2560xf32>
    %min3A_2255 = arith.minimumf %slice3A_2213, %broadcast_in_dim3A_2125 : vector<1x2560xf32>
    %sub3A_2256 = arith.subf %max3A_2254, %min3A_2255 : vector<1x2560xf32>
    %max3A_2257 = arith.maximumf %slice3A_2216, %broadcast_in_dim3A_2140 : vector<1x2560xf32>
    %min3A_2258 = arith.minimumf %slice3A_2214, %broadcast_in_dim3A_2130 : vector<1x2560xf32>
    %sub3A_2259 = arith.subf %max3A_2257, %min3A_2258 : vector<1x2560xf32>
    %mul3A_2260 = arith.mulf %sub3A_2256, %sub3A_2256 : vector<1x2560xf32>
    %mul3A_2261 = arith.mulf %sub3A_2259, %sub3A_2259 : vector<1x2560xf32>
    %add3A_2262 = arith.addf %mul3A_2260, %mul3A_2261 : vector<1x2560xf32>
    %add3A_2263 = arith.constant 1.000000e-07 : f32
    %add3A_2264 = vector.broadcast %add3A_2263 : f32 to vector<1x2560xf32>
    %add3A_2265 = arith.addf %add3A_2262, %add3A_2264 : vector<1x2560xf32>
    %add3A_2266 = arith.addf %slice3A_2213, %slice3A_2215 : vector<1x2560xf32>
    %mul3A_2267 = arith.constant 5.000000e-01 : f32
    %mul3A_2268 = vector.broadcast %mul3A_2267 : f32 to vector<1x2560xf32>
    %mul3A_2269 = arith.mulf %add3A_2266, %mul3A_2268 : vector<1x2560xf32>
    %add3A_2270 = arith.addf %broadcast_in_dim3A_2125, %broadcast_in_dim3A_2135 : vector<1x2560xf32>
    %mul3A_2271 = arith.constant 5.000000e-01 : f32
    %mul3A_2272 = vector.broadcast %mul3A_2271 : f32 to vector<1x2560xf32>
    %mul3A_2273 = arith.mulf %add3A_2270, %mul3A_2272 : vector<1x2560xf32>
    %sub3A_2274 = arith.subf %mul3A_2269, %mul3A_2273 : vector<1x2560xf32>
    %add3A_2275 = arith.addf %slice3A_2214, %slice3A_2216 : vector<1x2560xf32>
    %mul3A_2276 = arith.constant 5.000000e-01 : f32
    %mul3A_2277 = vector.broadcast %mul3A_2276 : f32 to vector<1x2560xf32>
    %mul3A_2278 = arith.mulf %add3A_2275, %mul3A_2277 : vector<1x2560xf32>
    %add3A_2279 = arith.addf %broadcast_in_dim3A_2130, %broadcast_in_dim3A_2140 : vector<1x2560xf32>
    %mul3A_2280 = arith.constant 5.000000e-01 : f32
    %mul3A_2281 = vector.broadcast %mul3A_2280 : f32 to vector<1x2560xf32>
    %mul3A_2282 = arith.mulf %add3A_2279, %mul3A_2281 : vector<1x2560xf32>
    %sub3A_2283 = arith.subf %mul3A_2278, %mul3A_2282 : vector<1x2560xf32>
    %mul3A_2284 = arith.mulf %sub3A_2274, %sub3A_2274 : vector<1x2560xf32>
    %mul3A_2285 = arith.mulf %sub3A_2283, %sub3A_2283 : vector<1x2560xf32>
    %add3A_2286 = arith.addf %mul3A_2284, %mul3A_2285 : vector<1x2560xf32>
    %sub3A_2287 = arith.subf %slice3A_2215, %slice3A_2213 : vector<1x2560xf32>
    %sub3A_2288 = arith.subf %broadcast_in_dim3A_2135, %broadcast_in_dim3A_2125 : vector<1x2560xf32>
    %sub3A_2289 = arith.subf %sub3A_2287, %sub3A_2288 : vector<1x2560xf32>
    %sub3A_2290 = arith.subf %slice3A_2216, %slice3A_2214 : vector<1x2560xf32>
    %sub3A_2291 = arith.subf %broadcast_in_dim3A_2140, %broadcast_in_dim3A_2130 : vector<1x2560xf32>
    %sub3A_2292 = arith.subf %sub3A_2290, %sub3A_2291 : vector<1x2560xf32>
    %sub3A_2293 = arith.constant 1.000000e+00 : f32
    %sub3A_2294 = vector.broadcast %sub3A_2293 : f32 to vector<1x2560xf32>
    %sub3A_2295 = arith.subf %sub3A_2294, %div3A_2253 : vector<1x2560xf32>
    %div3A_2296 = arith.divf %add3A_2286, %add3A_2265 : vector<1x2560xf32>
    %add3A_2297 = arith.addf %sub3A_2295, %div3A_2296 : vector<1x2560xf32>
    %mul3A_2298 = arith.mulf %sub3A_2289, %sub3A_2289 : vector<1x2560xf32>
    %mul3A_2299 = arith.mulf %sub3A_2256, %sub3A_2256 : vector<1x2560xf32>
    %add3A_2300 = arith.constant 1.000000e-07 : f32
    %add3A_2301 = vector.broadcast %add3A_2300 : f32 to vector<1x2560xf32>
    %add3A_2302 = arith.addf %mul3A_2299, %add3A_2301 : vector<1x2560xf32>
    %div3A_2303 = arith.divf %mul3A_2298, %add3A_2302 : vector<1x2560xf32>
    %add3A_2304 = arith.addf %add3A_2297, %div3A_2303 : vector<1x2560xf32>
    %mul3A_2305 = arith.mulf %sub3A_2292, %sub3A_2292 : vector<1x2560xf32>
    %mul3A_2306 = arith.mulf %sub3A_2259, %sub3A_2259 : vector<1x2560xf32>
    %add3A_2307 = arith.constant 1.000000e-07 : f32
    %add3A_2308 = vector.broadcast %add3A_2307 : f32 to vector<1x2560xf32>
    %add3A_2309 = arith.addf %mul3A_2306, %add3A_2308 : vector<1x2560xf32>
    %div3A_2310 = arith.divf %mul3A_2305, %add3A_2309 : vector<1x2560xf32>
    %add3A_2311 = arith.addf %add3A_2304, %div3A_2310 : vector<1x2560xf32>
    %mul3A_2312 = arith.mulf %add3A_2311, %select_n3A_2113 : vector<1x2560xf32>
    %reduce_sum3A_2313 = vector.shape_cast %mul3A_2312 : vector<1x2560xf32> to vector<1x1x2560xf32>
    %reduce_sum3A_2314 = arith.constant dense<0.000000e+00> : vector<1xf32>
    %reduce_sum3A_2315 = vector.multi_reduction <add>, %reduce_sum3A_2313, %reduce_sum3A_2314 [1, 2] : vector<1x1x2560xf32> to vector<1xf32>
    %reduce_sum3A_2316 = vector.shape_cast %reduce_sum3A_2315 : vector<1xf32> to vector<1x1x1xf32>
    %reduce_sum3A_2317 = vector.extract %reduce_sum3A_2316[0, 0, 0] : f32 from vector<1x1x1xf32>
    %add3A_2318 = arith.addf %add3A_2045, %reduce_sum3A_2317 : f32
    %reduce_sum3A_2319 = vector.shape_cast %select_n3A_2113 : vector<1x2560xf32> to vector<1x1x2560xf32>
    %reduce_sum3A_2320 = arith.constant dense<0.000000e+00> : vector<1xf32>
    %reduce_sum3A_2321 = vector.multi_reduction <add>, %reduce_sum3A_2319, %reduce_sum3A_2320 [1, 2] : vector<1x1x2560xf32> to vector<1xf32>
    %reduce_sum3A_2322 = vector.shape_cast %reduce_sum3A_2321 : vector<1xf32> to vector<1x1x1xf32>
    %reduce_sum3A_2323 = vector.extract %reduce_sum3A_2322[0, 0, 0] : f32 from vector<1x1x1xf32>
    %add3A_2324 = arith.addf %add3A_2051, %reduce_sum3A_2323 : f32
    %div3A_2325 = arith.constant 2.000000e+04 : f32
    %div3A_2326 = arith.divf %add3A_2212, %div3A_2325 : f32
    %gt3A_2327 = arith.constant 0.000000e+00 : f32
    %gt3A_2328 = arith.cmpf ogt, %add3A_2324, %gt3A_2327 : f32
    %max3A_2329 = arith.constant 1.000000e+00 : f32
    %max3A_2330 = arith.maximumf %add3A_2324, %max3A_2329 : f32
    %div3A_2331 = arith.divf %add3A_2318, %max3A_2330 : f32
    %jit3A_2332 = arith.constant 0.000000e+00 : f32
    %select_n3A_2333 = arith.select %gt3A_2328, %div3A_2331, %jit3A_2332 : f32
    %mul3A_2334 = arith.constant 5.000000e+00 : f32
    %mul3A_2335 = arith.mulf %mul3A_2334, %select_n3A_2333 : f32
    %add3A_2336 = arith.addf %div3A_2326, %mul3A_2335 : f32
    %div3A_2337 = arith.constant 8.000000e+00 : f32
    %div3A_2338 = arith.divf %add3A_2336, %div3A_2337 : f32
    %eq3A_2339 = arith.constant 0 : i32
    %eq3A_2340 = arith.cmpi eq, %arg0, %eq3A_2339 : i32
    %convert_element_type3A_2341 = arith.extui %eq3A_2340 : i1 to i32
    %cond3A = arith.constant 0 : i32
    %cond3A_2342 = arith.cmpi ne, %convert_element_type3A_2341, %cond3A : i32
    scf.if %cond3A_2342 {
      %broadcast_in_dim3A_2353 = arith.constant 0.000000e+00 : f32
      %broadcast_in_dim3A_2354 = vector.broadcast %broadcast_in_dim3A_2353 : f32 to vector<8x128xf32>
      %swap3A_2355 = arith.constant 0 : index
      %swap3A_2356 = arith.constant 0 : index
      %swap3A_2357 = vector.load %arg7[%swap3A_2355, %swap3A_2356] : memref<8x128xf32, #tpu.memory_space<vmem>>, vector<8x128xf32>
      tpu.vector_store %arg7[%swap3A_2355, %swap3A_2356], %broadcast_in_dim3A_2354 {strides = array<i32>} : memref<8x128xf32, #tpu.memory_space<vmem>>, vector<8x128xf32>,
    } else {
    }
    %get3A_2343 = arith.constant 0 : index
    %get3A_2344 = arith.constant 0 : index
    %get3A_2345 = vector.load %arg7[%get3A_2343, %get3A_2344] : memref<8x128xf32, #tpu.memory_space<vmem>>, vector<8x128xf32>
    %broadcast_in_dim3A_2346 = arith.constant 1.000000e+00 : f32
    %broadcast_in_dim3A_2347 = vector.broadcast %broadcast_in_dim3A_2346 : f32 to vector<8x128xf32>
    %mul3A_2348 = vector.broadcast %div3A_2338 : f32 to vector<8x128xf32>
    %mul3A_2349 = arith.mulf %mul3A_2348, %broadcast_in_dim3A_2347 : vector<8x128xf32>
    %add3A_2350 = arith.addf %get3A_2345, %mul3A_2349 : vector<8x128xf32>
    %swap3A = arith.constant 0 : index
    %swap3A_2351 = arith.constant 0 : index
    %swap3A_2352 = vector.load %arg7[%swap3A, %swap3A_2351] : memref<8x128xf32, #tpu.memory_space<vmem>>, vector<8x128xf32>
    tpu.vector_store %arg7[%swap3A, %swap3A_2351], %add3A_2350 {strides = array<i32>} : memref<8x128xf32, #tpu.memory_space<vmem>>, vector<8x128xf32>,
    return
  }
  func.func @transform_0(%arg0: i32) -> (i32, i32, i32) {
    %c0_i32 = arith.constant 0 : i32
    %c0_i32_0 = arith.constant 0 : i32
    %c0_i32_1 = arith.constant 0 : i32
    return %arg0, %c0_i32, %c0_i32_0 : i32, i32, i32
  }
  func.func @transform_1(%arg0: i32) -> (i32, i32, i32) {
    %c0_i32 = arith.constant 0 : i32
    %c0_i32_0 = arith.constant 0 : i32
    %c0_i32_1 = arith.constant 0 : i32
    return %arg0, %c0_i32, %c0_i32_0 : i32, i32, i32
  }
  func.func @transform_2(%arg0: i32) -> (i32, i32, i32) {
    %c0_i32 = arith.constant 0 : i32
    %c0_i32_0 = arith.constant 0 : i32
    %c0_i32_1 = arith.constant 0 : i32
    return %arg0, %c0_i32, %c0_i32_0 : i32, i32, i32
  }
  func.func @transform_3(%arg0: i32) -> (i32, i32, i32, i32) {
    %c0_i32 = arith.constant 0 : i32
    %c0_i32_0 = arith.constant 0 : i32
    %c0_i32_1 = arith.constant 0 : i32
    %c0_i32_2 = arith.constant 0 : i32
    return %arg0, %c0_i32, %c0_i32_0, %c0_i32_1 : i32, i32, i32, i32
  }
  func.func @transform_4(%arg0: i32) -> (i32, i32, i32, i32) {
    %c1_i32 = arith.constant 1 : i32
    %c0_i32 = arith.constant 0 : i32
    %c0_i32_0 = arith.constant 0 : i32
    %c0_i32_1 = arith.constant 0 : i32
    return %arg0, %c1_i32, %c0_i32, %c0_i32_0 : i32, i32, i32, i32
  }
  func.func @transform_5(%arg0: i32) -> (i32, i32, i32, i32) {
    %c0_i32 = arith.constant 0 : i32
    %c0_i32_0 = arith.constant 0 : i32
    %c0_i32_1 = arith.constant 0 : i32
    %c0_i32_2 = arith.constant 0 : i32
    return %arg0, %c0_i32, %c0_i32_0, %c0_i32_1 : i32, i32, i32, i32
  }
  func.func @transform_6(%arg0: i32) -> (i32, i32) {
    %c0_i32 = arith.constant 0 : i32
    %c0_i32_0 = arith.constant 0 : i32
    %c0_i32_1 = arith.constant 0 : i32
    return %c0_i32, %c0_i32_0 : i32, i32
  }
}

</mosaic_0001>

<sc_bundles>
// kernel: kernel.5.cloned.1.call-start
scs
__scs_entry_jumppad:
0x0: {  	(pc) =	sbr.rel $0x88, $3  }
0x1: {  	(tag) =	ssettag $0x0;
	lr =	simm.s32 $0x1  }
0x2: {  	[smem:$0x3F9D] =	sst lr;
	_ =	strace $0xD0000000  }
0x3: {  	_ = 	snop  }
0x4: {  	_ = 	snop  }
0x5: {  	_ = 	snop  }
0x6: {  	_ = 	snop  }
0x7: {  	_ = 	snop  }
__scs_overlays_trampoline_lowered:
0x8: {  	[smem:$0x3FAC] =	sst s0  }
0x9: {  	[smem:$0x3FAD] =	sst s1  }
0xa: {  	[smem:$0x3FAE] =	sst s2  }
0xb: {  	[smem:$0x3FAF] =	sst s3  }
0xc: {  	[smem:$0x3FB0] =	sst s4  }
0xd: {  	[smem:$0x3FB1] =	sst s5  }
0xe: {  	[smem:$0x3FB2] =	sst s6  }
0xf: {  	[smem:$0x3FB3] =	sst s7  }
0x10: {  	[smem:$0x3FB4] =	sst s8  }
0x11: {  	[smem:$0x3FB5] =	sst s9;
	s0 =	simm.s32 @!p0 $0x0  }
0x12: {  	s1 =	sld [smem:$0x3F9B];
	s0 =	simm.s32 @p0 $0x1  }
0x13: {  	[smem:$0x3FB6] =	sst s0;
	s0 =	simm.s32 @!p1 $0x0  }
0x14: {  	s2 =	sld [smem:$0x3F9A];
	s0 =	simm.s32 @p1 $0x1  }
0x15: {  	[smem:$0x3FB7] =	sst s0;
	s0 =	simm.s32 @!p2 $0x0  }
0x16: {  	s3 =	sld [smem:$0x3FDB];
	s0 =	simm.s32 @p2 $0x1  }
0x17: {  	s4 =	simm.s32 $0x1BF5;
	[smem:$0x3FB9] =	sst s0  }
0x18: {  	s0 =	sld [smem:$0x3F9C];
	_ =	swait.ge [sflag:s4], $0x0  }
0x19: {  	s7 =	sld [smem:$0x3F9D]  }
0x1a: {  	s8 =	sadd.s32 $0xFFFFE003, lr  }
0x1b: {  	s9 =	sadd.s32 $0xFFFFFEF7, lr;
	s5 =	simm.s32 $0xFFFFFFFF;
	p2 =	slt.u32 s8, $0xFFFFF086  }
0x1c: {  	p1 =	slt.u32 s9, $0xF7A;
	s5 =	simm.s32 @!p2 $0x0  }
0x1d: {  	s5 =	simm.s32 @p1 $0x1;
	p0 =	seq.s32 s7, s2  }
0x1e: {  	s7 =	smul.u32 @!p0 $0xF7A, s2;
	p2 =	seq.s32 @!p0 s5, $0x0  }
0x1f: {  	s9 =	smul.u32 $0xF7A, s1;
	s8 =	simm.s32 @!p0 $0x1BF5;
	p2 =	por !p2, p0  }
0x20: {  	[sflag:s8] =	ssyncset.s32 @!p0 $0xFFFFF086;
	s6 =	sadd.s32 @!p0 s3, s7;
	s7 =	simm.s32 @!p0 $0x108  }
0x21: {  	s3 =	sadd.s32 s3, s9;
	s6 =	sadd.s32 @!p0 $0x88, s6;
	s7 =	simm.s32 @p2 $0x1082  }
0x22: {  	[simem:s7], [sflag:s8] =	dma.local @!p0 [hbm:s6], $0xF7A  }
0x23: {  	s9 =	sor.u32 $0xD0000000, s2;
	s6 =	simm.s32 $0x108;
	_ =	swait.ge @!p0 [sflag:s8], $0x0  }
0x24: {  	s3 =	sadd.s32 $0x88, s3;
	s6 =	simm.s32 @!p1 $0x1082;
	[sflag:s4] =	ssyncset.s32 $0xFFFFF086  }
0x25: {  	[simem:s6], [sflag:s4] =	dma.local [hbm:s3], $0xF7A  }
0x26: {  	[smem:$0x3F9D] =	sst s1;
	(tag) =	ssettag s2;
	_ =	strace s9  }
0x27: {  	s1 =	sld [smem:$0x3FAD]  }
0x28: {  	s2 =	sld [smem:$0x3FAE]  }
0x29: {  	s4 =	sld [smem:$0x3FB0]  }
0x2a: {  	p0 =	seq.s32 s5, $0x0;
	s5 =	sld [smem:$0x3FB1]  }
0x2b: {  	s6 =	sld [smem:$0x3FB2]  }
0x2c: {  	s7 =	sld [smem:$0x3FB3]  }
0x2d: {  	s3 =	simm.s32 $0x108;
	s8 =	sld [smem:$0x3FB4]  }
0x2e: {  	s3 =	simm.s32 @!p0 $0x1082;
	s9 =	sld [smem:$0x3FB5]  }
0x2f: {  	lr =	sadd.s32 s0, s3;
	s0 =	sld [smem:$0x3FAC]  }
0x30: {  	s3 =	sld [smem:$0x3FAF]  }
0x31: {  	[smem:$0x3FB8] =	sst s10  }
0x32: {  	s10 =	sld [smem:$0x3FB6];
	_ =	sdelay $0x3  }
0x33: {  	p0 =	seq.s32 s10, $0x1;
	s10 =	sld [smem:$0x3FB8];
	_ =	sdelay $0x3  }
0x34: {  	[smem:$0x3FB8] =	sst s10  }
0x35: {  	s10 =	sld [smem:$0x3FB7];
	_ =	sdelay $0x3  }
0x36: {  	p1 =	seq.s32 s10, $0x1;
	s10 =	sld [smem:$0x3FB8];
	_ =	sdelay $0x3  }
0x37: {  	[smem:$0x3FB8] =	sst s10  }
0x38: {  	s10 =	sld [smem:$0x3FB9]  }
0x39: {  	_ = 	snop;
	(pc) =	sbr.ind lr, $3  }
0x3a: {  	_ = 	snop  }
0x3b: {  	_ = 	snop  }
0x3c: {  	p2 =	seq.s32 s10, $0x1;
	s10 =	sld [smem:$0x3FB8]  }
0x3d: {  	_ =	shalt  }
0x3e: {  	_ =	shalt  }
0x3f: {  	_ =	shalt  }
0x40: {  	_ =	shalt  }
0x41: {  	_ =	shalt  }
0x42: {  	_ =	shalt  }
0x43: {  	_ =	shalt  }
0x44: {  	_ =	shalt  }
0x45: {  	_ =	shalt  }
0x46: {  	_ =	shalt  }
0x47: {  	_ =	shalt  }
0x48: {  	_ =	shalt  }
0x49: {  	_ =	shalt  }
0x4a: {  	_ =	shalt  }
0x4b: {  	_ =	shalt  }
0x4c: {  	_ =	shalt  }
0x4d: {  	_ =	shalt  }
0x4e: {  	_ =	shalt  }
0x4f: {  	_ =	shalt  }
0x50: {  	_ =	shalt  }
0x51: {  	_ =	shalt  }
0x52: {  	_ =	shalt  }
0x53: {  	_ =	shalt  }
0x54: {  	_ =	shalt  }
0x55: {  	_ =	shalt  }
0x56: {  	_ =	shalt  }
0x57: {  	_ =	shalt  }
0x58: {  	_ =	shalt  }
0x59: {  	_ =	shalt  }
0x5a: {  	_ =	shalt  }
0x5b: {  	_ =	shalt  }
0x5c: {  	_ =	shalt  }
0x5d: {  	_ =	shalt  }
0x5e: {  	_ =	shalt  }
0x5f: {  	_ =	shalt  }
0x60: {  	_ =	shalt  }
0x61: {  	_ =	shalt  }
0x62: {  	_ =	shalt  }
0x63: {  	_ =	shalt  }
0x64: {  	_ =	shalt  }
0x65: {  	_ =	shalt  }
0x66: {  	_ =	shalt  }
0x67: {  	_ =	shalt  }
0x68: {  	_ =	shalt  }
0x69: {  	_ =	shalt  }
0x6a: {  	_ =	shalt  }
0x6b: {  	_ =	shalt  }
0x6c: {  	_ =	shalt  }
0x6d: {  	_ =	shalt  }
0x6e: {  	_ =	shalt  }
0x6f: {  	_ =	shalt  }
0x70: {  	_ =	shalt  }
0x71: {  	_ =	shalt  }
0x72: {  	_ =	shalt  }
0x73: {  	_ =	shalt  }
0x74: {  	_ =	shalt  }
0x75: {  	_ =	shalt  }
0x76: {  	_ =	shalt  }
0x77: {  	_ =	shalt  }
0x78: {  	_ =	shalt  }
0x79: {  	_ =	shalt  }
0x7a: {  	_ =	shalt  }
0x7b: {  	_ =	shalt  }
0x7c: {  	_ =	shalt  }
0x7d: {  	_ =	shalt  }
0x7e: {  	_ =	shalt  }
0x7f: {  	_ =	shalt  }
0x80: {  	_ =	shalt  }
0x81: {  	_ =	shalt  }
0x82: {  	_ =	shalt  }
0x83: {  	_ =	shalt  }
0x84: {  	_ =	shalt  }
0x85: {  	_ =	shalt  }
0x86: {  	_ =	shalt  }
0x87: {  	_ =	shalt  }
.Lfunc_end0:
.L_simem_size_0:
called_computation_lowered:
.L_overlay_start_0:
0x88: {  	s2 =	sld [smem:$0x3FD9]  }
0x89: {  	s3 =	sld [smem:$0x3FFE];
	_ =	sdelay $0x1  }
0x8a: {  	s1 =	srdreg.scid  }
0x8b: {  	s0 =	sand.u32 $0x1, s1  }
0x8c: {  	s16 =	sshll.u32 s0, $0xA;
	s2 =	sadd.s32 s3, s2  }
0x8d: {  	s2 =	sadd.s32 s2, s16  }
0x8e: {  	[smem:$0x3FC4] =	sst s2  }
0x8f: {  	_ = 	snop  }
0x90: {  	(tm) =	ssettm $0x1  }
0x91: {  	s17 =	sld [smem:$0x3FFB];
	_ =	sdelay $0x3  }
0x92: {  	_ =	strace s17  }
0x93: {  	s2 =	sld [smem:$0x3FFC];
	_ =	sdelay $0x3  }
0x94: {  	_ =	strace s2  }
0x95: {  	s2 =	sld [smem:$0x3FFD];
	_ =	sdelay $0x3  }
0x96: {  	_ =	strace s2  }
0x97: {  	_ =	strace $0x8FFFFFFF  }
0x98: {  	s18 =	sld [smem:$0x3FDB];
	_ =	sdelay $0x1  }
0x99: {  	s19 =	simm.s32 $_scs_section_size  }
0x9a: {  	s4 =	simm.s32 $_size__tile_overlayer_lowered;
	s5 =	simm.s32 $_tile_overlayer_lowered  }
0x9b: {  	s22 =	simm.s32 $0x1BFF;
	s21 =	sshll.u32 s5, $0x1;
	s2 =	sadd.s32 s19, s18  }
0x9c: {  	s6 =	simm.s32 $0x0;
	s20 =	sshll.u32 s4, $0x1;
	s4 =	sadd.s32 s21, s2  }
0x9d: {  	[timem:s6], [sflag:s22] =	dma.local [hbm:s4], s20  }
0x9e: {  	_ =	swait.ge [sflag:s22], s20  }
0x9f: {  	s3 =	ssub.s32 $0x0, s20;
	[sflag:s22] =	ssyncset.done $0x0  }
0xa0: {  	[sflag:s22] =	ssyncadd.s32 s3;
	_ =	sdelay $0x1  }
0xa1: {  	s23 =	simm.s32 $0x1B8B  }
0xa2: {  	_ =	swait.ge [sflag:s23], $0x1  }
0xa3: {  	[sflag:s23] =	ssyncset.done $0x0  }
0xa4: {  	s25 =	simm.s32 $0x1B8E;
	s24 =	sld [smem:$0x3FFE];
	[sflag:s23] =	ssyncadd.s32 $0xFFFFFFFF  }
0xa5: {  	s26 =	simm.s32 $execute0_lowered;
	[smem:$0x3FD2] =	sst s25  }
0xa6: {  	s4 =	sshll.u32 s26, $0x1;
	_ =	strace $0x80000046;
	[dreg:$0x1] =	wrdreg $0xFFFFFFFF  }
0xa7: {  	s28 =	simm.s32 $_size_execute0_lowered;
	s2 =	sadd.s32 s2, s4;
	[dreg:$0x0] =	wrdreg $0x0  }
0xa8: {  	s4 =	sshll.u32 s28, $0x1;
	[dreg:$0x2] =	wrdreg s2  }
0xa9: {  	[dreg:$0x3] =	wrdreg s4  }
0xaa: {  	[dreg:$0x4] =	wrdreg $0xC0  }
0xab: {  	_ =	task [dreg:s6], $0x5FFFF  }
0xac: {  	[dreg:$0x1] =	wrdreg $0xFFFFFFFF  }
0xad: {  	[dreg:$0x0] =	wrdreg $0x60  }
0xae: {  	[dreg:$0x2] =	wrdreg s24  }
0xaf: {  	[dreg:$0x3] =	wrdreg $0x9  }
0xb0: {  	_ =	task.clear_ibuf [dreg:s6], $0x4FFFF;
	_ =	strace $0x90000046  }
0xb1: {  	s29 =	simm.s32 $0x9;
	_ =	strace $0x80000048  }
0xb2: {  	_ =	swait.ge [sflag:s29], $0x1  }
0xb3: {  	[sflag:s29] =	ssyncadd.s32 $0xFFFFFFFF  }
0xb4: {  	_ =	strace $0x90000048  }
0xb5: {  	_ =	sfence  }
0xb6: {  	s30 =	sld [smem:$0x0];
	_ =	sdelay $0x2  }
0xb7: {  	s31 =	sshll.u32 s1, $0xD;
	s1 =	sshrl.u32 s1, $0x2  }
0xb8: {  	s3 =	sand.u32 $0x4000, s31;
	s1 =	sadd.s32 s1, s30  }
0xb9: {  	s0 =	sor.u32 s3, s0;
	s1 =	sshll.u32 s1, $0x11  }
0xba: {  	s0 =	sor.u32 s1, s0  }
0xbb: {  	s0 =	sadd.s32 $0x8F2B, s0  }
0xbc: {  	[sflag:s0] =	ssyncadd.remote.s32 $0x1  }
0xbd: {  	_ =	sfence.sel $0xFFFF  }
0xbe: {  	[dreg:$0x0] =	wrdreg $0xFFFFFFFF;
	(pc) =	sbr.abs _section_cstart, $3  }
0xbf: {  	[dreg:$0x1] =	wrdreg $0xFFFFFFFF  }
0xc0: {  	_ =	task.clear_ibuf [dreg:s6], $0x2FFFF;
	_ =	strace $0x9FFFFFFF  }
0xc1: {  	(tm) =	ssettm $0x7FFFFFFF  }
tec
execute0_lowered:
.L_overlay_start_1:
0x0: {  	(tag) =	ssettag $0x1  }
0x1: {  	s4 =	rddreg [dreg:$0x0]  }
0x2: {  	s0 =	rddreg [dreg:$0x1]  }
0x3: {  	s2 =	simm.s32 $0x0;
	s3 =	srdreg.scid;
	s1 =	stileid.u32  }
0x4: {  	s9 =	simm.s32 $0x1;
	s10 =	simm.s32 $0x5000;
	s11 =	simm.s32 $0x0  }
.Ltmp0:
0x5: {  	[smem:$0x7FF] =	sst s2;
	s5 =	sand.u32 $0x1, s3;
	(pc) =	sbr.rel .LBB2_1-.Ltmp0, $4  }
0x6: {  	v0 =	vlaneseq.u32;
	s7 =	sshll.u32 s1, $0x1;
	s3 =	sadd.s32 $0xA00, s4;
	s6 =	ssub.s32 $0x2, s5  }
0x7: {  	s4 =	sadd.s32 $0x230A00, s4;
	v2 =	vmul.u32 $0xFFFFFFFF, v0;
	_ =	strace $0x80000047;
	s8 =	sshrl.u32 s6, $0x1  }
0x8: {  	s5 =	sor.u32 s5, s7;
	s7 =	simm.s32 $0x80;
	s6 =	ssub.s32 s6, s8  }
0x9: {  	v1 =	vimm.s32 $0x6;
	v0 =	vimm.f32 $0.0e+00;
	s5 =	smul.u32 $0x19, s5;
	v2 =	vadd.s32 $0xF, v2;
	s8 =	simm.s32 $0x400;
	s6 =	smax.u32 s6, $0x1  }
.LBB2_7:
0xa: {  	s11 =	sadd.s32 $0x1, s11  }
0xb: {  	p0 =	sne.s32 s11, s6  }
.Ltmp1:
0xc: {  	_ = 	snop;
	(pc) =	sbr.rel @!p0 .LBB2_8-.Ltmp1, $1  }
0xd: {  	_ =	sdelay $0x3  }
.LBB2_1:
.Ltmp2:
0xe: {  	(pc) =	sbr.rel .LBB2_2-.Ltmp2, $2  }
0xf: {  	_ =	sdelay $0x2  }
0x10: {  	s12 =	simm.s32 $0x0  }
.LBB2_6:
0x11: {  	s13 =	smul.u32 $0x3800, s13;
	s16 =	simm.s32 $0x1C00  }
0x12: {  	s16 =	simm.s32 @!p0 $0x0  }
0x13: {  	v4 =	vperm.xlane v9, v2;
	s14 =	sshll.u32 s14, $0xA;
	s13 =	sadd.s32 s13, s16  }
0x14: {  	s13 =	sadd.s32 s14, s13  }
0x15: {  	s12 =	sadd.s32 $0x1, s12;
	v3 =	vmul.f32 v4, v3;
	s13 =	sor.u32 s15, s13  }
0x16: {  	p0 =	sne.s32 s12, $0x19;
	s13 =	sshrl.u32 s13, $0x3  }
.Ltmp3:
0x17: {  	[tilespmem:$0x5000] =	vst v3;
	s13 =	sadd.s32 s4, s13;
	(pc) =	sbr.rel @!p0 .LBB2_7-.Ltmp3, $4  }
0x18: {  	[hbm4b:s13+s2] =	stream.linear.scatter [tilespmem:s10], [sflag:$0x1], $0x80, $0x38;
	[tilespmem:$0x5080] =	vst v63  }
0x19: {  	_ =	swait.ge [sflag:s9], $0x80  }
0x1a: {  	[sflag:s9] =	ssyncset.done $0x0  }
0x1b: {  	[sflag:s9] =	ssyncadd.s32 $0xFFFFFF80  }
.LBB2_2:
0x1c: {  	s14 =	sadd.s32 s5, s12  }
0x1d: {  	s13 =	smulhi.u32 $0x51EB851F, s14;
	_ =	sdelay $0x1  }
0x1e: {  	s13 =	sshrl.u32 s13, $0x5  }
0x1f: {  	s15 =	smul.u32 $0x64, s13;
	_ =	sdelay $0x1  }
0x20: {  	s17 =	ssub.s32 s14, s15  }
0x21: {  	s14 =	sadd.s32 $0xFFFFFFCE, s17  }
0x22: {  	s18 =	simm.s32 $0x118000;
	s15 =	smin.u32 s17, s14  }
0x23: {  	s16 =	smul.u32 $0x230000, s13;
	p0 =	sgt.u32 s17, $0x31;
	s14 =	sshrl.u32 s15, $0x3  }
0x24: {  	s18 =	simm.s32 @!p0 $0x0;
	s19 =	smul.u32 $0x28000, s14  }
0x25: {  	s16 =	sadd.s32 s16, s18;
	s15 =	sshll.u32 s15, $0x7  }
0x26: {  	s15 =	sand.u32 $0x380, s15;
	s16 =	sadd.s32 s19, s16  }
0x27: {  	s16 =	sor.u32 s15, s16  }
0x28: {  	s16 =	sshrl.u32 s16, $0x3  }
.Ltmp4:
0x29: {  	s31 =	sadd.s32 s3, s16;
	s16 =	simm.s32 $0x0;
	(pc) =	sbr.rel .LBB2_3-.Ltmp4, $4  }
0x2a: {  	[tilespmem:s16], [sflag:$0x1] =	stream.strided.gather [hbm4b:s31+s7], $0x5000, s8, s7, $0x38;
	[tilespmem:$0x5080] =	vst v63  }
0x2b: {  	p1 =	slt.u32 s17, $0x32;
	s17 =	simm.f32 $-1.000000000e+00;
	_ =	swait.ge [sflag:s9], $0x5000  }
0x2c: {  	s17 =	simm.s32 @!p1 $0x3F800000;
	[sflag:s9] =	ssyncset.done $0x0  }
0x2d: {  	v4 =	vimm.f32 $-3.399999950e+38;
	v9 =	vimm.f32 $-3.399999950e+38;
	v3 =	vmov s17;
	[sflag:s9] =	ssyncadd.s32 $0xFFFFB000  }
.LBB2_5:
0x2e: {  	s16 =	sadd.s32 $0x200, s16  }
0x2f: {  	p1 =	sne.s32 s16, $0x14000  }
.Ltmp5:
0x30: {  	_ = 	snop;
	(pc) =	sbr.rel @!p1 .LBB2_6-.Ltmp5, $1  }
0x31: {  	_ =	sdelay $0x3  }
.LBB2_3:
0x32: {  	s17 =	sshra.s32 s16, $0x2  }
0x33: {  	v5 =	vld [tilespmem:s17+$0x0]  }
0x34: {  	v6 =	vld [tilespmem:s17+$0x10]  }
0x35: {  	v7 =	vld [tilespmem:s17+$0x20]  }
0x36: {  	v8 =	vld [tilespmem:s17+$0x30]  }
0x37: {  	v14 =	vld [tilespmem:s17+$0x40]  }
0x38: {  	v15 =	vld [tilespmem:s17+$0x50]  }
0x39: {  	v13 =	vmul.f32 v5, v3;
	v12 =	vmul.f32 v6, v3;
	v5 =	vld [tilespmem:s17+$0x60]  }
0x3a: {  	v16 =	vld [tilespmem:s17+$0x70];
	v11 =	vmul.f32 v7, v3  }
0x3b: {  	v10 =	vmul.f32 v8, v3;
	v6 =	vmax.f32 v13, v12  }
0x3c: {  	v8 =	vmul.f32 v14, v3;
	v6 =	vmax.f32 v6, v11  }
0x3d: {  	v7 =	vmul.f32 v15, v3;
	v14 =	vmax.f32 v6, v10  }
0x3e: {  	v6 =	vmul.f32 v5, v3;
	v14 =	vmax.f32 v14, v8  }
0x3f: {  	v5 =	vmul.f32 v16, v3;
	v14 =	vmax.f32 v14, v7  }
0x40: {  	v14 =	vmax.f32 v14, v6  }
0x41: {  	v14 =	vmax.f32 v14, v5  }
0x42: {  	vm0 =	vgt.f32 v14, v4  }
0x43: {  	v14 =	vsel vm0, $0x3F800000, v0  }
0x44: {  	(xrf0) =	vmax.scan.msk.f32 $0xffff, v14;
	_ =	sdelay $0x5  }
0x45: {  	v14, _, _ =	vpop (xrf0)  }
0x46: {  	(v2sf) =	vpush v14, $0xF;
	_ =	sdelay $0xe  }
0x47: {  	s31 =	spop (v2sf)  }
0x48: {  	p1 =	sgt.f32 s31, $0.0e+00  }
.Ltmp6:
0x49: {  	_ = 	snop;
	(pc) =	sbr.rel @!p1 .LBB2_5-.Ltmp6, $1  }
0x4a: {  	_ =	sdelay $0x3  }
0x4b: {  	_ = 	snop  }
0x4c: {  	vm0 =	vgt.f32 v13, v4  }
0x4d: {  	v14 =	vsel vm0, $0x3F800000, v0  }
0x4e: {  	(xrf0) =	vmax.scan.msk.f32 $0xffff, v14;
	_ =	sdelay $0x5  }
0x4f: {  	v14, _, _ =	vpop (xrf0)  }
0x50: {  	(v2sf) =	vpush v14, $0xF;
	_ =	sdelay $0x9  }
0x51: {  	vm9 =	vgt.f32 v12, v4  }
0x52: {  	v58 =	vsel vm9, $0x3F800000, v0  }
0x53: {  	(xrf0) =	vmax.scan.msk.f32 $0xffff, v58;
	_ =	sdelay $0x2  }
0x54: {  	s17 =	spop (v2sf)  }
0x55: {  	p2 =	sgt.f32 s17, $0.0e+00;
	_ =	sdelay $0x1  }
0x56: {  	v59, _, _ =	vpop (xrf0);
	(xrf1) =	vsort.ascd.msk.f32 @p2 $0xffff, v13, v13  }
0x57: {  	(v2sf) =	vpush v59, $0xF;
	_ =	sdelay $0x9  }
0x58: {  	vm10 =	vgt.f32 v11, v4;
	v13 =	vlaneseq.u32 @p2  }
0x59: {  	v60 =	vsel vm10, $0x3F800000, v0;
	v13 =	vmul.u32 @p2 $0xFFFFFFFF, v13  }
0x5a: {  	(xrf0) =	vmax.scan.msk.f32 $0xffff, v60  }
0x5b: {  	v13 =	vadd.s32 @p2 $0xF, v13;
	v14, _, _ =	vpop @p2 (xrf1)  }
0x5c: {  	v13 =	vperm.xlane @p2 v14, v13  }
0x5d: {  	s24 =	spop (v2sf)  }
0x5e: {  	p1 =	sgt.f32 s24, $0.0e+00;
	v13 =	vmax.f32 @p2 v9, v13  }
0x5f: {  	(xrf1) =	vsort.ascd.msk.f32 @p2 $0xffff, v13, v13  }
0x60: {  	v61, _, _ =	vpop (xrf0);
	(xrf1) =	vsort.ascd.msk.f32 @p1 $0xffff, v12, v12  }
0x61: {  	(v2sf) =	vpush v61, $0xF;
	_ =	sdelay $0x9  }
0x62: {  	vm11 =	vgt.f32 v10, v4;
	v12 =	vlaneseq.u32 @p1  }
0x63: {  	v62 =	vsel vm11, $0x3F800000, v0;
	v12 =	vmul.u32 @p1 $0xFFFFFFFF, v12  }
0x64: {  	(xrf0) =	vmax.scan.msk.f32 $0xffff, v62;
	v14, _, _ =	vpop @p2 (xrf1)  }
0x65: {  	v12 =	vadd.s32 @p1 $0xF, v12;
	v13, _, _ =	vpop @p1 (xrf1)  }
0x66: {  	v12 =	vperm.xlane @p1 v13, v12  }
0x67: {  	s25 =	spop (v2sf);
	v9 =	vpsel p2, v14, v9  }
0x68: {  	p2 =	sgt.f32 s25, $0.0e+00;
	v12 =	vmax.f32 @p1 v9, v12  }
0x69: {  	(xrf1) =	vsort.ascd.msk.f32 @p1 $0xffff, v12, v12  }
0x6a: {  	(xrf1) =	vsort.ascd.msk.f32 @p2 $0xffff, v11, v11;
	v11, _, _ =	vpop (xrf0)  }
0x6b: {  	(v2sf) =	vpush v11, $0xF;
	_ =	sdelay $0x9  }
0x6c: {  	vm12 =	vgt.f32 v8, v4;
	v11 =	vlaneseq.u32 @p2  }
0x6d: {  	v63 =	vsel vm12, $0x3F800000, v0;
	v11 =	vmul.u32 @p2 $0xFFFFFFFF, v11  }
0x6e: {  	(xrf0) =	vmax.scan.msk.f32 $0xffff, v63;
	v13, _, _ =	vpop @p1 (xrf1)  }
0x6f: {  	v11 =	vadd.s32 @p2 $0xF, v11;
	v12, _, _ =	vpop @p2 (xrf1)  }
0x70: {  	v11 =	vperm.xlane @p2 v12, v11  }
0x71: {  	v9 =	vpsel p1, v13, v9;
	s26 =	spop (v2sf)  }
0x72: {  	v11 =	vmax.f32 @p2 v9, v11;
	p1 =	sgt.f32 s26, $0.0e+00  }
0x73: {  	(xrf1) =	vsort.ascd.msk.f32 @p2 $0xffff, v11, v11  }
0x74: {  	(xrf1) =	vsort.ascd.msk.f32 @p1 $0xffff, v10, v10;
	v10, _, _ =	vpop (xrf0)  }
0x75: {  	(v2sf) =	vpush v10, $0xF;
	_ =	sdelay $0x8  }
0x76: {  	vm13 =	vgt.f32 v7, v4  }
0x77: {  	v11 =	vsel vm13, $0x3F800000, v0;
	v10 =	vlaneseq.u32 @p1  }
0x78: {  	v10 =	vmul.u32 @p1 $0xFFFFFFFF, v10  }
0x79: {  	(xrf0) =	vmax.scan.msk.f32 $0xffff, v11;
	v12, _, _ =	vpop @p2 (xrf1)  }
0x7a: {  	v10 =	vadd.s32 @p1 $0xF, v10;
	v11, _, _ =	vpop @p1 (xrf1)  }
0x7b: {  	v10 =	vperm.xlane @p1 v11, v10  }
0x7c: {  	v9 =	vpsel p2, v12, v9;
	s28 =	spop (v2sf)  }
0x7d: {  	v10 =	vmax.f32 @p1 v9, v10;
	p2 =	sgt.f32 s28, $0.0e+00  }
0x7e: {  	(xrf1) =	vsort.ascd.msk.f32 @p1 $0xffff, v10, v10  }
0x7f: {  	(xrf1) =	vsort.ascd.msk.f32 @p2 $0xffff, v8, v8;
	v8, _, _ =	vpop (xrf0)  }
0x80: {  	(v2sf) =	vpush v8, $0xF;
	_ =	sdelay $0x8  }
0x81: {  	vm14 =	vgt.f32 v6, v4  }
0x82: {  	v10 =	vsel vm14, $0x3F800000, v0;
	v8 =	vlaneseq.u32 @p2  }
0x83: {  	v8 =	vmul.u32 @p2 $0xFFFFFFFF, v8  }
0x84: {  	v11, _, _ =	vpop @p1 (xrf1)  }
0x85: {  	(xrf0) =	vmax.scan.msk.f32 $0xffff, v10;
	v8 =	vadd.s32 @p2 $0xF, v8;
	v10, _, _ =	vpop @p2 (xrf1)  }
0x86: {  	v8 =	vperm.xlane @p2 v10, v8  }
0x87: {  	v9 =	vpsel p1, v11, v9;
	s29 =	spop (v2sf)  }
0x88: {  	v8 =	vmax.f32 @p2 v9, v8;
	p1 =	sgt.f32 s29, $0.0e+00  }
0x89: {  	(xrf1) =	vsort.ascd.msk.f32 @p2 $0xffff, v8, v8  }
0x8a: {  	(xrf1) =	vsort.ascd.msk.f32 @p1 $0xffff, v7, v7  }
0x8b: {  	v7, _, _ =	vpop (xrf0)  }
0x8c: {  	(v2sf) =	vpush v7, $0xF;
	_ =	sdelay $0x7  }
0x8d: {  	vm15 =	vgt.f32 v5, v4;
	v7 =	vlaneseq.u32 @p1  }
0x8e: {  	v4 =	vmul.u32 @p1 $0xFFFFFFFF, v7;
	v7 =	vsel vm15, $0x3F800000, v0;
	_ =	sdelay $0x1  }
0x8f: {  	v8, _, _ =	vpop @p2 (xrf1)  }
0x90: {  	(xrf0) =	vmax.scan.msk.f32 $0xffff, v7;
	v4 =	vadd.s32 @p1 $0xF, v4;
	v7, _, _ =	vpop @p1 (xrf1)  }
0x91: {  	v4 =	vperm.xlane @p1 v7, v4  }
0x92: {  	v7 =	vpsel p2, v8, v9  }
0x93: {  	s30 =	spop (v2sf);
	v4 =	vmax.f32 @p1 v7, v4  }
0x94: {  	p2 =	sgt.f32 s30, $0.0e+00  }
0x95: {  	(xrf1) =	vsort.ascd.msk.f32 @p1 $0xffff, v4, v4  }
0x96: {  	(xrf1) =	vsort.ascd.msk.f32 @p2 $0xffff, v6, v6;
	v4, _, _ =	vpop (xrf0)  }
0x97: {  	(v2sf) =	vpush v4, $0xF;
	_ =	sdelay $0x9  }
0x98: {  	v4 =	vlaneseq.u32 @p2  }
0x99: {  	v4 =	vmul.u32 @p2 $0xFFFFFFFF, v4  }
0x9a: {  	v6, _, _ =	vpop @p1 (xrf1)  }
0x9b: {  	v4 =	vadd.s32 @p2 $0xF, v4;
	v8, _, _ =	vpop @p2 (xrf1)  }
0x9c: {  	v4 =	vperm.xlane @p2 v8, v4  }
0x9d: {  	v6 =	vpsel p1, v6, v7;
	s31 =	spop (v2sf)  }
0x9e: {  	v4 =	vmax.f32 @p2 v6, v4;
	p1 =	sgt.f32 s31, $0.0e+00  }
0x9f: {  	(xrf1) =	vsort.ascd.msk.f32 @p2 $0xffff, v4, v4  }
0xa0: {  	(xrf1) =	vsort.ascd.msk.f32 @p1 $0xffff, v5, v5;
	_ =	sdelay $0xa  }
0xa1: {  	v4 =	vlaneseq.u32 @p1  }
0xa2: {  	v4 =	vmul.u32 @p1 $0xFFFFFFFF, v4  }
0xa3: {  	v5, _, _ =	vpop @p2 (xrf1)  }
0xa4: {  	v4 =	vadd.s32 @p1 $0xF, v4;
	v7, _, _ =	vpop @p1 (xrf1)  }
0xa5: {  	v4 =	vperm.xlane @p1 v7, v4  }
0xa6: {  	v5 =	vpsel p2, v5, v6  }
0xa7: {  	v4 =	vmax.f32 @p1 v5, v4  }
0xa8: {  	(xrf1) =	vsort.ascd.msk.f32 @p1 $0xffff, v4, v4;
	_ =	sdelay $0xb  }
.Ltmp7:
0xa9: {  	_ = 	snop;
	(pc) =	sbr.rel .LBB2_5-.Ltmp7, $4  }
0xaa: {  	_ = 	snop  }
0xab: {  	v4, _, _ =	vpop @p1 (xrf1)  }
0xac: {  	v9 =	vpsel p1, v4, v5  }
0xad: {  	v4 =	vperm.xlane v9, v1  }
.LBB2_8:
0xae: {  	_ =	sfence.sel $0x180000  }
0xaf: {  	[bflag:$0x0] =	sbarrier.arrive $0xFFFF  }
0xb0: {  	p0 =	sne.s32 s1, $0x0;
	_ =	strace $0x90000047  }
0xb1: {  	s0 =	sadd.s32 @!p0 $0x100000, s0;
	[bflag:$0x2] =	sbarrier.arrive $0xFFFF  }
0xb2: {  	[sflag:s0] =	ssyncadd.tile.s32 @!p0 $0x1;
	_ =	shalt  }
.Lfunc_end2:
_tile_overlayer_lowered:
.L_overlay_start_2:
0xb3: {  	(tag) =	ssettag $0x2  }
0xb4: {  	s0 =	rddreg [dreg:$0x0];
	s2 =	stileid.u32  }
0xb5: {  	s1 =	rddreg [dreg:$0x1];
	p0 =	sne.s32 s2, $0x0  }
0xb6: {  	s3 =	rddreg [dreg:$0x2];
	[bflag:$0x3] =	sbarrier.arrive $0xFFFF;
	s2 =	simm.s32 @!p0 $0x1C01  }
0xb7: {  	[timem:s3], [sflag:s2] =	dma.local @!p0 [hbm:s0], s1  }
0xb8: {  	s0 =	simm.s32 @!p0 $0x1  }
0xb9: {  	_ =	swait.ge @!p0 [sflag:s0], s1  }
0xba: {  	s1 =	ssub.s32 @!p0 $0x0, s1;
	[sflag:s0] =	ssyncset.done @!p0 $0x0  }
0xbb: {  	[sflag:s0] =	ssyncadd.s32 @!p0 s1  }
0xbc: {  	[bflag:$0x3] =	sbarrier.arrive $0xFFFF  }
0xbd: {  	_ =	shalt  }

</sc_bundles>
